<compile_context>
chip_gen: v7x
topology: tpu7x:2x2x1
jax: 0.10.2.dev20260603
libtpu: 0.0.44.dev20260713+nightly
codegen_flags: <defaults>
</compile_context>

<pallas_src>
import functools

import jax
import jax.numpy as jnp
from jax import lax
from jax.experimental import pallas as pl
from jax.experimental.pallas import tpu as pltpu
from jax.experimental.pallas import tpu_sc as plsc

N_NODES = 10000
D = 128
HD = D // 2
N_EDGES = 320000

NC = 2
NS = 16
NW = NC * NS
WIN = 128
EROWS = N_EDGES // WIN

ABROWS = EROWS // NS
NBUF = 6
ASTAGE = 160

DSTAGE = 80

ZROWS_PT = N_NODES // NS
ROWS_PT = 624
ROWS_LAST = N_NODES - 15 * ROWS_PT
DEG_PAD = 10240
DEG_PT = DEG_PAD // NS

_mesh = plsc.VectorSubcoreMesh(core_axis_name="c", subcore_axis_name="s")
_sc_params = pltpu.CompilerParams(use_tc_tiling_on_sc=False)


def _shard(idx, nshards):
    brows = EROWS // nshards
    xtra = EROWS - brows * nshards
    base = brows * idx + jnp.minimum(idx, xtra)
    nrows = jnp.where(idx < xtra, brows + 1, brows)
    return base, nrows


def _stage_rows(src_hbm, dst_v, base, ngroups):
    iota16 = lax.iota(jnp.int32, 16)
    for k in range(ngroups):
        raw = base + k * 16 + iota16
        vec = jnp.where(raw < EROWS, raw, EROWS - 1)
        pltpu.sync_copy(src_hbm.at[vec], dst_v.at[pl.ds(k * 16, 16), :])


@functools.partial(
    pl.kernel,
    out_type=jax.ShapeDtypeStruct((NC, DEG_PAD), jnp.float32),
    mesh=_mesh,
    compiler_params=_sc_params,
    scratch_types=[
        pltpu.VMEM((DSTAGE, WIN), jnp.int32),
        pltpu.VMEM((WIN,), jnp.float32),
        pltpu.VMEM_SHARED((DEG_PAD,), jnp.float32),
        pltpu.VMEM((DEG_PT,), jnp.float32),
        pltpu.SemaphoreType.DMA,
    ],
)
def _deg_kernel(di_hbm, ones_hbm, z_hbm, deg_hbm, di_v, ones_v, deg_sh, z_v,
                dsem):
    cid = lax.axis_index("c")
    sid = lax.axis_index("s")
    wid = cid * NS + sid
    base, nrows = _shard(wid, NW)
    _stage_rows(di_hbm, di_v, base, DSTAGE // 16)
    pltpu.sync_copy(ones_hbm, ones_v)
    pltpu.sync_copy(z_hbm, z_v)
    pltpu.sync_copy(z_v, deg_sh.at[pl.ds(sid * DEG_PT, DEG_PT)])
    plsc.subcore_barrier()

    def body(w, carry):
        pltpu.async_copy(ones_v, deg_sh.at[di_v.at[w]], dsem, add=True)
        return carry

    lax.fori_loop(0, nrows, body, 0)

    def drain(w, carry):
        pltpu.make_async_copy(ones_v, deg_sh.at[di_v.at[w]], dsem).wait()
        return carry

    lax.fori_loop(0, nrows, drain, 0)
    plsc.subcore_barrier()

    @pl.when(sid == 0)
    def _():
        pltpu.sync_copy(deg_sh, deg_hbm.at[cid])


def _mm_scale_body(x_ref, w_ref, d0_ref, d1_ref, g0_ref, g1_ref, dinv_ref):
    h = jnp.dot(x_ref[...], w_ref[...], preferred_element_type=jnp.float32)
    deg = d0_ref[...] + d1_ref[...] + 1.0
    dinv = lax.rsqrt(deg)
    g = h * dinv
    g0_ref[...] = g[:, :HD]
    g1_ref[...] = g[:, HD:]
    dinv_ref[...] = dinv


@functools.partial(
    pl.kernel,
    out_type=jax.ShapeDtypeStruct((NC, N_NODES, HD), jnp.float32),
    mesh=_mesh,
    compiler_params=_sc_params,
    scratch_types=[
        pltpu.VMEM((ASTAGE, WIN), jnp.int32),
        pltpu.VMEM((ASTAGE, WIN), jnp.int32),
        pltpu.VMEM((NBUF, WIN, HD), jnp.float32),
        pltpu.VMEM_SHARED((N_NODES, HD), jnp.float32),
        [pltpu.SemaphoreType.DMA] * NBUF,
        [pltpu.SemaphoreType.DMA] * NBUF,
    ],
)
def _agg_kernel(g0_hbm, g1_hbm, si_hbm, di_hbm, agg_hbm,
                si_v, di_v, bufs, agg_sh, gsems, ssems):
    buf0 = bufs.at[0]
    cid = lax.axis_index("c")
    sid = lax.axis_index("s")
    base, nrows = _shard(sid, NS)
    _stage_rows(si_hbm, si_v, base, ASTAGE // 16)
    _stage_rows(di_hbm, di_v, base, ASTAGE // 16)

    zv = jnp.zeros((16,), jnp.float32)

    def zbody(r, carry):
        for k in range(HD // 16):
            buf0[r, pl.ds(16 * k, 16)] = zv
        return carry

    lax.fori_loop(0, WIN, zbody, 0)
    for off in range(0, ZROWS_PT, WIN):
        n = min(WIN, ZROWS_PT - off)
        pltpu.sync_copy(buf0.at[pl.ds(0, n), :],
                        agg_sh.at[pl.ds(sid * ZROWS_PT + off, n), :])
    plsc.subcore_barrier()

    def _sidx(s):
        return si_v.at[s]

    def _didx(s):
        return di_v.at[s]

    def _pipeline(g_hbm):
        for j in range(NBUF):
            pltpu.async_copy(g_hbm.at[_sidx(j)], bufs.at[j], gsems[j])

        def body(gidx, carry):
            s0 = NBUF * gidx
            for j in range(NBUF):
                pltpu.make_async_copy(g_hbm.at[_sidx(s0 + j)], bufs.at[j],
                                      gsems[j]).wait()
                pltpu.async_copy(bufs.at[j], agg_sh.at[_didx(s0 + j)],
                                 ssems[j], add=True)
            for j in range(NBUF):
                pltpu.make_async_copy(bufs.at[j], agg_sh.at[_didx(s0 + j)],
                                      ssems[j]).wait()

                @pl.when(s0 + NBUF + j < ABROWS)
                def _(j=j):
                    pltpu.async_copy(g_hbm.at[_sidx(s0 + NBUF + j)],
                                     bufs.at[j], gsems[j])

            return carry

        lax.fori_loop(0, ABROWS // NBUF, body, 0)

        @pl.when(nrows > ABROWS)
        def _():
            pltpu.sync_copy(g_hbm.at[si_v.at[ABROWS]], bufs.at[0])
            pltpu.sync_copy(bufs.at[0], agg_sh.at[di_v.at[ABROWS]], add=True)

    @pl.when(cid == 0)
    def _():
        _pipeline(g0_hbm)

    @pl.when(cid == 1)
    def _():
        _pipeline(g1_hbm)

    plsc.subcore_barrier()

    @pl.when(sid < NS - 1)
    def _():
        pltpu.sync_copy(agg_sh.at[pl.ds(sid * ROWS_PT, ROWS_PT), :],
                        agg_hbm.at[cid, pl.ds(sid * ROWS_PT, ROWS_PT), :])

    @pl.when(sid == NS - 1)
    def _():
        pltpu.sync_copy(agg_sh.at[pl.ds(sid * ROWS_PT, ROWS_LAST), :],
                        agg_hbm.at[cid, pl.ds(sid * ROWS_PT, ROWS_LAST), :])


def _finish_body(agg_ref, g0_ref, g1_ref, dinv_ref, b_ref, o_ref):
    acc = jnp.concatenate([agg_ref[0] + g0_ref[...], agg_ref[1] + g1_ref[...]],
                          axis=-1)
    o_ref[...] = jnp.maximum(dinv_ref[...] * acc + b_ref[...], 0.0)


def kernel(x, edge_index, W, b):
    ei = edge_index.astype(jnp.int32)
    si = ei[0].reshape(EROWS, WIN)
    di = ei[1].reshape(EROWS, WIN)
    ones_win = jnp.ones((WIN,), jnp.float32)
    z_deg = jnp.zeros((DEG_PT,), jnp.float32)

    deg = _deg_kernel(di, ones_win, z_deg)
    deg0 = deg[0, :N_NODES].reshape(N_NODES, 1)
    deg1 = deg[1, :N_NODES].reshape(N_NODES, 1)

    nb = 10
    blk = N_NODES // nb
    g0, g1, dinv = pl.pallas_call(
        _mm_scale_body,
        out_shape=(
            jax.ShapeDtypeStruct((N_NODES, HD), jnp.float32),
            jax.ShapeDtypeStruct((N_NODES, HD), jnp.float32),
            jax.ShapeDtypeStruct((N_NODES, 1), jnp.float32),
        ),
        grid=(nb,),
        in_specs=[
            pl.BlockSpec((blk, D), lambda i: (i, 0)),
            pl.BlockSpec((D, D), lambda i: (0, 0)),
            pl.BlockSpec((blk, 1), lambda i: (i, 0)),
            pl.BlockSpec((blk, 1), lambda i: (i, 0)),
        ],
        out_specs=(
            pl.BlockSpec((blk, HD), lambda i: (i, 0)),
            pl.BlockSpec((blk, HD), lambda i: (i, 0)),
            pl.BlockSpec((blk, 1), lambda i: (i, 0)),
        ),
    )(x, W, deg0, deg1)

    agg = _agg_kernel(g0, g1, si, di)

    out = pl.pallas_call(
        _finish_body,
        out_shape=jax.ShapeDtypeStruct((N_NODES, D), jnp.float32),
        grid=(nb,),
        in_specs=[
            pl.BlockSpec((NC, blk, HD), lambda i: (0, i, 0)),
            pl.BlockSpec((blk, HD), lambda i: (i, 0)),
            pl.BlockSpec((blk, HD), lambda i: (i, 0)),
            pl.BlockSpec((blk, 1), lambda i: (i, 0)),
            pl.BlockSpec((1, D), lambda i: (0, 0)),
        ],
        out_specs=pl.BlockSpec((blk, D), lambda i: (i, 0)),
    )(agg, g0, g1, dinv, b.reshape(1, D))
    return out

# --- scband reference (transcript-rebuilt; emitter-appended) ---
"""Pipeline reference for scband-crd-30288109371813 (READ-ONLY COPY).

The authoritative reference and input builder live on the scoring server;
editing this copy changes nothing except your own understanding.
"""

import jax, jax.numpy as jnp
import numpy as np

N_NODES = 10000
D_IN = 128
D_OUT = 128
N_EDGES = 320000

def setup_inputs(seed: int = 0) -> dict:
    key = jax.random.key(seed)
    k1, k2, k3 = jax.random.split(key, 3)
    x = jax.random.normal(k1, (N_NODES, D_IN), dtype=jnp.float32)
    edge_index = jax.random.randint(k2, (2, N_EDGES), 0, N_NODES, dtype=jnp.int64)
    # GCNConv weight: glorot init, shape [d_in, d_out]; bias zeros
    limit = float(np.sqrt(6.0 / (D_IN + D_OUT)))
    W = jax.random.uniform(k3, (D_IN, D_OUT), dtype=jnp.float32, minval=-limit, maxval=limit)
    b = jnp.zeros((D_OUT,), dtype=jnp.float32)
    return {"x": x, "edge_index": edge_index, "W": W, "b": b}

def reference(x, edge_index, W, b):
    N = x.shape[0]
    src = edge_index[0]
    dst = edge_index[1]
    # add self-loops (GCNConv normalize=True default)
    loop = jnp.arange(N, dtype=src.dtype)
    si = jnp.concatenate([src, loop])
    di = jnp.concatenate([dst, loop])
    ew = jnp.ones(si.shape[0], dtype=x.dtype)
    # symmetric normalization: deg computed over dst index
    deg = jnp.zeros((N,), dtype=x.dtype).at[di].add(ew)
    deg_inv_sqrt = jnp.where(deg > 0, jax.lax.rsqrt(jnp.maximum(deg, 1e-12)), 0.0)
    norm = deg_inv_sqrt[si] * ew * deg_inv_sqrt[di]
    # linear transform then gather-scatter aggregation
    h = x @ W
    msg = h[si] * norm[:, None]
    out = jnp.zeros((N, W.shape[1]), dtype=x.dtype).at[di].add(msg)
    out = out + b
    # F.relu; dropout is identity in eval mode
    return jax.nn.relu(out)

if __name__ == "__main__":
    import jax
    _d = setup_inputs()
    print(jax.jit(kernel)(*tuple(_d.values())))

</pallas_src>

<mosaic_0001>
#map = affine_map<(d0, d1) -> (0, 0)>
#map1 = affine_map<(d0, d1) -> (0)>
module attributes {stable_mosaic.version = 14 : i64} {
  func.func @_deg_kernel(%arg0: i32, %arg1: i32, %arg2: memref<2500x128xi32, #tpu.memory_space<hbm>>, %arg3: memref<128xf32, #tpu.memory_space<hbm>>, %arg4: memref<640xf32, #tpu.memory_space<hbm>>, %arg5: memref<2x10240xf32, #tpu.memory_space<hbm>>, %arg6: memref<80x128xi32, #tpu.memory_space<vmem>>, %arg7: memref<128xf32, #tpu.memory_space<vmem>>, %arg8: memref<10240xf32, #tpu.memory_space<vmem_shared>>, %arg9: memref<640xf32, #tpu.memory_space<vmem>>, %arg10: memref<!tpu.dma_semaphore, #tpu.memory_space<semaphore_mem>>) attributes {dimension_semantics = [#tpu.dimension_semantics<core_parallel>, #tpu.dimension_semantics<subcore_parallel>], iteration_bounds = array<i64: 2, 16>, scalar_prefetch = 0 : i64, scratch_operands = 5 : i64, tpu.core_type = #tpu.core_type<sc_vector_subcore>, window_params = [{transform_indices = #map}, {transform_indices = #map1}, {transform_indices = #map1}, {transform_indices = #map}]} {
    %mul3A = arith.constant 16 : i32
    %mul3A_0 = arith.muli %arg0, %mul3A : i32
    %add3A = arith.addi %mul3A_0, %arg1 : i32
    %mul3A_1 = arith.constant 78 : i32
    %mul3A_2 = arith.muli %mul3A_1, %add3A : i32
    %min3A = arith.constant 4 : i32
    %min3A_3 = arith.minsi %add3A, %min3A : i32
    %add3A_4 = arith.addi %mul3A_2, %min3A_3 : i32
    %lt3A = arith.constant 4 : i32
    %lt3A_5 = arith.cmpi slt, %add3A, %lt3A : i32
    %jit3A = arith.constant 79 : i32
    %jit3A_6 = arith.constant 78 : i32
    %select_n3A = arith.select %lt3A_5, %jit3A, %jit3A_6 : i32
    %iota3A = tpu.iota {dimensions = array<i32: 0>} : vector<16xi32>
    %add3A_7 = arith.constant 0 : i32
    %add3A_8 = arith.addi %add3A_4, %add3A_7 : i32
    %add3A_9 = vector.broadcast %add3A_8 : i32 to vector<16xi32>
    %add3A_10 = arith.addi %add3A_9, %iota3A : vector<16xi32>
    %lt3A_11 = arith.constant 2500 : i32
    %lt3A_12 = vector.broadcast %lt3A_11 : i32 to vector<16xi32>
    %lt3A_13 = arith.cmpi slt, %add3A_10, %lt3A_12 : vector<16xi32>
    %jit3A_14 = arith.constant 2499 : i32
    %broadcast_in_dim3A = vector.broadcast %jit3A_14 : i32 to vector<16xi32>
    %select_n3A_15 = arith.select %lt3A_13, %add3A_10, %broadcast_in_dim3A : vector<16xi1>, vector<16xi32>
    "tpu.region"() ({
      %run_scoped3A = tpu.sem_alloc : memref<!tpu.dma_semaphore, #tpu.memory_space<semaphore_mem>>
      %dma_start3A = arith.constant 0 : i32
      %dma_start3A_80 = arith.constant 0 : i32
      %dma_start3A_81 = tpu.memref_slice %arg6[%dma_start3A, %dma_start3A_80] : memref<80x128xi32, #tpu.memory_space<vmem>> -> memref<16x128xi32, #tpu.memory_space<vmem>>
      %dma_start3A_82 = arith.constant 0 : i32
      %dma_start3A_83 = arith.constant 0 : i32
      %dma_start3A_84 = tpu.memref_slice %arg2[%dma_start3A_82, %dma_start3A_83] : memref<2500x128xi32, #tpu.memory_space<hbm>> -> memref<2500x128xi32, #tpu.memory_space<hbm>>
      tpu.enqueue_indirect_dma source(%dma_start3A_84 : memref<2500x128xi32, #tpu.memory_space<hbm>>) target(%dma_start3A_81 : memref<16x128xi32, #tpu.memory_space<vmem>>) offsets(%select_n3A_15 : vector<16xi32>) semaphore(%run_scoped3A : memref<!tpu.dma_semaphore, #tpu.memory_space<semaphore_mem>>)
      %dma_wait3A = arith.constant 0 : i32
      %dma_wait3A_85 = arith.constant 0 : i32
      %dma_wait3A_86 = tpu.memref_slice %arg6[%dma_wait3A, %dma_wait3A_85] : memref<80x128xi32, #tpu.memory_space<vmem>> -> memref<16x128xi32, #tpu.memory_space<vmem>>
      %dma_wait3A_87 = arith.constant 0 : i32
      %dma_wait3A_88 = arith.constant 0 : i32
      %dma_wait3A_89 = tpu.memref_slice %arg2[%dma_wait3A_87, %dma_wait3A_88] : memref<2500x128xi32, #tpu.memory_space<hbm>> -> memref<2500x128xi32, #tpu.memory_space<hbm>>
      tpu.wait_indirect_dma semaphore(%run_scoped3A : memref<!tpu.dma_semaphore, #tpu.memory_space<semaphore_mem>>) src(%dma_wait3A_89 : memref<2500x128xi32, #tpu.memory_space<hbm>>) dst(%dma_wait3A_86 : memref<16x128xi32, #tpu.memory_space<vmem>>)
      tpu.yield
    }) : () -> ()
    %add3A_16 = arith.constant 16 : i32
    %add3A_17 = arith.addi %add3A_4, %add3A_16 : i32
    %add3A_18 = vector.broadcast %add3A_17 : i32 to vector<16xi32>
    %add3A_19 = arith.addi %add3A_18, %iota3A : vector<16xi32>
    %lt3A_20 = arith.constant 2500 : i32
    %lt3A_21 = vector.broadcast %lt3A_20 : i32 to vector<16xi32>
    %lt3A_22 = arith.cmpi slt, %add3A_19, %lt3A_21 : vector<16xi32>
    %jit3A_23 = arith.constant 2499 : i32
    %broadcast_in_dim3A_24 = vector.broadcast %jit3A_23 : i32 to vector<16xi32>
    %select_n3A_25 = arith.select %lt3A_22, %add3A_19, %broadcast_in_dim3A_24 : vector<16xi1>, vector<16xi32>
    "tpu.region"() ({
      %run_scoped3A = tpu.sem_alloc : memref<!tpu.dma_semaphore, #tpu.memory_space<semaphore_mem>>
      %dma_start3A = arith.constant 16 : i32
      %dma_start3A_80 = arith.constant 0 : i32
      %dma_start3A_81 = tpu.memref_slice %arg6[%dma_start3A, %dma_start3A_80] : memref<80x128xi32, #tpu.memory_space<vmem>> -> memref<16x128xi32, #tpu.memory_space<vmem>>
      %dma_start3A_82 = arith.constant 0 : i32
      %dma_start3A_83 = arith.constant 0 : i32
      %dma_start3A_84 = tpu.memref_slice %arg2[%dma_start3A_82, %dma_start3A_83] : memref<2500x128xi32, #tpu.memory_space<hbm>> -> memref<2500x128xi32, #tpu.memory_space<hbm>>
      tpu.enqueue_indirect_dma source(%dma_start3A_84 : memref<2500x128xi32, #tpu.memory_space<hbm>>) target(%dma_start3A_81 : memref<16x128xi32, #tpu.memory_space<vmem>>) offsets(%select_n3A_25 : vector<16xi32>) semaphore(%run_scoped3A : memref<!tpu.dma_semaphore, #tpu.memory_space<semaphore_mem>>)
      %dma_wait3A = arith.constant 16 : i32
      %dma_wait3A_85 = arith.constant 0 : i32
      %dma_wait3A_86 = tpu.memref_slice %arg6[%dma_wait3A, %dma_wait3A_85] : memref<80x128xi32, #tpu.memory_space<vmem>> -> memref<16x128xi32, #tpu.memory_space<vmem>>
      %dma_wait3A_87 = arith.constant 0 : i32
      %dma_wait3A_88 = arith.constant 0 : i32
      %dma_wait3A_89 = tpu.memref_slice %arg2[%dma_wait3A_87, %dma_wait3A_88] : memref<2500x128xi32, #tpu.memory_space<hbm>> -> memref<2500x128xi32, #tpu.memory_space<hbm>>
      tpu.wait_indirect_dma semaphore(%run_scoped3A : memref<!tpu.dma_semaphore, #tpu.memory_space<semaphore_mem>>) src(%dma_wait3A_89 : memref<2500x128xi32, #tpu.memory_space<hbm>>) dst(%dma_wait3A_86 : memref<16x128xi32, #tpu.memory_space<vmem>>)
      tpu.yield
    }) : () -> ()
    %add3A_26 = arith.constant 32 : i32
    %add3A_27 = arith.addi %add3A_4, %add3A_26 : i32
    %add3A_28 = vector.broadcast %add3A_27 : i32 to vector<16xi32>
    %add3A_29 = arith.addi %add3A_28, %iota3A : vector<16xi32>
    %lt3A_30 = arith.constant 2500 : i32
    %lt3A_31 = vector.broadcast %lt3A_30 : i32 to vector<16xi32>
    %lt3A_32 = arith.cmpi slt, %add3A_29, %lt3A_31 : vector<16xi32>
    %jit3A_33 = arith.constant 2499 : i32
    %broadcast_in_dim3A_34 = vector.broadcast %jit3A_33 : i32 to vector<16xi32>
    %select_n3A_35 = arith.select %lt3A_32, %add3A_29, %broadcast_in_dim3A_34 : vector<16xi1>, vector<16xi32>
    "tpu.region"() ({
      %run_scoped3A = tpu.sem_alloc : memref<!tpu.dma_semaphore, #tpu.memory_space<semaphore_mem>>
      %dma_start3A = arith.constant 32 : i32
      %dma_start3A_80 = arith.constant 0 : i32
      %dma_start3A_81 = tpu.memref_slice %arg6[%dma_start3A, %dma_start3A_80] : memref<80x128xi32, #tpu.memory_space<vmem>> -> memref<16x128xi32, #tpu.memory_space<vmem>>
      %dma_start3A_82 = arith.constant 0 : i32
      %dma_start3A_83 = arith.constant 0 : i32
      %dma_start3A_84 = tpu.memref_slice %arg2[%dma_start3A_82, %dma_start3A_83] : memref<2500x128xi32, #tpu.memory_space<hbm>> -> memref<2500x128xi32, #tpu.memory_space<hbm>>
      tpu.enqueue_indirect_dma source(%dma_start3A_84 : memref<2500x128xi32, #tpu.memory_space<hbm>>) target(%dma_start3A_81 : memref<16x128xi32, #tpu.memory_space<vmem>>) offsets(%select_n3A_35 : vector<16xi32>) semaphore(%run_scoped3A : memref<!tpu.dma_semaphore, #tpu.memory_space<semaphore_mem>>)
      %dma_wait3A = arith.constant 32 : i32
      %dma_wait3A_85 = arith.constant 0 : i32
      %dma_wait3A_86 = tpu.memref_slice %arg6[%dma_wait3A, %dma_wait3A_85] : memref<80x128xi32, #tpu.memory_space<vmem>> -> memref<16x128xi32, #tpu.memory_space<vmem>>
      %dma_wait3A_87 = arith.constant 0 : i32
      %dma_wait3A_88 = arith.constant 0 : i32
      %dma_wait3A_89 = tpu.memref_slice %arg2[%dma_wait3A_87, %dma_wait3A_88] : memref<2500x128xi32, #tpu.memory_space<hbm>> -> memref<2500x128xi32, #tpu.memory_space<hbm>>
      tpu.wait_indirect_dma semaphore(%run_scoped3A : memref<!tpu.dma_semaphore, #tpu.memory_space<semaphore_mem>>) src(%dma_wait3A_89 : memref<2500x128xi32, #tpu.memory_space<hbm>>) dst(%dma_wait3A_86 : memref<16x128xi32, #tpu.memory_space<vmem>>)
      tpu.yield
    }) : () -> ()
    %add3A_36 = arith.constant 48 : i32
    %add3A_37 = arith.addi %add3A_4, %add3A_36 : i32
    %add3A_38 = vector.broadcast %add3A_37 : i32 to vector<16xi32>
    %add3A_39 = arith.addi %add3A_38, %iota3A : vector<16xi32>
    %lt3A_40 = arith.constant 2500 : i32
    %lt3A_41 = vector.broadcast %lt3A_40 : i32 to vector<16xi32>
    %lt3A_42 = arith.cmpi slt, %add3A_39, %lt3A_41 : vector<16xi32>
    %jit3A_43 = arith.constant 2499 : i32
    %broadcast_in_dim3A_44 = vector.broadcast %jit3A_43 : i32 to vector<16xi32>
    %select_n3A_45 = arith.select %lt3A_42, %add3A_39, %broadcast_in_dim3A_44 : vector<16xi1>, vector<16xi32>
    "tpu.region"() ({
      %run_scoped3A = tpu.sem_alloc : memref<!tpu.dma_semaphore, #tpu.memory_space<semaphore_mem>>
      %dma_start3A = arith.constant 48 : i32
      %dma_start3A_80 = arith.constant 0 : i32
      %dma_start3A_81 = tpu.memref_slice %arg6[%dma_start3A, %dma_start3A_80] : memref<80x128xi32, #tpu.memory_space<vmem>> -> memref<16x128xi32, #tpu.memory_space<vmem>>
      %dma_start3A_82 = arith.constant 0 : i32
      %dma_start3A_83 = arith.constant 0 : i32
      %dma_start3A_84 = tpu.memref_slice %arg2[%dma_start3A_82, %dma_start3A_83] : memref<2500x128xi32, #tpu.memory_space<hbm>> -> memref<2500x128xi32, #tpu.memory_space<hbm>>
      tpu.enqueue_indirect_dma source(%dma_start3A_84 : memref<2500x128xi32, #tpu.memory_space<hbm>>) target(%dma_start3A_81 : memref<16x128xi32, #tpu.memory_space<vmem>>) offsets(%select_n3A_45 : vector<16xi32>) semaphore(%run_scoped3A : memref<!tpu.dma_semaphore, #tpu.memory_space<semaphore_mem>>)
      %dma_wait3A = arith.constant 48 : i32
      %dma_wait3A_85 = arith.constant 0 : i32
      %dma_wait3A_86 = tpu.memref_slice %arg6[%dma_wait3A, %dma_wait3A_85] : memref<80x128xi32, #tpu.memory_space<vmem>> -> memref<16x128xi32, #tpu.memory_space<vmem>>
      %dma_wait3A_87 = arith.constant 0 : i32
      %dma_wait3A_88 = arith.constant 0 : i32
      %dma_wait3A_89 = tpu.memref_slice %arg2[%dma_wait3A_87, %dma_wait3A_88] : memref<2500x128xi32, #tpu.memory_space<hbm>> -> memref<2500x128xi32, #tpu.memory_space<hbm>>
      tpu.wait_indirect_dma semaphore(%run_scoped3A : memref<!tpu.dma_semaphore, #tpu.memory_space<semaphore_mem>>) src(%dma_wait3A_89 : memref<2500x128xi32, #tpu.memory_space<hbm>>) dst(%dma_wait3A_86 : memref<16x128xi32, #tpu.memory_space<vmem>>)
      tpu.yield
    }) : () -> ()
    %add3A_46 = arith.constant 64 : i32
    %add3A_47 = arith.addi %add3A_4, %add3A_46 : i32
    %add3A_48 = vector.broadcast %add3A_47 : i32 to vector<16xi32>
    %add3A_49 = arith.addi %add3A_48, %iota3A : vector<16xi32>
    %lt3A_50 = arith.constant 2500 : i32
    %lt3A_51 = vector.broadcast %lt3A_50 : i32 to vector<16xi32>
    %lt3A_52 = arith.cmpi slt, %add3A_49, %lt3A_51 : vector<16xi32>
    %jit3A_53 = arith.constant 2499 : i32
    %broadcast_in_dim3A_54 = vector.broadcast %jit3A_53 : i32 to vector<16xi32>
    %select_n3A_55 = arith.select %lt3A_52, %add3A_49, %broadcast_in_dim3A_54 : vector<16xi1>, vector<16xi32>
    "tpu.region"() ({
      %run_scoped3A = tpu.sem_alloc : memref<!tpu.dma_semaphore, #tpu.memory_space<semaphore_mem>>
      %dma_start3A = arith.constant 64 : i32
      %dma_start3A_80 = arith.constant 0 : i32
      %dma_start3A_81 = tpu.memref_slice %arg6[%dma_start3A, %dma_start3A_80] : memref<80x128xi32, #tpu.memory_space<vmem>> -> memref<16x128xi32, #tpu.memory_space<vmem>>
      %dma_start3A_82 = arith.constant 0 : i32
      %dma_start3A_83 = arith.constant 0 : i32
      %dma_start3A_84 = tpu.memref_slice %arg2[%dma_start3A_82, %dma_start3A_83] : memref<2500x128xi32, #tpu.memory_space<hbm>> -> memref<2500x128xi32, #tpu.memory_space<hbm>>
      tpu.enqueue_indirect_dma source(%dma_start3A_84 : memref<2500x128xi32, #tpu.memory_space<hbm>>) target(%dma_start3A_81 : memref<16x128xi32, #tpu.memory_space<vmem>>) offsets(%select_n3A_55 : vector<16xi32>) semaphore(%run_scoped3A : memref<!tpu.dma_semaphore, #tpu.memory_space<semaphore_mem>>)
      %dma_wait3A = arith.constant 64 : i32
      %dma_wait3A_85 = arith.constant 0 : i32
      %dma_wait3A_86 = tpu.memref_slice %arg6[%dma_wait3A, %dma_wait3A_85] : memref<80x128xi32, #tpu.memory_space<vmem>> -> memref<16x128xi32, #tpu.memory_space<vmem>>
      %dma_wait3A_87 = arith.constant 0 : i32
      %dma_wait3A_88 = arith.constant 0 : i32
      %dma_wait3A_89 = tpu.memref_slice %arg2[%dma_wait3A_87, %dma_wait3A_88] : memref<2500x128xi32, #tpu.memory_space<hbm>> -> memref<2500x128xi32, #tpu.memory_space<hbm>>
      tpu.wait_indirect_dma semaphore(%run_scoped3A : memref<!tpu.dma_semaphore, #tpu.memory_space<semaphore_mem>>) src(%dma_wait3A_89 : memref<2500x128xi32, #tpu.memory_space<hbm>>) dst(%dma_wait3A_86 : memref<16x128xi32, #tpu.memory_space<vmem>>)
      tpu.yield
    }) : () -> ()
    "tpu.region"() ({
      %run_scoped3A = tpu.sem_alloc : memref<!tpu.dma_semaphore, #tpu.memory_space<semaphore_mem>>
      tpu.enqueue_dma source(%arg3 : memref<128xf32, #tpu.memory_space<hbm>>) target(%arg7 : memref<128xf32, #tpu.memory_space<vmem>>) target_semaphore(%run_scoped3A : memref<!tpu.dma_semaphore, #tpu.memory_space<semaphore_mem>>)
      tpu.wait_dma2 semaphore(%run_scoped3A : memref<!tpu.dma_semaphore, #tpu.memory_space<semaphore_mem>>) src(%arg3 : memref<128xf32, #tpu.memory_space<hbm>>) dst(%arg7 : memref<128xf32, #tpu.memory_space<vmem>>)
      tpu.yield
    }) : () -> ()
    "tpu.region"() ({
      %run_scoped3A = tpu.sem_alloc : memref<!tpu.dma_semaphore, #tpu.memory_space<semaphore_mem>>
      tpu.enqueue_dma source(%arg4 : memref<640xf32, #tpu.memory_space<hbm>>) target(%arg9 : memref<640xf32, #tpu.memory_space<vmem>>) target_semaphore(%run_scoped3A : memref<!tpu.dma_semaphore, #tpu.memory_space<semaphore_mem>>)
      tpu.wait_dma2 semaphore(%run_scoped3A : memref<!tpu.dma_semaphore, #tpu.memory_space<semaphore_mem>>) src(%arg4 : memref<640xf32, #tpu.memory_space<hbm>>) dst(%arg9 : memref<640xf32, #tpu.memory_space<vmem>>)
      tpu.yield
    }) : () -> ()
    %mul3A_56 = arith.constant 640 : i32
    %mul3A_57 = arith.muli %arg1, %mul3A_56 : i32
    "tpu.region"() ({
      %run_scoped3A = tpu.sem_alloc : memref<!tpu.dma_semaphore, #tpu.memory_space<semaphore_mem>>
      %dma_start3A = tpu.memref_slice %arg8[%mul3A_57] : memref<10240xf32, #tpu.memory_space<vmem_shared>> -> memref<640xf32, #tpu.memory_space<vmem_shared>>
      %dma_start3A_80 = tpu.memref_slice %arg8[%mul3A_57] : memref<10240xf32, #tpu.memory_space<vmem_shared>> -> memref<640xf32, #tpu.memory_space<vmem_shared>>
      tpu.enqueue_dma source(%arg9 : memref<640xf32, #tpu.memory_space<vmem>>) target(%dma_start3A_80 : memref<640xf32, #tpu.memory_space<vmem_shared>>) target_semaphore(%run_scoped3A : memref<!tpu.dma_semaphore, #tpu.memory_space<semaphore_mem>>)
      %dma_wait3A = tpu.memref_slice %arg8[%mul3A_57] : memref<10240xf32, #tpu.memory_space<vmem_shared>> -> memref<640xf32, #tpu.memory_space<vmem_shared>>
      %dma_wait3A_81 = tpu.memref_slice %arg8[%mul3A_57] : memref<10240xf32, #tpu.memory_space<vmem_shared>> -> memref<640xf32, #tpu.memory_space<vmem_shared>>
      tpu.wait_dma2 semaphore(%run_scoped3A : memref<!tpu.dma_semaphore, #tpu.memory_space<semaphore_mem>>) src(%arg9 : memref<640xf32, #tpu.memory_space<vmem>>) dst(%dma_wait3A_81 : memref<640xf32, #tpu.memory_space<vmem_shared>>)
      tpu.yield
    }) : () -> ()
    %barrier3A = arith.constant 0 : index
    tpu.barrier barrier_id(%barrier3A)
    %while3A = arith.constant 0 : i32
    %while3A_58 = arith.constant 0 : i32
    %while3A_59 = arith.subi %select_n3A, %while3A_58 : i32
    %while3A_60 = arith.addi %while3A_58, %while3A_59 : i32
    %while3A_61 = arith.constant 1 : i32
    %while3A_62 = arith.divsi %while3A_59, %while3A_61 : i32
    %while3A_63 = arith.muli %while3A_62, %while3A_61 : i32
    %while3A_64 = arith.addi %while3A_58, %while3A_63 : i32
    %while3A_65 = arith.constant 1 : i32
    scf.for %while3A_80 = %while3A_58 to %while3A_64 step %while3A_65  : i32 {
      %dma_start3A = arith.constant 0 : i32
      %dma_start3A_81 = tpu.memref_slice %arg6[%while3A_80, %dma_start3A] : memref<80x128xi32, #tpu.memory_space<vmem>> -> memref<1x128xi32, #tpu.memory_space<vmem>>
      %dma_start3A_82 = tpu.memref_squeeze %dma_start3A_81 : memref<1x128xi32, #tpu.memory_space<vmem>> -> memref<128xi32, #tpu.memory_space<vmem>>
      %dma_start3A_83 = arith.constant 0 : i32
      %dma_start3A_84 = tpu.memref_slice %arg8[%dma_start3A_83] : memref<10240xf32, #tpu.memory_space<vmem_shared>> -> memref<10240xf32, #tpu.memory_space<vmem_shared>>
      tpu.enqueue_indirect_dma source(%arg7 : memref<128xf32, #tpu.memory_space<vmem>>) target(%dma_start3A_84 : memref<10240xf32, #tpu.memory_space<vmem_shared>>) offsets(%dma_start3A_82 : memref<128xi32, #tpu.memory_space<vmem>>) semaphore(%arg10 : memref<!tpu.dma_semaphore, #tpu.memory_space<semaphore_mem>>) {add = true}
    }
    %while3A_66 = arith.constant 1 : i32
    scf.for %while3A_80 = %while3A_64 to %while3A_60 step %while3A_66  : i32 {
      %dma_start3A = arith.constant 0 : i32
      %dma_start3A_81 = tpu.memref_slice %arg6[%while3A_80, %dma_start3A] : memref<80x128xi32, #tpu.memory_space<vmem>> -> memref<1x128xi32, #tpu.memory_space<vmem>>
      %dma_start3A_82 = tpu.memref_squeeze %dma_start3A_81 : memref<1x128xi32, #tpu.memory_space<vmem>> -> memref<128xi32, #tpu.memory_space<vmem>>
      %dma_start3A_83 = arith.constant 0 : i32
      %dma_start3A_84 = tpu.memref_slice %arg8[%dma_start3A_83] : memref<10240xf32, #tpu.memory_space<vmem_shared>> -> memref<10240xf32, #tpu.memory_space<vmem_shared>>
      tpu.enqueue_indirect_dma source(%arg7 : memref<128xf32, #tpu.memory_space<vmem>>) target(%dma_start3A_84 : memref<10240xf32, #tpu.memory_space<vmem_shared>>) offsets(%dma_start3A_82 : memref<128xi32, #tpu.memory_space<vmem>>) semaphore(%arg10 : memref<!tpu.dma_semaphore, #tpu.memory_space<semaphore_mem>>) {add = true}
    }
    %while3A_67 = arith.constant 0 : i32
    %while3A_68 = arith.constant 0 : i32
    %while3A_69 = arith.subi %select_n3A, %while3A_68 : i32
    %while3A_70 = arith.addi %while3A_68, %while3A_69 : i32
    %while3A_71 = arith.constant 1 : i32
    %while3A_72 = arith.divsi %while3A_69, %while3A_71 : i32
    %while3A_73 = arith.muli %while3A_72, %while3A_71 : i32
    %while3A_74 = arith.addi %while3A_68, %while3A_73 : i32
    %while3A_75 = arith.constant 1 : i32
    scf.for %while3A_80 = %while3A_68 to %while3A_74 step %while3A_75  : i32 {
      %dma_wait3A = arith.constant 0 : i32
      %dma_wait3A_81 = tpu.memref_slice %arg6[%while3A_80, %dma_wait3A] : memref<80x128xi32, #tpu.memory_space<vmem>> -> memref<1x128xi32, #tpu.memory_space<vmem>>
      %dma_wait3A_82 = tpu.memref_squeeze %dma_wait3A_81 : memref<1x128xi32, #tpu.memory_space<vmem>> -> memref<128xi32, #tpu.memory_space<vmem>>
      %dma_wait3A_83 = arith.constant 0 : i32
      %dma_wait3A_84 = tpu.memref_slice %arg8[%dma_wait3A_83] : memref<10240xf32, #tpu.memory_space<vmem_shared>> -> memref<10240xf32, #tpu.memory_space<vmem_shared>>
      tpu.wait_indirect_dma semaphore(%arg10 : memref<!tpu.dma_semaphore, #tpu.memory_space<semaphore_mem>>) src(%arg7 : memref<128xf32, #tpu.memory_space<vmem>>) dst(%dma_wait3A_84 : memref<10240xf32, #tpu.memory_space<vmem_shared>>)
    }
    %while3A_76 = arith.constant 1 : i32
    scf.for %while3A_80 = %while3A_74 to %while3A_70 step %while3A_76  : i32 {
      %dma_wait3A = arith.constant 0 : i32
      %dma_wait3A_81 = tpu.memref_slice %arg6[%while3A_80, %dma_wait3A] : memref<80x128xi32, #tpu.memory_space<vmem>> -> memref<1x128xi32, #tpu.memory_space<vmem>>
      %dma_wait3A_82 = tpu.memref_squeeze %dma_wait3A_81 : memref<1x128xi32, #tpu.memory_space<vmem>> -> memref<128xi32, #tpu.memory_space<vmem>>
      %dma_wait3A_83 = arith.constant 0 : i32
      %dma_wait3A_84 = tpu.memref_slice %arg8[%dma_wait3A_83] : memref<10240xf32, #tpu.memory_space<vmem_shared>> -> memref<10240xf32, #tpu.memory_space<vmem_shared>>
      tpu.wait_indirect_dma semaphore(%arg10 : memref<!tpu.dma_semaphore, #tpu.memory_space<semaphore_mem>>) src(%arg7 : memref<128xf32, #tpu.memory_space<vmem>>) dst(%dma_wait3A_84 : memref<10240xf32, #tpu.memory_space<vmem_shared>>)
    }
    %barrier3A_77 = arith.constant 0 : index
    tpu.barrier barrier_id(%barrier3A_77)
    %eq3A = arith.constant 0 : i32
    %eq3A_78 = arith.cmpi eq, %arg1, %eq3A : i32
    %convert_element_type3A = arith.extui %eq3A_78 : i1 to i32
    %cond3A = arith.constant 0 : i32
    %cond3A_79 = arith.cmpi ne, %convert_element_type3A, %cond3A : i32
    scf.if %cond3A_79 {
      "tpu.region"() ({
        %run_scoped3A = tpu.sem_alloc : memref<!tpu.dma_semaphore, #tpu.memory_space<semaphore_mem>>
        %dma_start3A = arith.constant 0 : i32
        %dma_start3A_80 = tpu.memref_slice %arg5[%arg0, %dma_start3A] : memref<2x10240xf32, #tpu.memory_space<hbm>> -> memref<1x10240xf32, #tpu.memory_space<hbm>>
        %dma_start3A_81 = tpu.memref_squeeze %dma_start3A_80 : memref<1x10240xf32, #tpu.memory_space<hbm>> -> memref<10240xf32, #tpu.memory_space<hbm>>
        tpu.enqueue_dma source(%arg8 : memref<10240xf32, #tpu.memory_space<vmem_shared>>) target(%dma_start3A_81 : memref<10240xf32, #tpu.memory_space<hbm>>) target_semaphore(%run_scoped3A : memref<!tpu.dma_semaphore, #tpu.memory_space<semaphore_mem>>)
        %dma_wait3A = arith.constant 0 : i32
        %dma_wait3A_82 = tpu.memref_slice %arg5[%arg0, %dma_wait3A] : memref<2x10240xf32, #tpu.memory_space<hbm>> -> memref<1x10240xf32, #tpu.memory_space<hbm>>
        %dma_wait3A_83 = tpu.memref_squeeze %dma_wait3A_82 : memref<1x10240xf32, #tpu.memory_space<hbm>> -> memref<10240xf32, #tpu.memory_space<hbm>>
        tpu.wait_dma2 semaphore(%run_scoped3A : memref<!tpu.dma_semaphore, #tpu.memory_space<semaphore_mem>>) src(%arg8 : memref<10240xf32, #tpu.memory_space<vmem_shared>>) dst(%dma_wait3A_83 : memref<10240xf32, #tpu.memory_space<hbm>>)
        tpu.yield
      }) : () -> ()
    } else {
    }
    return
  }
}

#map = affine_map<(d0, d1) -> (0, 0)>
#map1 = affine_map<(d0, d1) -> (0, 0, 0)>
module attributes {stable_mosaic.version = 14 : i64} {
  func.func @_agg_kernel(%arg0: i32, %arg1: i32, %arg2: memref<10000x64xf32, #tpu.memory_space<hbm>>, %arg3: memref<10000x64xf32, #tpu.memory_space<hbm>>, %arg4: memref<2500x128xi32, #tpu.memory_space<hbm>>, %arg5: memref<2500x128xi32, #tpu.memory_space<hbm>>, %arg6: memref<2x10000x64xf32, #tpu.memory_space<hbm>>, %arg7: memref<160x128xi32, #tpu.memory_space<vmem>>, %arg8: memref<160x128xi32, #tpu.memory_space<vmem>>, %arg9: memref<6x128x64xf32, #tpu.memory_space<vmem>>, %arg10: memref<10000x64xf32, #tpu.memory_space<vmem_shared>>, %arg11: memref<!tpu.dma_semaphore, #tpu.memory_space<semaphore_mem>>, %arg12: memref<!tpu.dma_semaphore, #tpu.memory_space<semaphore_mem>>, %arg13: memref<!tpu.dma_semaphore, #tpu.memory_space<semaphore_mem>>, %arg14: memref<!tpu.dma_semaphore, #tpu.memory_space<semaphore_mem>>, %arg15: memref<!tpu.dma_semaphore, #tpu.memory_space<semaphore_mem>>, %arg16: memref<!tpu.dma_semaphore, #tpu.memory_space<semaphore_mem>>, %arg17: memref<!tpu.dma_semaphore, #tpu.memory_space<semaphore_mem>>, %arg18: memref<!tpu.dma_semaphore, #tpu.memory_space<semaphore_mem>>, %arg19: memref<!tpu.dma_semaphore, #tpu.memory_space<semaphore_mem>>, %arg20: memref<!tpu.dma_semaphore, #tpu.memory_space<semaphore_mem>>, %arg21: memref<!tpu.dma_semaphore, #tpu.memory_space<semaphore_mem>>, %arg22: memref<!tpu.dma_semaphore, #tpu.memory_space<semaphore_mem>>) attributes {dimension_semantics = [#tpu.dimension_semantics<core_parallel>, #tpu.dimension_semantics<subcore_parallel>], iteration_bounds = array<i64: 2, 16>, scalar_prefetch = 0 : i64, scratch_operands = 16 : i64, tpu.core_type = #tpu.core_type<sc_vector_subcore>, window_params = [{transform_indices = #map}, {transform_indices = #map}, {transform_indices = #map}, {transform_indices = #map}, {transform_indices = #map1}]} {
    %mul3A = arith.constant 156 : i32
    %mul3A_0 = arith.muli %mul3A, %arg1 : i32
    %min3A = arith.constant 4 : i32
    %min3A_1 = arith.minsi %arg1, %min3A : i32
    %add3A = arith.addi %mul3A_0, %min3A_1 : i32
    %lt3A = arith.constant 4 : i32
    %lt3A_2 = arith.cmpi slt, %arg1, %lt3A : i32
    %jit3A = arith.constant 157 : i32
    %jit3A_3 = arith.constant 156 : i32
    %select_n3A = arith.select %lt3A_2, %jit3A, %jit3A_3 : i32
    %iota3A = tpu.iota {dimensions = array<i32: 0>} : vector<16xi32>
    %add3A_4 = arith.constant 0 : i32
    %add3A_5 = arith.addi %add3A, %add3A_4 : i32
    %add3A_6 = vector.broadcast %add3A_5 : i32 to vector<16xi32>
    %add3A_7 = arith.addi %add3A_6, %iota3A : vector<16xi32>
    %lt3A_8 = arith.constant 2500 : i32
    %lt3A_9 = vector.broadcast %lt3A_8 : i32 to vector<16xi32>
    %lt3A_10 = arith.cmpi slt, %add3A_7, %lt3A_9 : vector<16xi32>
    %jit3A_11 = arith.constant 2499 : i32
    %broadcast_in_dim3A = vector.broadcast %jit3A_11 : i32 to vector<16xi32>
    %select_n3A_12 = arith.select %lt3A_10, %add3A_7, %broadcast_in_dim3A : vector<16xi1>, vector<16xi32>
    "tpu.region"() ({
      %run_scoped3A_254 = tpu.sem_alloc : memref<!tpu.dma_semaphore, #tpu.memory_space<semaphore_mem>>
      %dma_start3A = arith.constant 0 : i32
      %dma_start3A_255 = arith.constant 0 : i32
      %dma_start3A_256 = tpu.memref_slice %arg7[%dma_start3A, %dma_start3A_255] : memref<160x128xi32, #tpu.memory_space<vmem>> -> memref<16x128xi32, #tpu.memory_space<vmem>>
      %dma_start3A_257 = arith.constant 0 : i32
      %dma_start3A_258 = arith.constant 0 : i32
      %dma_start3A_259 = tpu.memref_slice %arg4[%dma_start3A_257, %dma_start3A_258] : memref<2500x128xi32, #tpu.memory_space<hbm>> -> memref<2500x128xi32, #tpu.memory_space<hbm>>
      tpu.enqueue_indirect_dma source(%dma_start3A_259 : memref<2500x128xi32, #tpu.memory_space<hbm>>) target(%dma_start3A_256 : memref<16x128xi32, #tpu.memory_space<vmem>>) offsets(%select_n3A_12 : vector<16xi32>) semaphore(%run_scoped3A_254 : memref<!tpu.dma_semaphore, #tpu.memory_space<semaphore_mem>>)
      %dma_wait3A = arith.constant 0 : i32
      %dma_wait3A_260 = arith.constant 0 : i32
      %dma_wait3A_261 = tpu.memref_slice %arg7[%dma_wait3A, %dma_wait3A_260] : memref<160x128xi32, #tpu.memory_space<vmem>> -> memref<16x128xi32, #tpu.memory_space<vmem>>
      %dma_wait3A_262 = arith.constant 0 : i32
      %dma_wait3A_263 = arith.constant 0 : i32
      %dma_wait3A_264 = tpu.memref_slice %arg4[%dma_wait3A_262, %dma_wait3A_263] : memref<2500x128xi32, #tpu.memory_space<hbm>> -> memref<2500x128xi32, #tpu.memory_space<hbm>>
      tpu.wait_indirect_dma semaphore(%run_scoped3A_254 : memref<!tpu.dma_semaphore, #tpu.memory_space<semaphore_mem>>) src(%dma_wait3A_264 : memref<2500x128xi32, #tpu.memory_space<hbm>>) dst(%dma_wait3A_261 : memref<16x128xi32, #tpu.memory_space<vmem>>)
      tpu.yield
    }) : () -> ()
    %add3A_13 = arith.constant 16 : i32
    %add3A_14 = arith.addi %add3A, %add3A_13 : i32
    %add3A_15 = vector.broadcast %add3A_14 : i32 to vector<16xi32>
    %add3A_16 = arith.addi %add3A_15, %iota3A : vector<16xi32>
    %lt3A_17 = arith.constant 2500 : i32
    %lt3A_18 = vector.broadcast %lt3A_17 : i32 to vector<16xi32>
    %lt3A_19 = arith.cmpi slt, %add3A_16, %lt3A_18 : vector<16xi32>
    %jit3A_20 = arith.constant 2499 : i32
    %broadcast_in_dim3A_21 = vector.broadcast %jit3A_20 : i32 to vector<16xi32>
    %select_n3A_22 = arith.select %lt3A_19, %add3A_16, %broadcast_in_dim3A_21 : vector<16xi1>, vector<16xi32>
    "tpu.region"() ({
      %run_scoped3A_254 = tpu.sem_alloc : memref<!tpu.dma_semaphore, #tpu.memory_space<semaphore_mem>>
      %dma_start3A = arith.constant 16 : i32
      %dma_start3A_255 = arith.constant 0 : i32
      %dma_start3A_256 = tpu.memref_slice %arg7[%dma_start3A, %dma_start3A_255] : memref<160x128xi32, #tpu.memory_space<vmem>> -> memref<16x128xi32, #tpu.memory_space<vmem>>
      %dma_start3A_257 = arith.constant 0 : i32
      %dma_start3A_258 = arith.constant 0 : i32
      %dma_start3A_259 = tpu.memref_slice %arg4[%dma_start3A_257, %dma_start3A_258] : memref<2500x128xi32, #tpu.memory_space<hbm>> -> memref<2500x128xi32, #tpu.memory_space<hbm>>
      tpu.enqueue_indirect_dma source(%dma_start3A_259 : memref<2500x128xi32, #tpu.memory_space<hbm>>) target(%dma_start3A_256 : memref<16x128xi32, #tpu.memory_space<vmem>>) offsets(%select_n3A_22 : vector<16xi32>) semaphore(%run_scoped3A_254 : memref<!tpu.dma_semaphore, #tpu.memory_space<semaphore_mem>>)
      %dma_wait3A = arith.constant 16 : i32
      %dma_wait3A_260 = arith.constant 0 : i32
      %dma_wait3A_261 = tpu.memref_slice %arg7[%dma_wait3A, %dma_wait3A_260] : memref<160x128xi32, #tpu.memory_space<vmem>> -> memref<16x128xi32, #tpu.memory_space<vmem>>
      %dma_wait3A_262 = arith.constant 0 : i32
      %dma_wait3A_263 = arith.constant 0 : i32
      %dma_wait3A_264 = tpu.memref_slice %arg4[%dma_wait3A_262, %dma_wait3A_263] : memref<2500x128xi32, #tpu.memory_space<hbm>> -> memref<2500x128xi32, #tpu.memory_space<hbm>>
      tpu.wait_indirect_dma semaphore(%run_scoped3A_254 : memref<!tpu.dma_semaphore, #tpu.memory_space<semaphore_mem>>) src(%dma_wait3A_264 : memref<2500x128xi32, #tpu.memory_space<hbm>>) dst(%dma_wait3A_261 : memref<16x128xi32, #tpu.memory_space<vmem>>)
      tpu.yield
    }) : () -> ()
    %add3A_23 = arith.constant 32 : i32
    %add3A_24 = arith.addi %add3A, %add3A_23 : i32
    %add3A_25 = vector.broadcast %add3A_24 : i32 to vector<16xi32>
    %add3A_26 = arith.addi %add3A_25, %iota3A : vector<16xi32>
    %lt3A_27 = arith.constant 2500 : i32
    %lt3A_28 = vector.broadcast %lt3A_27 : i32 to vector<16xi32>
    %lt3A_29 = arith.cmpi slt, %add3A_26, %lt3A_28 : vector<16xi32>
    %jit3A_30 = arith.constant 2499 : i32
    %broadcast_in_dim3A_31 = vector.broadcast %jit3A_30 : i32 to vector<16xi32>
    %select_n3A_32 = arith.select %lt3A_29, %add3A_26, %broadcast_in_dim3A_31 : vector<16xi1>, vector<16xi32>
    "tpu.region"() ({
      %run_scoped3A_254 = tpu.sem_alloc : memref<!tpu.dma_semaphore, #tpu.memory_space<semaphore_mem>>
      %dma_start3A = arith.constant 32 : i32
      %dma_start3A_255 = arith.constant 0 : i32
      %dma_start3A_256 = tpu.memref_slice %arg7[%dma_start3A, %dma_start3A_255] : memref<160x128xi32, #tpu.memory_space<vmem>> -> memref<16x128xi32, #tpu.memory_space<vmem>>
      %dma_start3A_257 = arith.constant 0 : i32
      %dma_start3A_258 = arith.constant 0 : i32
      %dma_start3A_259 = tpu.memref_slice %arg4[%dma_start3A_257, %dma_start3A_258] : memref<2500x128xi32, #tpu.memory_space<hbm>> -> memref<2500x128xi32, #tpu.memory_space<hbm>>
      tpu.enqueue_indirect_dma source(%dma_start3A_259 : memref<2500x128xi32, #tpu.memory_space<hbm>>) target(%dma_start3A_256 : memref<16x128xi32, #tpu.memory_space<vmem>>) offsets(%select_n3A_32 : vector<16xi32>) semaphore(%run_scoped3A_254 : memref<!tpu.dma_semaphore, #tpu.memory_space<semaphore_mem>>)
      %dma_wait3A = arith.constant 32 : i32
      %dma_wait3A_260 = arith.constant 0 : i32
      %dma_wait3A_261 = tpu.memref_slice %arg7[%dma_wait3A, %dma_wait3A_260] : memref<160x128xi32, #tpu.memory_space<vmem>> -> memref<16x128xi32, #tpu.memory_space<vmem>>
      %dma_wait3A_262 = arith.constant 0 : i32
      %dma_wait3A_263 = arith.constant 0 : i32
      %dma_wait3A_264 = tpu.memref_slice %arg4[%dma_wait3A_262, %dma_wait3A_263] : memref<2500x128xi32, #tpu.memory_space<hbm>> -> memref<2500x128xi32, #tpu.memory_space<hbm>>
      tpu.wait_indirect_dma semaphore(%run_scoped3A_254 : memref<!tpu.dma_semaphore, #tpu.memory_space<semaphore_mem>>) src(%dma_wait3A_264 : memref<2500x128xi32, #tpu.memory_space<hbm>>) dst(%dma_wait3A_261 : memref<16x128xi32, #tpu.memory_space<vmem>>)
      tpu.yield
    }) : () -> ()
    %add3A_33 = arith.constant 48 : i32
    %add3A_34 = arith.addi %add3A, %add3A_33 : i32
    %add3A_35 = vector.broadcast %add3A_34 : i32 to vector<16xi32>
    %add3A_36 = arith.addi %add3A_35, %iota3A : vector<16xi32>
    %lt3A_37 = arith.constant 2500 : i32
    %lt3A_38 = vector.broadcast %lt3A_37 : i32 to vector<16xi32>
    %lt3A_39 = arith.cmpi slt, %add3A_36, %lt3A_38 : vector<16xi32>
    %jit3A_40 = arith.constant 2499 : i32
    %broadcast_in_dim3A_41 = vector.broadcast %jit3A_40 : i32 to vector<16xi32>
    %select_n3A_42 = arith.select %lt3A_39, %add3A_36, %broadcast_in_dim3A_41 : vector<16xi1>, vector<16xi32>
    "tpu.region"() ({
      %run_scoped3A_254 = tpu.sem_alloc : memref<!tpu.dma_semaphore, #tpu.memory_space<semaphore_mem>>
      %dma_start3A = arith.constant 48 : i32
      %dma_start3A_255 = arith.constant 0 : i32
      %dma_start3A_256 = tpu.memref_slice %arg7[%dma_start3A, %dma_start3A_255] : memref<160x128xi32, #tpu.memory_space<vmem>> -> memref<16x128xi32, #tpu.memory_space<vmem>>
      %dma_start3A_257 = arith.constant 0 : i32
      %dma_start3A_258 = arith.constant 0 : i32
      %dma_start3A_259 = tpu.memref_slice %arg4[%dma_start3A_257, %dma_start3A_258] : memref<2500x128xi32, #tpu.memory_space<hbm>> -> memref<2500x128xi32, #tpu.memory_space<hbm>>
      tpu.enqueue_indirect_dma source(%dma_start3A_259 : memref<2500x128xi32, #tpu.memory_space<hbm>>) target(%dma_start3A_256 : memref<16x128xi32, #tpu.memory_space<vmem>>) offsets(%select_n3A_42 : vector<16xi32>) semaphore(%run_scoped3A_254 : memref<!tpu.dma_semaphore, #tpu.memory_space<semaphore_mem>>)
      %dma_wait3A = arith.constant 48 : i32
      %dma_wait3A_260 = arith.constant 0 : i32
      %dma_wait3A_261 = tpu.memref_slice %arg7[%dma_wait3A, %dma_wait3A_260] : memref<160x128xi32, #tpu.memory_space<vmem>> -> memref<16x128xi32, #tpu.memory_space<vmem>>
      %dma_wait3A_262 = arith.constant 0 : i32
      %dma_wait3A_263 = arith.constant 0 : i32
      %dma_wait3A_264 = tpu.memref_slice %arg4[%dma_wait3A_262, %dma_wait3A_263] : memref<2500x128xi32, #tpu.memory_space<hbm>> -> memref<2500x128xi32, #tpu.memory_space<hbm>>
      tpu.wait_indirect_dma semaphore(%run_scoped3A_254 : memref<!tpu.dma_semaphore, #tpu.memory_space<semaphore_mem>>) src(%dma_wait3A_264 : memref<2500x128xi32, #tpu.memory_space<hbm>>) dst(%dma_wait3A_261 : memref<16x128xi32, #tpu.memory_space<vmem>>)
      tpu.yield
    }) : () -> ()
    %add3A_43 = arith.constant 64 : i32
    %add3A_44 = arith.addi %add3A, %add3A_43 : i32
    %add3A_45 = vector.broadcast %add3A_44 : i32 to vector<16xi32>
    %add3A_46 = arith.addi %add3A_45, %iota3A : vector<16xi32>
    %lt3A_47 = arith.constant 2500 : i32
    %lt3A_48 = vector.broadcast %lt3A_47 : i32 to vector<16xi32>
    %lt3A_49 = arith.cmpi slt, %add3A_46, %lt3A_48 : vector<16xi32>
    %jit3A_50 = arith.constant 2499 : i32
    %broadcast_in_dim3A_51 = vector.broadcast %jit3A_50 : i32 to vector<16xi32>
    %select_n3A_52 = arith.select %lt3A_49, %add3A_46, %broadcast_in_dim3A_51 : vector<16xi1>, vector<16xi32>
    "tpu.region"() ({
      %run_scoped3A_254 = tpu.sem_alloc : memref<!tpu.dma_semaphore, #tpu.memory_space<semaphore_mem>>
      %dma_start3A = arith.constant 64 : i32
      %dma_start3A_255 = arith.constant 0 : i32
      %dma_start3A_256 = tpu.memref_slice %arg7[%dma_start3A, %dma_start3A_255] : memref<160x128xi32, #tpu.memory_space<vmem>> -> memref<16x128xi32, #tpu.memory_space<vmem>>
      %dma_start3A_257 = arith.constant 0 : i32
      %dma_start3A_258 = arith.constant 0 : i32
      %dma_start3A_259 = tpu.memref_slice %arg4[%dma_start3A_257, %dma_start3A_258] : memref<2500x128xi32, #tpu.memory_space<hbm>> -> memref<2500x128xi32, #tpu.memory_space<hbm>>
      tpu.enqueue_indirect_dma source(%dma_start3A_259 : memref<2500x128xi32, #tpu.memory_space<hbm>>) target(%dma_start3A_256 : memref<16x128xi32, #tpu.memory_space<vmem>>) offsets(%select_n3A_52 : vector<16xi32>) semaphore(%run_scoped3A_254 : memref<!tpu.dma_semaphore, #tpu.memory_space<semaphore_mem>>)
      %dma_wait3A = arith.constant 64 : i32
      %dma_wait3A_260 = arith.constant 0 : i32
      %dma_wait3A_261 = tpu.memref_slice %arg7[%dma_wait3A, %dma_wait3A_260] : memref<160x128xi32, #tpu.memory_space<vmem>> -> memref<16x128xi32, #tpu.memory_space<vmem>>
      %dma_wait3A_262 = arith.constant 0 : i32
      %dma_wait3A_263 = arith.constant 0 : i32
      %dma_wait3A_264 = tpu.memref_slice %arg4[%dma_wait3A_262, %dma_wait3A_263] : memref<2500x128xi32, #tpu.memory_space<hbm>> -> memref<2500x128xi32, #tpu.memory_space<hbm>>
      tpu.wait_indirect_dma semaphore(%run_scoped3A_254 : memref<!tpu.dma_semaphore, #tpu.memory_space<semaphore_mem>>) src(%dma_wait3A_264 : memref<2500x128xi32, #tpu.memory_space<hbm>>) dst(%dma_wait3A_261 : memref<16x128xi32, #tpu.memory_space<vmem>>)
      tpu.yield
    }) : () -> ()
    %add3A_53 = arith.constant 80 : i32
    %add3A_54 = arith.addi %add3A, %add3A_53 : i32
    %add3A_55 = vector.broadcast %add3A_54 : i32 to vector<16xi32>
    %add3A_56 = arith.addi %add3A_55, %iota3A : vector<16xi32>
    %lt3A_57 = arith.constant 2500 : i32
    %lt3A_58 = vector.broadcast %lt3A_57 : i32 to vector<16xi32>
    %lt3A_59 = arith.cmpi slt, %add3A_56, %lt3A_58 : vector<16xi32>
    %jit3A_60 = arith.constant 2499 : i32
    %broadcast_in_dim3A_61 = vector.broadcast %jit3A_60 : i32 to vector<16xi32>
    %select_n3A_62 = arith.select %lt3A_59, %add3A_56, %broadcast_in_dim3A_61 : vector<16xi1>, vector<16xi32>
    "tpu.region"() ({
      %run_scoped3A_254 = tpu.sem_alloc : memref<!tpu.dma_semaphore, #tpu.memory_space<semaphore_mem>>
      %dma_start3A = arith.constant 80 : i32
      %dma_start3A_255 = arith.constant 0 : i32
      %dma_start3A_256 = tpu.memref_slice %arg7[%dma_start3A, %dma_start3A_255] : memref<160x128xi32, #tpu.memory_space<vmem>> -> memref<16x128xi32, #tpu.memory_space<vmem>>
      %dma_start3A_257 = arith.constant 0 : i32
      %dma_start3A_258 = arith.constant 0 : i32
      %dma_start3A_259 = tpu.memref_slice %arg4[%dma_start3A_257, %dma_start3A_258] : memref<2500x128xi32, #tpu.memory_space<hbm>> -> memref<2500x128xi32, #tpu.memory_space<hbm>>
      tpu.enqueue_indirect_dma source(%dma_start3A_259 : memref<2500x128xi32, #tpu.memory_space<hbm>>) target(%dma_start3A_256 : memref<16x128xi32, #tpu.memory_space<vmem>>) offsets(%select_n3A_62 : vector<16xi32>) semaphore(%run_scoped3A_254 : memref<!tpu.dma_semaphore, #tpu.memory_space<semaphore_mem>>)
      %dma_wait3A = arith.constant 80 : i32
      %dma_wait3A_260 = arith.constant 0 : i32
      %dma_wait3A_261 = tpu.memref_slice %arg7[%dma_wait3A, %dma_wait3A_260] : memref<160x128xi32, #tpu.memory_space<vmem>> -> memref<16x128xi32, #tpu.memory_space<vmem>>
      %dma_wait3A_262 = arith.constant 0 : i32
      %dma_wait3A_263 = arith.constant 0 : i32
      %dma_wait3A_264 = tpu.memref_slice %arg4[%dma_wait3A_262, %dma_wait3A_263] : memref<2500x128xi32, #tpu.memory_space<hbm>> -> memref<2500x128xi32, #tpu.memory_space<hbm>>
      tpu.wait_indirect_dma semaphore(%run_scoped3A_254 : memref<!tpu.dma_semaphore, #tpu.memory_space<semaphore_mem>>) src(%dma_wait3A_264 : memref<2500x128xi32, #tpu.memory_space<hbm>>) dst(%dma_wait3A_261 : memref<16x128xi32, #tpu.memory_space<vmem>>)
      tpu.yield
    }) : () -> ()
    %add3A_63 = arith.constant 96 : i32
    %add3A_64 = arith.addi %add3A, %add3A_63 : i32
    %add3A_65 = vector.broadcast %add3A_64 : i32 to vector<16xi32>
    %add3A_66 = arith.addi %add3A_65, %iota3A : vector<16xi32>
    %lt3A_67 = arith.constant 2500 : i32
    %lt3A_68 = vector.broadcast %lt3A_67 : i32 to vector<16xi32>
    %lt3A_69 = arith.cmpi slt, %add3A_66, %lt3A_68 : vector<16xi32>
    %jit3A_70 = arith.constant 2499 : i32
    %broadcast_in_dim3A_71 = vector.broadcast %jit3A_70 : i32 to vector<16xi32>
    %select_n3A_72 = arith.select %lt3A_69, %add3A_66, %broadcast_in_dim3A_71 : vector<16xi1>, vector<16xi32>
    "tpu.region"() ({
      %run_scoped3A_254 = tpu.sem_alloc : memref<!tpu.dma_semaphore, #tpu.memory_space<semaphore_mem>>
      %dma_start3A = arith.constant 96 : i32
      %dma_start3A_255 = arith.constant 0 : i32
      %dma_start3A_256 = tpu.memref_slice %arg7[%dma_start3A, %dma_start3A_255] : memref<160x128xi32, #tpu.memory_space<vmem>> -> memref<16x128xi32, #tpu.memory_space<vmem>>
      %dma_start3A_257 = arith.constant 0 : i32
      %dma_start3A_258 = arith.constant 0 : i32
      %dma_start3A_259 = tpu.memref_slice %arg4[%dma_start3A_257, %dma_start3A_258] : memref<2500x128xi32, #tpu.memory_space<hbm>> -> memref<2500x128xi32, #tpu.memory_space<hbm>>
      tpu.enqueue_indirect_dma source(%dma_start3A_259 : memref<2500x128xi32, #tpu.memory_space<hbm>>) target(%dma_start3A_256 : memref<16x128xi32, #tpu.memory_space<vmem>>) offsets(%select_n3A_72 : vector<16xi32>) semaphore(%run_scoped3A_254 : memref<!tpu.dma_semaphore, #tpu.memory_space<semaphore_mem>>)
      %dma_wait3A = arith.constant 96 : i32
      %dma_wait3A_260 = arith.constant 0 : i32
      %dma_wait3A_261 = tpu.memref_slice %arg7[%dma_wait3A, %dma_wait3A_260] : memref<160x128xi32, #tpu.memory_space<vmem>> -> memref<16x128xi32, #tpu.memory_space<vmem>>
      %dma_wait3A_262 = arith.constant 0 : i32
      %dma_wait3A_263 = arith.constant 0 : i32
      %dma_wait3A_264 = tpu.memref_slice %arg4[%dma_wait3A_262, %dma_wait3A_263] : memref<2500x128xi32, #tpu.memory_space<hbm>> -> memref<2500x128xi32, #tpu.memory_space<hbm>>
      tpu.wait_indirect_dma semaphore(%run_scoped3A_254 : memref<!tpu.dma_semaphore, #tpu.memory_space<semaphore_mem>>) src(%dma_wait3A_264 : memref<2500x128xi32, #tpu.memory_space<hbm>>) dst(%dma_wait3A_261 : memref<16x128xi32, #tpu.memory_space<vmem>>)
      tpu.yield
    }) : () -> ()
    %add3A_73 = arith.constant 112 : i32
    %add3A_74 = arith.addi %add3A, %add3A_73 : i32
    %add3A_75 = vector.broadcast %add3A_74 : i32 to vector<16xi32>
    %add3A_76 = arith.addi %add3A_75, %iota3A : vector<16xi32>
    %lt3A_77 = arith.constant 2500 : i32
    %lt3A_78 = vector.broadcast %lt3A_77 : i32 to vector<16xi32>
    %lt3A_79 = arith.cmpi slt, %add3A_76, %lt3A_78 : vector<16xi32>
    %jit3A_80 = arith.constant 2499 : i32
    %broadcast_in_dim3A_81 = vector.broadcast %jit3A_80 : i32 to vector<16xi32>
    %select_n3A_82 = arith.select %lt3A_79, %add3A_76, %broadcast_in_dim3A_81 : vector<16xi1>, vector<16xi32>
    "tpu.region"() ({
      %run_scoped3A_254 = tpu.sem_alloc : memref<!tpu.dma_semaphore, #tpu.memory_space<semaphore_mem>>
      %dma_start3A = arith.constant 112 : i32
      %dma_start3A_255 = arith.constant 0 : i32
      %dma_start3A_256 = tpu.memref_slice %arg7[%dma_start3A, %dma_start3A_255] : memref<160x128xi32, #tpu.memory_space<vmem>> -> memref<16x128xi32, #tpu.memory_space<vmem>>
      %dma_start3A_257 = arith.constant 0 : i32
      %dma_start3A_258 = arith.constant 0 : i32
      %dma_start3A_259 = tpu.memref_slice %arg4[%dma_start3A_257, %dma_start3A_258] : memref<2500x128xi32, #tpu.memory_space<hbm>> -> memref<2500x128xi32, #tpu.memory_space<hbm>>
      tpu.enqueue_indirect_dma source(%dma_start3A_259 : memref<2500x128xi32, #tpu.memory_space<hbm>>) target(%dma_start3A_256 : memref<16x128xi32, #tpu.memory_space<vmem>>) offsets(%select_n3A_82 : vector<16xi32>) semaphore(%run_scoped3A_254 : memref<!tpu.dma_semaphore, #tpu.memory_space<semaphore_mem>>)
      %dma_wait3A = arith.constant 112 : i32
      %dma_wait3A_260 = arith.constant 0 : i32
      %dma_wait3A_261 = tpu.memref_slice %arg7[%dma_wait3A, %dma_wait3A_260] : memref<160x128xi32, #tpu.memory_space<vmem>> -> memref<16x128xi32, #tpu.memory_space<vmem>>
      %dma_wait3A_262 = arith.constant 0 : i32
      %dma_wait3A_263 = arith.constant 0 : i32
      %dma_wait3A_264 = tpu.memref_slice %arg4[%dma_wait3A_262, %dma_wait3A_263] : memref<2500x128xi32, #tpu.memory_space<hbm>> -> memref<2500x128xi32, #tpu.memory_space<hbm>>
      tpu.wait_indirect_dma semaphore(%run_scoped3A_254 : memref<!tpu.dma_semaphore, #tpu.memory_space<semaphore_mem>>) src(%dma_wait3A_264 : memref<2500x128xi32, #tpu.memory_space<hbm>>) dst(%dma_wait3A_261 : memref<16x128xi32, #tpu.memory_space<vmem>>)
      tpu.yield
    }) : () -> ()
    %add3A_83 = arith.constant 128 : i32
    %add3A_84 = arith.addi %add3A, %add3A_83 : i32
    %add3A_85 = vector.broadcast %add3A_84 : i32 to vector<16xi32>
    %add3A_86 = arith.addi %add3A_85, %iota3A : vector<16xi32>
    %lt3A_87 = arith.constant 2500 : i32
    %lt3A_88 = vector.broadcast %lt3A_87 : i32 to vector<16xi32>
    %lt3A_89 = arith.cmpi slt, %add3A_86, %lt3A_88 : vector<16xi32>
    %jit3A_90 = arith.constant 2499 : i32
    %broadcast_in_dim3A_91 = vector.broadcast %jit3A_90 : i32 to vector<16xi32>
    %select_n3A_92 = arith.select %lt3A_89, %add3A_86, %broadcast_in_dim3A_91 : vector<16xi1>, vector<16xi32>
    "tpu.region"() ({
      %run_scoped3A_254 = tpu.sem_alloc : memref<!tpu.dma_semaphore, #tpu.memory_space<semaphore_mem>>
      %dma_start3A = arith.constant 128 : i32
      %dma_start3A_255 = arith.constant 0 : i32
      %dma_start3A_256 = tpu.memref_slice %arg7[%dma_start3A, %dma_start3A_255] : memref<160x128xi32, #tpu.memory_space<vmem>> -> memref<16x128xi32, #tpu.memory_space<vmem>>
      %dma_start3A_257 = arith.constant 0 : i32
      %dma_start3A_258 = arith.constant 0 : i32
      %dma_start3A_259 = tpu.memref_slice %arg4[%dma_start3A_257, %dma_start3A_258] : memref<2500x128xi32, #tpu.memory_space<hbm>> -> memref<2500x128xi32, #tpu.memory_space<hbm>>
      tpu.enqueue_indirect_dma source(%dma_start3A_259 : memref<2500x128xi32, #tpu.memory_space<hbm>>) target(%dma_start3A_256 : memref<16x128xi32, #tpu.memory_space<vmem>>) offsets(%select_n3A_92 : vector<16xi32>) semaphore(%run_scoped3A_254 : memref<!tpu.dma_semaphore, #tpu.memory_space<semaphore_mem>>)
      %dma_wait3A = arith.constant 128 : i32
      %dma_wait3A_260 = arith.constant 0 : i32
      %dma_wait3A_261 = tpu.memref_slice %arg7[%dma_wait3A, %dma_wait3A_260] : memref<160x128xi32, #tpu.memory_space<vmem>> -> memref<16x128xi32, #tpu.memory_space<vmem>>
      %dma_wait3A_262 = arith.constant 0 : i32
      %dma_wait3A_263 = arith.constant 0 : i32
      %dma_wait3A_264 = tpu.memref_slice %arg4[%dma_wait3A_262, %dma_wait3A_263] : memref<2500x128xi32, #tpu.memory_space<hbm>> -> memref<2500x128xi32, #tpu.memory_space<hbm>>
      tpu.wait_indirect_dma semaphore(%run_scoped3A_254 : memref<!tpu.dma_semaphore, #tpu.memory_space<semaphore_mem>>) src(%dma_wait3A_264 : memref<2500x128xi32, #tpu.memory_space<hbm>>) dst(%dma_wait3A_261 : memref<16x128xi32, #tpu.memory_space<vmem>>)
      tpu.yield
    }) : () -> ()
    %add3A_93 = arith.constant 144 : i32
    %add3A_94 = arith.addi %add3A, %add3A_93 : i32
    %add3A_95 = vector.broadcast %add3A_94 : i32 to vector<16xi32>
    %add3A_96 = arith.addi %add3A_95, %iota3A : vector<16xi32>
    %lt3A_97 = arith.constant 2500 : i32
    %lt3A_98 = vector.broadcast %lt3A_97 : i32 to vector<16xi32>
    %lt3A_99 = arith.cmpi slt, %add3A_96, %lt3A_98 : vector<16xi32>
    %jit3A_100 = arith.constant 2499 : i32
    %broadcast_in_dim3A_101 = vector.broadcast %jit3A_100 : i32 to vector<16xi32>
    %select_n3A_102 = arith.select %lt3A_99, %add3A_96, %broadcast_in_dim3A_101 : vector<16xi1>, vector<16xi32>
    "tpu.region"() ({
      %run_scoped3A_254 = tpu.sem_alloc : memref<!tpu.dma_semaphore, #tpu.memory_space<semaphore_mem>>
      %dma_start3A = arith.constant 144 : i32
      %dma_start3A_255 = arith.constant 0 : i32
      %dma_start3A_256 = tpu.memref_slice %arg7[%dma_start3A, %dma_start3A_255] : memref<160x128xi32, #tpu.memory_space<vmem>> -> memref<16x128xi32, #tpu.memory_space<vmem>>
      %dma_start3A_257 = arith.constant 0 : i32
      %dma_start3A_258 = arith.constant 0 : i32
      %dma_start3A_259 = tpu.memref_slice %arg4[%dma_start3A_257, %dma_start3A_258] : memref<2500x128xi32, #tpu.memory_space<hbm>> -> memref<2500x128xi32, #tpu.memory_space<hbm>>
      tpu.enqueue_indirect_dma source(%dma_start3A_259 : memref<2500x128xi32, #tpu.memory_space<hbm>>) target(%dma_start3A_256 : memref<16x128xi32, #tpu.memory_space<vmem>>) offsets(%select_n3A_102 : vector<16xi32>) semaphore(%run_scoped3A_254 : memref<!tpu.dma_semaphore, #tpu.memory_space<semaphore_mem>>)
      %dma_wait3A = arith.constant 144 : i32
      %dma_wait3A_260 = arith.constant 0 : i32
      %dma_wait3A_261 = tpu.memref_slice %arg7[%dma_wait3A, %dma_wait3A_260] : memref<160x128xi32, #tpu.memory_space<vmem>> -> memref<16x128xi32, #tpu.memory_space<vmem>>
      %dma_wait3A_262 = arith.constant 0 : i32
      %dma_wait3A_263 = arith.constant 0 : i32
      %dma_wait3A_264 = tpu.memref_slice %arg4[%dma_wait3A_262, %dma_wait3A_263] : memref<2500x128xi32, #tpu.memory_space<hbm>> -> memref<2500x128xi32, #tpu.memory_space<hbm>>
      tpu.wait_indirect_dma semaphore(%run_scoped3A_254 : memref<!tpu.dma_semaphore, #tpu.memory_space<semaphore_mem>>) src(%dma_wait3A_264 : memref<2500x128xi32, #tpu.memory_space<hbm>>) dst(%dma_wait3A_261 : memref<16x128xi32, #tpu.memory_space<vmem>>)
      tpu.yield
    }) : () -> ()
    %iota3A_103 = tpu.iota {dimensions = array<i32: 0>} : vector<16xi32>
    %add3A_104 = arith.constant 0 : i32
    %add3A_105 = arith.addi %add3A, %add3A_104 : i32
    %add3A_106 = vector.broadcast %add3A_105 : i32 to vector<16xi32>
    %add3A_107 = arith.addi %add3A_106, %iota3A_103 : vector<16xi32>
    %lt3A_108 = arith.constant 2500 : i32
    %lt3A_109 = vector.broadcast %lt3A_108 : i32 to vector<16xi32>
    %lt3A_110 = arith.cmpi slt, %add3A_107, %lt3A_109 : vector<16xi32>
    %jit3A_111 = arith.constant 2499 : i32
    %broadcast_in_dim3A_112 = vector.broadcast %jit3A_111 : i32 to vector<16xi32>
    %select_n3A_113 = arith.select %lt3A_110, %add3A_107, %broadcast_in_dim3A_112 : vector<16xi1>, vector<16xi32>
    "tpu.region"() ({
      %run_scoped3A_254 = tpu.sem_alloc : memref<!tpu.dma_semaphore, #tpu.memory_space<semaphore_mem>>
      %dma_start3A = arith.constant 0 : i32
      %dma_start3A_255 = arith.constant 0 : i32
      %dma_start3A_256 = tpu.memref_slice %arg8[%dma_start3A, %dma_start3A_255] : memref<160x128xi32, #tpu.memory_space<vmem>> -> memref<16x128xi32, #tpu.memory_space<vmem>>
      %dma_start3A_257 = arith.constant 0 : i32
      %dma_start3A_258 = arith.constant 0 : i32
      %dma_start3A_259 = tpu.memref_slice %arg5[%dma_start3A_257, %dma_start3A_258] : memref<2500x128xi32, #tpu.memory_space<hbm>> -> memref<2500x128xi32, #tpu.memory_space<hbm>>
      tpu.enqueue_indirect_dma source(%dma_start3A_259 : memref<2500x128xi32, #tpu.memory_space<hbm>>) target(%dma_start3A_256 : memref<16x128xi32, #tpu.memory_space<vmem>>) offsets(%select_n3A_113 : vector<16xi32>) semaphore(%run_scoped3A_254 : memref<!tpu.dma_semaphore, #tpu.memory_space<semaphore_mem>>)
      %dma_wait3A = arith.constant 0 : i32
      %dma_wait3A_260 = arith.constant 0 : i32
      %dma_wait3A_261 = tpu.memref_slice %arg8[%dma_wait3A, %dma_wait3A_260] : memref<160x128xi32, #tpu.memory_space<vmem>> -> memref<16x128xi32, #tpu.memory_space<vmem>>
      %dma_wait3A_262 = arith.constant 0 : i32
      %dma_wait3A_263 = arith.constant 0 : i32
      %dma_wait3A_264 = tpu.memref_slice %arg5[%dma_wait3A_262, %dma_wait3A_263] : memref<2500x128xi32, #tpu.memory_space<hbm>> -> memref<2500x128xi32, #tpu.memory_space<hbm>>
      tpu.wait_indirect_dma semaphore(%run_scoped3A_254 : memref<!tpu.dma_semaphore, #tpu.memory_space<semaphore_mem>>) src(%dma_wait3A_264 : memref<2500x128xi32, #tpu.memory_space<hbm>>) dst(%dma_wait3A_261 : memref<16x128xi32, #tpu.memory_space<vmem>>)
      tpu.yield
    }) : () -> ()
    %add3A_114 = arith.constant 16 : i32
    %add3A_115 = arith.addi %add3A, %add3A_114 : i32
    %add3A_116 = vector.broadcast %add3A_115 : i32 to vector<16xi32>
    %add3A_117 = arith.addi %add3A_116, %iota3A_103 : vector<16xi32>
    %lt3A_118 = arith.constant 2500 : i32
    %lt3A_119 = vector.broadcast %lt3A_118 : i32 to vector<16xi32>
    %lt3A_120 = arith.cmpi slt, %add3A_117, %lt3A_119 : vector<16xi32>
    %jit3A_121 = arith.constant 2499 : i32
    %broadcast_in_dim3A_122 = vector.broadcast %jit3A_121 : i32 to vector<16xi32>
    %select_n3A_123 = arith.select %lt3A_120, %add3A_117, %broadcast_in_dim3A_122 : vector<16xi1>, vector<16xi32>
    "tpu.region"() ({
      %run_scoped3A_254 = tpu.sem_alloc : memref<!tpu.dma_semaphore, #tpu.memory_space<semaphore_mem>>
      %dma_start3A = arith.constant 16 : i32
      %dma_start3A_255 = arith.constant 0 : i32
      %dma_start3A_256 = tpu.memref_slice %arg8[%dma_start3A, %dma_start3A_255] : memref<160x128xi32, #tpu.memory_space<vmem>> -> memref<16x128xi32, #tpu.memory_space<vmem>>
      %dma_start3A_257 = arith.constant 0 : i32
      %dma_start3A_258 = arith.constant 0 : i32
      %dma_start3A_259 = tpu.memref_slice %arg5[%dma_start3A_257, %dma_start3A_258] : memref<2500x128xi32, #tpu.memory_space<hbm>> -> memref<2500x128xi32, #tpu.memory_space<hbm>>
      tpu.enqueue_indirect_dma source(%dma_start3A_259 : memref<2500x128xi32, #tpu.memory_space<hbm>>) target(%dma_start3A_256 : memref<16x128xi32, #tpu.memory_space<vmem>>) offsets(%select_n3A_123 : vector<16xi32>) semaphore(%run_scoped3A_254 : memref<!tpu.dma_semaphore, #tpu.memory_space<semaphore_mem>>)
      %dma_wait3A = arith.constant 16 : i32
      %dma_wait3A_260 = arith.constant 0 : i32
      %dma_wait3A_261 = tpu.memref_slice %arg8[%dma_wait3A, %dma_wait3A_260] : memref<160x128xi32, #tpu.memory_space<vmem>> -> memref<16x128xi32, #tpu.memory_space<vmem>>
      %dma_wait3A_262 = arith.constant 0 : i32
      %dma_wait3A_263 = arith.constant 0 : i32
      %dma_wait3A_264 = tpu.memref_slice %arg5[%dma_wait3A_262, %dma_wait3A_263] : memref<2500x128xi32, #tpu.memory_space<hbm>> -> memref<2500x128xi32, #tpu.memory_space<hbm>>
      tpu.wait_indirect_dma semaphore(%run_scoped3A_254 : memref<!tpu.dma_semaphore, #tpu.memory_space<semaphore_mem>>) src(%dma_wait3A_264 : memref<2500x128xi32, #tpu.memory_space<hbm>>) dst(%dma_wait3A_261 : memref<16x128xi32, #tpu.memory_space<vmem>>)
      tpu.yield
    }) : () -> ()
    %add3A_124 = arith.constant 32 : i32
    %add3A_125 = arith.addi %add3A, %add3A_124 : i32
    %add3A_126 = vector.broadcast %add3A_125 : i32 to vector<16xi32>
    %add3A_127 = arith.addi %add3A_126, %iota3A_103 : vector<16xi32>
    %lt3A_128 = arith.constant 2500 : i32
    %lt3A_129 = vector.broadcast %lt3A_128 : i32 to vector<16xi32>
    %lt3A_130 = arith.cmpi slt, %add3A_127, %lt3A_129 : vector<16xi32>
    %jit3A_131 = arith.constant 2499 : i32
    %broadcast_in_dim3A_132 = vector.broadcast %jit3A_131 : i32 to vector<16xi32>
    %select_n3A_133 = arith.select %lt3A_130, %add3A_127, %broadcast_in_dim3A_132 : vector<16xi1>, vector<16xi32>
    "tpu.region"() ({
      %run_scoped3A_254 = tpu.sem_alloc : memref<!tpu.dma_semaphore, #tpu.memory_space<semaphore_mem>>
      %dma_start3A = arith.constant 32 : i32
      %dma_start3A_255 = arith.constant 0 : i32
      %dma_start3A_256 = tpu.memref_slice %arg8[%dma_start3A, %dma_start3A_255] : memref<160x128xi32, #tpu.memory_space<vmem>> -> memref<16x128xi32, #tpu.memory_space<vmem>>
      %dma_start3A_257 = arith.constant 0 : i32
      %dma_start3A_258 = arith.constant 0 : i32
      %dma_start3A_259 = tpu.memref_slice %arg5[%dma_start3A_257, %dma_start3A_258] : memref<2500x128xi32, #tpu.memory_space<hbm>> -> memref<2500x128xi32, #tpu.memory_space<hbm>>
      tpu.enqueue_indirect_dma source(%dma_start3A_259 : memref<2500x128xi32, #tpu.memory_space<hbm>>) target(%dma_start3A_256 : memref<16x128xi32, #tpu.memory_space<vmem>>) offsets(%select_n3A_133 : vector<16xi32>) semaphore(%run_scoped3A_254 : memref<!tpu.dma_semaphore, #tpu.memory_space<semaphore_mem>>)
      %dma_wait3A = arith.constant 32 : i32
      %dma_wait3A_260 = arith.constant 0 : i32
      %dma_wait3A_261 = tpu.memref_slice %arg8[%dma_wait3A, %dma_wait3A_260] : memref<160x128xi32, #tpu.memory_space<vmem>> -> memref<16x128xi32, #tpu.memory_space<vmem>>
      %dma_wait3A_262 = arith.constant 0 : i32
      %dma_wait3A_263 = arith.constant 0 : i32
      %dma_wait3A_264 = tpu.memref_slice %arg5[%dma_wait3A_262, %dma_wait3A_263] : memref<2500x128xi32, #tpu.memory_space<hbm>> -> memref<2500x128xi32, #tpu.memory_space<hbm>>
      tpu.wait_indirect_dma semaphore(%run_scoped3A_254 : memref<!tpu.dma_semaphore, #tpu.memory_space<semaphore_mem>>) src(%dma_wait3A_264 : memref<2500x128xi32, #tpu.memory_space<hbm>>) dst(%dma_wait3A_261 : memref<16x128xi32, #tpu.memory_space<vmem>>)
      tpu.yield
    }) : () -> ()
    %add3A_134 = arith.constant 48 : i32
    %add3A_135 = arith.addi %add3A, %add3A_134 : i32
    %add3A_136 = vector.broadcast %add3A_135 : i32 to vector<16xi32>
    %add3A_137 = arith.addi %add3A_136, %iota3A_103 : vector<16xi32>
    %lt3A_138 = arith.constant 2500 : i32
    %lt3A_139 = vector.broadcast %lt3A_138 : i32 to vector<16xi32>
    %lt3A_140 = arith.cmpi slt, %add3A_137, %lt3A_139 : vector<16xi32>
    %jit3A_141 = arith.constant 2499 : i32
    %broadcast_in_dim3A_142 = vector.broadcast %jit3A_141 : i32 to vector<16xi32>
    %select_n3A_143 = arith.select %lt3A_140, %add3A_137, %broadcast_in_dim3A_142 : vector<16xi1>, vector<16xi32>
    "tpu.region"() ({
      %run_scoped3A_254 = tpu.sem_alloc : memref<!tpu.dma_semaphore, #tpu.memory_space<semaphore_mem>>
      %dma_start3A = arith.constant 48 : i32
      %dma_start3A_255 = arith.constant 0 : i32
      %dma_start3A_256 = tpu.memref_slice %arg8[%dma_start3A, %dma_start3A_255] : memref<160x128xi32, #tpu.memory_space<vmem>> -> memref<16x128xi32, #tpu.memory_space<vmem>>
      %dma_start3A_257 = arith.constant 0 : i32
      %dma_start3A_258 = arith.constant 0 : i32
      %dma_start3A_259 = tpu.memref_slice %arg5[%dma_start3A_257, %dma_start3A_258] : memref<2500x128xi32, #tpu.memory_space<hbm>> -> memref<2500x128xi32, #tpu.memory_space<hbm>>
      tpu.enqueue_indirect_dma source(%dma_start3A_259 : memref<2500x128xi32, #tpu.memory_space<hbm>>) target(%dma_start3A_256 : memref<16x128xi32, #tpu.memory_space<vmem>>) offsets(%select_n3A_143 : vector<16xi32>) semaphore(%run_scoped3A_254 : memref<!tpu.dma_semaphore, #tpu.memory_space<semaphore_mem>>)
      %dma_wait3A = arith.constant 48 : i32
      %dma_wait3A_260 = arith.constant 0 : i32
      %dma_wait3A_261 = tpu.memref_slice %arg8[%dma_wait3A, %dma_wait3A_260] : memref<160x128xi32, #tpu.memory_space<vmem>> -> memref<16x128xi32, #tpu.memory_space<vmem>>
      %dma_wait3A_262 = arith.constant 0 : i32
      %dma_wait3A_263 = arith.constant 0 : i32
      %dma_wait3A_264 = tpu.memref_slice %arg5[%dma_wait3A_262, %dma_wait3A_263] : memref<2500x128xi32, #tpu.memory_space<hbm>> -> memref<2500x128xi32, #tpu.memory_space<hbm>>
      tpu.wait_indirect_dma semaphore(%run_scoped3A_254 : memref<!tpu.dma_semaphore, #tpu.memory_space<semaphore_mem>>) src(%dma_wait3A_264 : memref<2500x128xi32, #tpu.memory_space<hbm>>) dst(%dma_wait3A_261 : memref<16x128xi32, #tpu.memory_space<vmem>>)
      tpu.yield
    }) : () -> ()
    %add3A_144 = arith.constant 64 : i32
    %add3A_145 = arith.addi %add3A, %add3A_144 : i32
    %add3A_146 = vector.broadcast %add3A_145 : i32 to vector<16xi32>
    %add3A_147 = arith.addi %add3A_146, %iota3A_103 : vector<16xi32>
    %lt3A_148 = arith.constant 2500 : i32
    %lt3A_149 = vector.broadcast %lt3A_148 : i32 to vector<16xi32>
    %lt3A_150 = arith.cmpi slt, %add3A_147, %lt3A_149 : vector<16xi32>
    %jit3A_151 = arith.constant 2499 : i32
    %broadcast_in_dim3A_152 = vector.broadcast %jit3A_151 : i32 to vector<16xi32>
    %select_n3A_153 = arith.select %lt3A_150, %add3A_147, %broadcast_in_dim3A_152 : vector<16xi1>, vector<16xi32>
    "tpu.region"() ({
      %run_scoped3A_254 = tpu.sem_alloc : memref<!tpu.dma_semaphore, #tpu.memory_space<semaphore_mem>>
      %dma_start3A = arith.constant 64 : i32
      %dma_start3A_255 = arith.constant 0 : i32
      %dma_start3A_256 = tpu.memref_slice %arg8[%dma_start3A, %dma_start3A_255] : memref<160x128xi32, #tpu.memory_space<vmem>> -> memref<16x128xi32, #tpu.memory_space<vmem>>
      %dma_start3A_257 = arith.constant 0 : i32
      %dma_start3A_258 = arith.constant 0 : i32
      %dma_start3A_259 = tpu.memref_slice %arg5[%dma_start3A_257, %dma_start3A_258] : memref<2500x128xi32, #tpu.memory_space<hbm>> -> memref<2500x128xi32, #tpu.memory_space<hbm>>
      tpu.enqueue_indirect_dma source(%dma_start3A_259 : memref<2500x128xi32, #tpu.memory_space<hbm>>) target(%dma_start3A_256 : memref<16x128xi32, #tpu.memory_space<vmem>>) offsets(%select_n3A_153 : vector<16xi32>) semaphore(%run_scoped3A_254 : memref<!tpu.dma_semaphore, #tpu.memory_space<semaphore_mem>>)
      %dma_wait3A = arith.constant 64 : i32
      %dma_wait3A_260 = arith.constant 0 : i32
      %dma_wait3A_261 = tpu.memref_slice %arg8[%dma_wait3A, %dma_wait3A_260] : memref<160x128xi32, #tpu.memory_space<vmem>> -> memref<16x128xi32, #tpu.memory_space<vmem>>
      %dma_wait3A_262 = arith.constant 0 : i32
      %dma_wait3A_263 = arith.constant 0 : i32
      %dma_wait3A_264 = tpu.memref_slice %arg5[%dma_wait3A_262, %dma_wait3A_263] : memref<2500x128xi32, #tpu.memory_space<hbm>> -> memref<2500x128xi32, #tpu.memory_space<hbm>>
      tpu.wait_indirect_dma semaphore(%run_scoped3A_254 : memref<!tpu.dma_semaphore, #tpu.memory_space<semaphore_mem>>) src(%dma_wait3A_264 : memref<2500x128xi32, #tpu.memory_space<hbm>>) dst(%dma_wait3A_261 : memref<16x128xi32, #tpu.memory_space<vmem>>)
      tpu.yield
    }) : () -> ()
    %add3A_154 = arith.constant 80 : i32
    %add3A_155 = arith.addi %add3A, %add3A_154 : i32
    %add3A_156 = vector.broadcast %add3A_155 : i32 to vector<16xi32>
    %add3A_157 = arith.addi %add3A_156, %iota3A_103 : vector<16xi32>
    %lt3A_158 = arith.constant 2500 : i32
    %lt3A_159 = vector.broadcast %lt3A_158 : i32 to vector<16xi32>
    %lt3A_160 = arith.cmpi slt, %add3A_157, %lt3A_159 : vector<16xi32>
    %jit3A_161 = arith.constant 2499 : i32
    %broadcast_in_dim3A_162 = vector.broadcast %jit3A_161 : i32 to vector<16xi32>
    %select_n3A_163 = arith.select %lt3A_160, %add3A_157, %broadcast_in_dim3A_162 : vector<16xi1>, vector<16xi32>
    "tpu.region"() ({
      %run_scoped3A_254 = tpu.sem_alloc : memref<!tpu.dma_semaphore, #tpu.memory_space<semaphore_mem>>
      %dma_start3A = arith.constant 80 : i32
      %dma_start3A_255 = arith.constant 0 : i32
      %dma_start3A_256 = tpu.memref_slice %arg8[%dma_start3A, %dma_start3A_255] : memref<160x128xi32, #tpu.memory_space<vmem>> -> memref<16x128xi32, #tpu.memory_space<vmem>>
      %dma_start3A_257 = arith.constant 0 : i32
      %dma_start3A_258 = arith.constant 0 : i32
      %dma_start3A_259 = tpu.memref_slice %arg5[%dma_start3A_257, %dma_start3A_258] : memref<2500x128xi32, #tpu.memory_space<hbm>> -> memref<2500x128xi32, #tpu.memory_space<hbm>>
      tpu.enqueue_indirect_dma source(%dma_start3A_259 : memref<2500x128xi32, #tpu.memory_space<hbm>>) target(%dma_start3A_256 : memref<16x128xi32, #tpu.memory_space<vmem>>) offsets(%select_n3A_163 : vector<16xi32>) semaphore(%run_scoped3A_254 : memref<!tpu.dma_semaphore, #tpu.memory_space<semaphore_mem>>)
      %dma_wait3A = arith.constant 80 : i32
      %dma_wait3A_260 = arith.constant 0 : i32
      %dma_wait3A_261 = tpu.memref_slice %arg8[%dma_wait3A, %dma_wait3A_260] : memref<160x128xi32, #tpu.memory_space<vmem>> -> memref<16x128xi32, #tpu.memory_space<vmem>>
      %dma_wait3A_262 = arith.constant 0 : i32
      %dma_wait3A_263 = arith.constant 0 : i32
      %dma_wait3A_264 = tpu.memref_slice %arg5[%dma_wait3A_262, %dma_wait3A_263] : memref<2500x128xi32, #tpu.memory_space<hbm>> -> memref<2500x128xi32, #tpu.memory_space<hbm>>
      tpu.wait_indirect_dma semaphore(%run_scoped3A_254 : memref<!tpu.dma_semaphore, #tpu.memory_space<semaphore_mem>>) src(%dma_wait3A_264 : memref<2500x128xi32, #tpu.memory_space<hbm>>) dst(%dma_wait3A_261 : memref<16x128xi32, #tpu.memory_space<vmem>>)
      tpu.yield
    }) : () -> ()
    %add3A_164 = arith.constant 96 : i32
    %add3A_165 = arith.addi %add3A, %add3A_164 : i32
    %add3A_166 = vector.broadcast %add3A_165 : i32 to vector<16xi32>
    %add3A_167 = arith.addi %add3A_166, %iota3A_103 : vector<16xi32>
    %lt3A_168 = arith.constant 2500 : i32
    %lt3A_169 = vector.broadcast %lt3A_168 : i32 to vector<16xi32>
    %lt3A_170 = arith.cmpi slt, %add3A_167, %lt3A_169 : vector<16xi32>
    %jit3A_171 = arith.constant 2499 : i32
    %broadcast_in_dim3A_172 = vector.broadcast %jit3A_171 : i32 to vector<16xi32>
    %select_n3A_173 = arith.select %lt3A_170, %add3A_167, %broadcast_in_dim3A_172 : vector<16xi1>, vector<16xi32>
    "tpu.region"() ({
      %run_scoped3A_254 = tpu.sem_alloc : memref<!tpu.dma_semaphore, #tpu.memory_space<semaphore_mem>>
      %dma_start3A = arith.constant 96 : i32
      %dma_start3A_255 = arith.constant 0 : i32
      %dma_start3A_256 = tpu.memref_slice %arg8[%dma_start3A, %dma_start3A_255] : memref<160x128xi32, #tpu.memory_space<vmem>> -> memref<16x128xi32, #tpu.memory_space<vmem>>
      %dma_start3A_257 = arith.constant 0 : i32
      %dma_start3A_258 = arith.constant 0 : i32
      %dma_start3A_259 = tpu.memref_slice %arg5[%dma_start3A_257, %dma_start3A_258] : memref<2500x128xi32, #tpu.memory_space<hbm>> -> memref<2500x128xi32, #tpu.memory_space<hbm>>
      tpu.enqueue_indirect_dma source(%dma_start3A_259 : memref<2500x128xi32, #tpu.memory_space<hbm>>) target(%dma_start3A_256 : memref<16x128xi32, #tpu.memory_space<vmem>>) offsets(%select_n3A_173 : vector<16xi32>) semaphore(%run_scoped3A_254 : memref<!tpu.dma_semaphore, #tpu.memory_space<semaphore_mem>>)
      %dma_wait3A = arith.constant 96 : i32
      %dma_wait3A_260 = arith.constant 0 : i32
      %dma_wait3A_261 = tpu.memref_slice %arg8[%dma_wait3A, %dma_wait3A_260] : memref<160x128xi32, #tpu.memory_space<vmem>> -> memref<16x128xi32, #tpu.memory_space<vmem>>
      %dma_wait3A_262 = arith.constant 0 : i32
      %dma_wait3A_263 = arith.constant 0 : i32
      %dma_wait3A_264 = tpu.memref_slice %arg5[%dma_wait3A_262, %dma_wait3A_263] : memref<2500x128xi32, #tpu.memory_space<hbm>> -> memref<2500x128xi32, #tpu.memory_space<hbm>>
      tpu.wait_indirect_dma semaphore(%run_scoped3A_254 : memref<!tpu.dma_semaphore, #tpu.memory_space<semaphore_mem>>) src(%dma_wait3A_264 : memref<2500x128xi32, #tpu.memory_space<hbm>>) dst(%dma_wait3A_261 : memref<16x128xi32, #tpu.memory_space<vmem>>)
      tpu.yield
    }) : () -> ()
    %add3A_174 = arith.constant 112 : i32
    %add3A_175 = arith.addi %add3A, %add3A_174 : i32
    %add3A_176 = vector.broadcast %add3A_175 : i32 to vector<16xi32>
    %add3A_177 = arith.addi %add3A_176, %iota3A_103 : vector<16xi32>
    %lt3A_178 = arith.constant 2500 : i32
    %lt3A_179 = vector.broadcast %lt3A_178 : i32 to vector<16xi32>
    %lt3A_180 = arith.cmpi slt, %add3A_177, %lt3A_179 : vector<16xi32>
    %jit3A_181 = arith.constant 2499 : i32
    %broadcast_in_dim3A_182 = vector.broadcast %jit3A_181 : i32 to vector<16xi32>
    %select_n3A_183 = arith.select %lt3A_180, %add3A_177, %broadcast_in_dim3A_182 : vector<16xi1>, vector<16xi32>
    "tpu.region"() ({
      %run_scoped3A_254 = tpu.sem_alloc : memref<!tpu.dma_semaphore, #tpu.memory_space<semaphore_mem>>
      %dma_start3A = arith.constant 112 : i32
      %dma_start3A_255 = arith.constant 0 : i32
      %dma_start3A_256 = tpu.memref_slice %arg8[%dma_start3A, %dma_start3A_255] : memref<160x128xi32, #tpu.memory_space<vmem>> -> memref<16x128xi32, #tpu.memory_space<vmem>>
      %dma_start3A_257 = arith.constant 0 : i32
      %dma_start3A_258 = arith.constant 0 : i32
      %dma_start3A_259 = tpu.memref_slice %arg5[%dma_start3A_257, %dma_start3A_258] : memref<2500x128xi32, #tpu.memory_space<hbm>> -> memref<2500x128xi32, #tpu.memory_space<hbm>>
      tpu.enqueue_indirect_dma source(%dma_start3A_259 : memref<2500x128xi32, #tpu.memory_space<hbm>>) target(%dma_start3A_256 : memref<16x128xi32, #tpu.memory_space<vmem>>) offsets(%select_n3A_183 : vector<16xi32>) semaphore(%run_scoped3A_254 : memref<!tpu.dma_semaphore, #tpu.memory_space<semaphore_mem>>)
      %dma_wait3A = arith.constant 112 : i32
      %dma_wait3A_260 = arith.constant 0 : i32
      %dma_wait3A_261 = tpu.memref_slice %arg8[%dma_wait3A, %dma_wait3A_260] : memref<160x128xi32, #tpu.memory_space<vmem>> -> memref<16x128xi32, #tpu.memory_space<vmem>>
      %dma_wait3A_262 = arith.constant 0 : i32
      %dma_wait3A_263 = arith.constant 0 : i32
      %dma_wait3A_264 = tpu.memref_slice %arg5[%dma_wait3A_262, %dma_wait3A_263] : memref<2500x128xi32, #tpu.memory_space<hbm>> -> memref<2500x128xi32, #tpu.memory_space<hbm>>
      tpu.wait_indirect_dma semaphore(%run_scoped3A_254 : memref<!tpu.dma_semaphore, #tpu.memory_space<semaphore_mem>>) src(%dma_wait3A_264 : memref<2500x128xi32, #tpu.memory_space<hbm>>) dst(%dma_wait3A_261 : memref<16x128xi32, #tpu.memory_space<vmem>>)
      tpu.yield
    }) : () -> ()
    %add3A_184 = arith.constant 128 : i32
    %add3A_185 = arith.addi %add3A, %add3A_184 : i32
    %add3A_186 = vector.broadcast %add3A_185 : i32 to vector<16xi32>
    %add3A_187 = arith.addi %add3A_186, %iota3A_103 : vector<16xi32>
    %lt3A_188 = arith.constant 2500 : i32
    %lt3A_189 = vector.broadcast %lt3A_188 : i32 to vector<16xi32>
    %lt3A_190 = arith.cmpi slt, %add3A_187, %lt3A_189 : vector<16xi32>
    %jit3A_191 = arith.constant 2499 : i32
    %broadcast_in_dim3A_192 = vector.broadcast %jit3A_191 : i32 to vector<16xi32>
    %select_n3A_193 = arith.select %lt3A_190, %add3A_187, %broadcast_in_dim3A_192 : vector<16xi1>, vector<16xi32>
    "tpu.region"() ({
      %run_scoped3A_254 = tpu.sem_alloc : memref<!tpu.dma_semaphore, #tpu.memory_space<semaphore_mem>>
      %dma_start3A = arith.constant 128 : i32
      %dma_start3A_255 = arith.constant 0 : i32
      %dma_start3A_256 = tpu.memref_slice %arg8[%dma_start3A, %dma_start3A_255] : memref<160x128xi32, #tpu.memory_space<vmem>> -> memref<16x128xi32, #tpu.memory_space<vmem>>
      %dma_start3A_257 = arith.constant 0 : i32
      %dma_start3A_258 = arith.constant 0 : i32
      %dma_start3A_259 = tpu.memref_slice %arg5[%dma_start3A_257, %dma_start3A_258] : memref<2500x128xi32, #tpu.memory_space<hbm>> -> memref<2500x128xi32, #tpu.memory_space<hbm>>
      tpu.enqueue_indirect_dma source(%dma_start3A_259 : memref<2500x128xi32, #tpu.memory_space<hbm>>) target(%dma_start3A_256 : memref<16x128xi32, #tpu.memory_space<vmem>>) offsets(%select_n3A_193 : vector<16xi32>) semaphore(%run_scoped3A_254 : memref<!tpu.dma_semaphore, #tpu.memory_space<semaphore_mem>>)
      %dma_wait3A = arith.constant 128 : i32
      %dma_wait3A_260 = arith.constant 0 : i32
      %dma_wait3A_261 = tpu.memref_slice %arg8[%dma_wait3A, %dma_wait3A_260] : memref<160x128xi32, #tpu.memory_space<vmem>> -> memref<16x128xi32, #tpu.memory_space<vmem>>
      %dma_wait3A_262 = arith.constant 0 : i32
      %dma_wait3A_263 = arith.constant 0 : i32
      %dma_wait3A_264 = tpu.memref_slice %arg5[%dma_wait3A_262, %dma_wait3A_263] : memref<2500x128xi32, #tpu.memory_space<hbm>> -> memref<2500x128xi32, #tpu.memory_space<hbm>>
      tpu.wait_indirect_dma semaphore(%run_scoped3A_254 : memref<!tpu.dma_semaphore, #tpu.memory_space<semaphore_mem>>) src(%dma_wait3A_264 : memref<2500x128xi32, #tpu.memory_space<hbm>>) dst(%dma_wait3A_261 : memref<16x128xi32, #tpu.memory_space<vmem>>)
      tpu.yield
    }) : () -> ()
    %add3A_194 = arith.constant 144 : i32
    %add3A_195 = arith.addi %add3A, %add3A_194 : i32
    %add3A_196 = vector.broadcast %add3A_195 : i32 to vector<16xi32>
    %add3A_197 = arith.addi %add3A_196, %iota3A_103 : vector<16xi32>
    %lt3A_198 = arith.constant 2500 : i32
    %lt3A_199 = vector.broadcast %lt3A_198 : i32 to vector<16xi32>
    %lt3A_200 = arith.cmpi slt, %add3A_197, %lt3A_199 : vector<16xi32>
    %jit3A_201 = arith.constant 2499 : i32
    %broadcast_in_dim3A_202 = vector.broadcast %jit3A_201 : i32 to vector<16xi32>
    %select_n3A_203 = arith.select %lt3A_200, %add3A_197, %broadcast_in_dim3A_202 : vector<16xi1>, vector<16xi32>
    "tpu.region"() ({
      %run_scoped3A_254 = tpu.sem_alloc : memref<!tpu.dma_semaphore, #tpu.memory_space<semaphore_mem>>
      %dma_start3A = arith.constant 144 : i32
      %dma_start3A_255 = arith.constant 0 : i32
      %dma_start3A_256 = tpu.memref_slice %arg8[%dma_start3A, %dma_start3A_255] : memref<160x128xi32, #tpu.memory_space<vmem>> -> memref<16x128xi32, #tpu.memory_space<vmem>>
      %dma_start3A_257 = arith.constant 0 : i32
      %dma_start3A_258 = arith.constant 0 : i32
      %dma_start3A_259 = tpu.memref_slice %arg5[%dma_start3A_257, %dma_start3A_258] : memref<2500x128xi32, #tpu.memory_space<hbm>> -> memref<2500x128xi32, #tpu.memory_space<hbm>>
      tpu.enqueue_indirect_dma source(%dma_start3A_259 : memref<2500x128xi32, #tpu.memory_space<hbm>>) target(%dma_start3A_256 : memref<16x128xi32, #tpu.memory_space<vmem>>) offsets(%select_n3A_203 : vector<16xi32>) semaphore(%run_scoped3A_254 : memref<!tpu.dma_semaphore, #tpu.memory_space<semaphore_mem>>)
      %dma_wait3A = arith.constant 144 : i32
      %dma_wait3A_260 = arith.constant 0 : i32
      %dma_wait3A_261 = tpu.memref_slice %arg8[%dma_wait3A, %dma_wait3A_260] : memref<160x128xi32, #tpu.memory_space<vmem>> -> memref<16x128xi32, #tpu.memory_space<vmem>>
      %dma_wait3A_262 = arith.constant 0 : i32
      %dma_wait3A_263 = arith.constant 0 : i32
      %dma_wait3A_264 = tpu.memref_slice %arg5[%dma_wait3A_262, %dma_wait3A_263] : memref<2500x128xi32, #tpu.memory_space<hbm>> -> memref<2500x128xi32, #tpu.memory_space<hbm>>
      tpu.wait_indirect_dma semaphore(%run_scoped3A_254 : memref<!tpu.dma_semaphore, #tpu.memory_space<semaphore_mem>>) src(%dma_wait3A_264 : memref<2500x128xi32, #tpu.memory_space<hbm>>) dst(%dma_wait3A_261 : memref<16x128xi32, #tpu.memory_space<vmem>>)
      tpu.yield
    }) : () -> ()
    %broadcast_in_dim3A_204 = arith.constant 0.000000e+00 : f32
    %broadcast_in_dim3A_205 = vector.broadcast %broadcast_in_dim3A_204 : f32 to vector<16xf32>
    %scan3A = arith.constant 0 : i32
    %scan3A_206 = arith.constant 0 : i32
    %scan3A_207 = arith.constant 0 : i32
    %scan3A_208 = arith.constant 128 : i32
    %scan3A_209 = arith.addi %scan3A_207, %scan3A_208 : i32
    %scan3A_210 = arith.constant 1 : i32
    scf.for %scan3A_254 = %scan3A_207 to %scan3A_209 step %scan3A_210  : i32 {
      %swap3A = arith.constant 0 : i32
      %swap3A_255 = arith.constant 0 : i32
      %swap3A_256 = tpu.memref_slice %arg9[%scan3A_206, %swap3A, %swap3A_255] : memref<6x128x64xf32, #tpu.memory_space<vmem>> -> memref<1x128x64xf32, #tpu.memory_space<vmem>>
      %swap3A_257 = tpu.memref_squeeze %swap3A_256 : memref<1x128x64xf32, #tpu.memory_space<vmem>> -> memref<128x64xf32, #tpu.memory_space<vmem>>
      %swap3A_258 = arith.index_cast %scan3A_254 : i32 to index
      %swap3A_259 = arith.constant 0 : index
      %swap3A_260 = tpu.vector_load %swap3A_257[%swap3A_258, %swap3A_259] {strides = array<i32>} : memref<128x64xf32, #tpu.memory_space<vmem>>, vector<1x16xf32>,
      %swap3A_261 = vector.shape_cast %swap3A_260 : vector<1x16xf32> to vector<16xf32>
      %swap3A_262 = vector.shape_cast %broadcast_in_dim3A_205 : vector<16xf32> to vector<1x16xf32>
      tpu.vector_store %swap3A_257[%swap3A_258, %swap3A_259], %swap3A_262 {strides = array<i32>} : memref<128x64xf32, #tpu.memory_space<vmem>>, vector<1x16xf32>,
      %swap3A_263 = arith.constant 0 : i32
      %swap3A_264 = arith.constant 0 : i32
      %swap3A_265 = tpu.memref_slice %arg9[%scan3A_206, %swap3A_263, %swap3A_264] : memref<6x128x64xf32, #tpu.memory_space<vmem>> -> memref<1x128x64xf32, #tpu.memory_space<vmem>>
      %swap3A_266 = tpu.memref_squeeze %swap3A_265 : memref<1x128x64xf32, #tpu.memory_space<vmem>> -> memref<128x64xf32, #tpu.memory_space<vmem>>
      %swap3A_267 = arith.index_cast %scan3A_254 : i32 to index
      %swap3A_268 = arith.constant 16 : index
      %swap3A_269 = tpu.vector_load %swap3A_266[%swap3A_267, %swap3A_268] {strides = array<i32>} : memref<128x64xf32, #tpu.memory_space<vmem>>, vector<1x16xf32>,
      %swap3A_270 = vector.shape_cast %swap3A_269 : vector<1x16xf32> to vector<16xf32>
      %swap3A_271 = vector.shape_cast %broadcast_in_dim3A_205 : vector<16xf32> to vector<1x16xf32>
      tpu.vector_store %swap3A_266[%swap3A_267, %swap3A_268], %swap3A_271 {strides = array<i32>} : memref<128x64xf32, #tpu.memory_space<vmem>>, vector<1x16xf32>,
      %swap3A_272 = arith.constant 0 : i32
      %swap3A_273 = arith.constant 0 : i32
      %swap3A_274 = tpu.memref_slice %arg9[%scan3A_206, %swap3A_272, %swap3A_273] : memref<6x128x64xf32, #tpu.memory_space<vmem>> -> memref<1x128x64xf32, #tpu.memory_space<vmem>>
      %swap3A_275 = tpu.memref_squeeze %swap3A_274 : memref<1x128x64xf32, #tpu.memory_space<vmem>> -> memref<128x64xf32, #tpu.memory_space<vmem>>
      %swap3A_276 = arith.index_cast %scan3A_254 : i32 to index
      %swap3A_277 = arith.constant 32 : index
      %swap3A_278 = tpu.vector_load %swap3A_275[%swap3A_276, %swap3A_277] {strides = array<i32>} : memref<128x64xf32, #tpu.memory_space<vmem>>, vector<1x16xf32>,
      %swap3A_279 = vector.shape_cast %swap3A_278 : vector<1x16xf32> to vector<16xf32>
      %swap3A_280 = vector.shape_cast %broadcast_in_dim3A_205 : vector<16xf32> to vector<1x16xf32>
      tpu.vector_store %swap3A_275[%swap3A_276, %swap3A_277], %swap3A_280 {strides = array<i32>} : memref<128x64xf32, #tpu.memory_space<vmem>>, vector<1x16xf32>,
      %swap3A_281 = arith.constant 0 : i32
      %swap3A_282 = arith.constant 0 : i32
      %swap3A_283 = tpu.memref_slice %arg9[%scan3A_206, %swap3A_281, %swap3A_282] : memref<6x128x64xf32, #tpu.memory_space<vmem>> -> memref<1x128x64xf32, #tpu.memory_space<vmem>>
      %swap3A_284 = tpu.memref_squeeze %swap3A_283 : memref<1x128x64xf32, #tpu.memory_space<vmem>> -> memref<128x64xf32, #tpu.memory_space<vmem>>
      %swap3A_285 = arith.index_cast %scan3A_254 : i32 to index
      %swap3A_286 = arith.constant 48 : index
      %swap3A_287 = tpu.vector_load %swap3A_284[%swap3A_285, %swap3A_286] {strides = array<i32>} : memref<128x64xf32, #tpu.memory_space<vmem>>, vector<1x16xf32>,
      %swap3A_288 = vector.shape_cast %swap3A_287 : vector<1x16xf32> to vector<16xf32>
      %swap3A_289 = vector.shape_cast %broadcast_in_dim3A_205 : vector<16xf32> to vector<1x16xf32>
      tpu.vector_store %swap3A_284[%swap3A_285, %swap3A_286], %swap3A_289 {strides = array<i32>} : memref<128x64xf32, #tpu.memory_space<vmem>>, vector<1x16xf32>,
    }
    %scan3A_211 = arith.constant 128 : i32
    %mul3A_212 = arith.constant 625 : i32
    %mul3A_213 = arith.muli %arg1, %mul3A_212 : i32
    %add3A_214 = arith.constant 0 : i32
    %add3A_215 = arith.addi %mul3A_213, %add3A_214 : i32
    %run_scoped3A = arith.constant 0 : i32
    "tpu.region"() ({
      %run_scoped3A_254 = tpu.sem_alloc : memref<!tpu.dma_semaphore, #tpu.memory_space<semaphore_mem>>
      %dma_start3A = arith.constant 0 : i32
      %dma_start3A_255 = arith.constant 0 : i32
      %dma_start3A_256 = tpu.memref_slice %arg9[%run_scoped3A, %dma_start3A, %dma_start3A_255] : memref<6x128x64xf32, #tpu.memory_space<vmem>> -> memref<1x128x64xf32, #tpu.memory_space<vmem>>
      %dma_start3A_257 = tpu.memref_squeeze %dma_start3A_256 : memref<1x128x64xf32, #tpu.memory_space<vmem>> -> memref<128x64xf32, #tpu.memory_space<vmem>>
      %dma_start3A_258 = arith.constant 0 : i32
      %dma_start3A_259 = arith.constant 0 : i32
      %dma_start3A_260 = tpu.memref_slice %dma_start3A_257[%dma_start3A_258, %dma_start3A_259] : memref<128x64xf32, #tpu.memory_space<vmem>> -> memref<128x64xf32, #tpu.memory_space<vmem>>
      %dma_start3A_261 = arith.constant 0 : i32
      %dma_start3A_262 = tpu.memref_slice %arg10[%add3A_215, %dma_start3A_261] : memref<10000x64xf32, #tpu.memory_space<vmem_shared>> -> memref<128x64xf32, #tpu.memory_space<vmem_shared>>
      %dma_start3A_263 = arith.constant 0 : i32
      %dma_start3A_264 = tpu.memref_slice %arg10[%add3A_215, %dma_start3A_263] : memref<10000x64xf32, #tpu.memory_space<vmem_shared>> -> memref<128x64xf32, #tpu.memory_space<vmem_shared>>
      %dma_start3A_265 = arith.constant 0 : i32
      %dma_start3A_266 = arith.constant 0 : i32
      %dma_start3A_267 = tpu.memref_slice %arg9[%run_scoped3A, %dma_start3A_265, %dma_start3A_266] : memref<6x128x64xf32, #tpu.memory_space<vmem>> -> memref<1x128x64xf32, #tpu.memory_space<vmem>>
      %dma_start3A_268 = tpu.memref_squeeze %dma_start3A_267 : memref<1x128x64xf32, #tpu.memory_space<vmem>> -> memref<128x64xf32, #tpu.memory_space<vmem>>
      %dma_start3A_269 = arith.constant 0 : i32
      %dma_start3A_270 = arith.constant 0 : i32
      %dma_start3A_271 = tpu.memref_slice %dma_start3A_268[%dma_start3A_269, %dma_start3A_270] : memref<128x64xf32, #tpu.memory_space<vmem>> -> memref<128x64xf32, #tpu.memory_space<vmem>>
      tpu.enqueue_dma source(%dma_start3A_271 : memref<128x64xf32, #tpu.memory_space<vmem>>) target(%dma_start3A_264 : memref<128x64xf32, #tpu.memory_space<vmem_shared>>) target_semaphore(%run_scoped3A_254 : memref<!tpu.dma_semaphore, #tpu.memory_space<semaphore_mem>>)
      %dma_wait3A = arith.constant 0 : i32
      %dma_wait3A_272 = arith.constant 0 : i32
      %dma_wait3A_273 = tpu.memref_slice %arg9[%run_scoped3A, %dma_wait3A, %dma_wait3A_272] : memref<6x128x64xf32, #tpu.memory_space<vmem>> -> memref<1x128x64xf32, #tpu.memory_space<vmem>>
      %dma_wait3A_274 = tpu.memref_squeeze %dma_wait3A_273 : memref<1x128x64xf32, #tpu.memory_space<vmem>> -> memref<128x64xf32, #tpu.memory_space<vmem>>
      %dma_wait3A_275 = arith.constant 0 : i32
      %dma_wait3A_276 = arith.constant 0 : i32
      %dma_wait3A_277 = tpu.memref_slice %dma_wait3A_274[%dma_wait3A_275, %dma_wait3A_276] : memref<128x64xf32, #tpu.memory_space<vmem>> -> memref<128x64xf32, #tpu.memory_space<vmem>>
      %dma_wait3A_278 = arith.constant 0 : i32
      %dma_wait3A_279 = tpu.memref_slice %arg10[%add3A_215, %dma_wait3A_278] : memref<10000x64xf32, #tpu.memory_space<vmem_shared>> -> memref<128x64xf32, #tpu.memory_space<vmem_shared>>
      %dma_wait3A_280 = arith.constant 0 : i32
      %dma_wait3A_281 = tpu.memref_slice %arg10[%add3A_215, %dma_wait3A_280] : memref<10000x64xf32, #tpu.memory_space<vmem_shared>> -> memref<128x64xf32, #tpu.memory_space<vmem_shared>>
      %dma_wait3A_282 = arith.constant 0 : i32
      %dma_wait3A_283 = arith.constant 0 : i32
      %dma_wait3A_284 = tpu.memref_slice %arg9[%run_scoped3A, %dma_wait3A_282, %dma_wait3A_283] : memref<6x128x64xf32, #tpu.memory_space<vmem>> -> memref<1x128x64xf32, #tpu.memory_space<vmem>>
      %dma_wait3A_285 = tpu.memref_squeeze %dma_wait3A_284 : memref<1x128x64xf32, #tpu.memory_space<vmem>> -> memref<128x64xf32, #tpu.memory_space<vmem>>
      %dma_wait3A_286 = arith.constant 0 : i32
      %dma_wait3A_287 = arith.constant 0 : i32
      %dma_wait3A_288 = tpu.memref_slice %dma_wait3A_285[%dma_wait3A_286, %dma_wait3A_287] : memref<128x64xf32, #tpu.memory_space<vmem>> -> memref<128x64xf32, #tpu.memory_space<vmem>>
      tpu.wait_dma2 semaphore(%run_scoped3A_254 : memref<!tpu.dma_semaphore, #tpu.memory_space<semaphore_mem>>) src(%dma_wait3A_288 : memref<128x64xf32, #tpu.memory_space<vmem>>) dst(%dma_wait3A_281 : memref<128x64xf32, #tpu.memory_space<vmem_shared>>)
      tpu.yield
    }) : () -> ()
    %mul3A_216 = arith.constant 625 : i32
    %mul3A_217 = arith.muli %arg1, %mul3A_216 : i32
    %add3A_218 = arith.constant 128 : i32
    %add3A_219 = arith.addi %mul3A_217, %add3A_218 : i32
    %run_scoped3A_220 = arith.constant 0 : i32
    "tpu.region"() ({
      %run_scoped3A_254 = tpu.sem_alloc : memref<!tpu.dma_semaphore, #tpu.memory_space<semaphore_mem>>
      %dma_start3A = arith.constant 0 : i32
      %dma_start3A_255 = arith.constant 0 : i32
      %dma_start3A_256 = tpu.memref_slice %arg9[%run_scoped3A_220, %dma_start3A, %dma_start3A_255] : memref<6x128x64xf32, #tpu.memory_space<vmem>> -> memref<1x128x64xf32, #tpu.memory_space<vmem>>
      %dma_start3A_257 = tpu.memref_squeeze %dma_start3A_256 : memref<1x128x64xf32, #tpu.memory_space<vmem>> -> memref<128x64xf32, #tpu.memory_space<vmem>>
      %dma_start3A_258 = arith.constant 0 : i32
      %dma_start3A_259 = arith.constant 0 : i32
      %dma_start3A_260 = tpu.memref_slice %dma_start3A_257[%dma_start3A_258, %dma_start3A_259] : memref<128x64xf32, #tpu.memory_space<vmem>> -> memref<128x64xf32, #tpu.memory_space<vmem>>
      %dma_start3A_261 = arith.constant 0 : i32
      %dma_start3A_262 = tpu.memref_slice %arg10[%add3A_219, %dma_start3A_261] : memref<10000x64xf32, #tpu.memory_space<vmem_shared>> -> memref<128x64xf32, #tpu.memory_space<vmem_shared>>
      %dma_start3A_263 = arith.constant 0 : i32
      %dma_start3A_264 = tpu.memref_slice %arg10[%add3A_219, %dma_start3A_263] : memref<10000x64xf32, #tpu.memory_space<vmem_shared>> -> memref<128x64xf32, #tpu.memory_space<vmem_shared>>
      %dma_start3A_265 = arith.constant 0 : i32
      %dma_start3A_266 = arith.constant 0 : i32
      %dma_start3A_267 = tpu.memref_slice %arg9[%run_scoped3A_220, %dma_start3A_265, %dma_start3A_266] : memref<6x128x64xf32, #tpu.memory_space<vmem>> -> memref<1x128x64xf32, #tpu.memory_space<vmem>>
      %dma_start3A_268 = tpu.memref_squeeze %dma_start3A_267 : memref<1x128x64xf32, #tpu.memory_space<vmem>> -> memref<128x64xf32, #tpu.memory_space<vmem>>
      %dma_start3A_269 = arith.constant 0 : i32
      %dma_start3A_270 = arith.constant 0 : i32
      %dma_start3A_271 = tpu.memref_slice %dma_start3A_268[%dma_start3A_269, %dma_start3A_270] : memref<128x64xf32, #tpu.memory_space<vmem>> -> memref<128x64xf32, #tpu.memory_space<vmem>>
      tpu.enqueue_dma source(%dma_start3A_271 : memref<128x64xf32, #tpu.memory_space<vmem>>) target(%dma_start3A_264 : memref<128x64xf32, #tpu.memory_space<vmem_shared>>) target_semaphore(%run_scoped3A_254 : memref<!tpu.dma_semaphore, #tpu.memory_space<semaphore_mem>>)
      %dma_wait3A = arith.constant 0 : i32
      %dma_wait3A_272 = arith.constant 0 : i32
      %dma_wait3A_273 = tpu.memref_slice %arg9[%run_scoped3A_220, %dma_wait3A, %dma_wait3A_272] : memref<6x128x64xf32, #tpu.memory_space<vmem>> -> memref<1x128x64xf32, #tpu.memory_space<vmem>>
      %dma_wait3A_274 = tpu.memref_squeeze %dma_wait3A_273 : memref<1x128x64xf32, #tpu.memory_space<vmem>> -> memref<128x64xf32, #tpu.memory_space<vmem>>
      %dma_wait3A_275 = arith.constant 0 : i32
      %dma_wait3A_276 = arith.constant 0 : i32
      %dma_wait3A_277 = tpu.memref_slice %dma_wait3A_274[%dma_wait3A_275, %dma_wait3A_276] : memref<128x64xf32, #tpu.memory_space<vmem>> -> memref<128x64xf32, #tpu.memory_space<vmem>>
      %dma_wait3A_278 = arith.constant 0 : i32
      %dma_wait3A_279 = tpu.memref_slice %arg10[%add3A_219, %dma_wait3A_278] : memref<10000x64xf32, #tpu.memory_space<vmem_shared>> -> memref<128x64xf32, #tpu.memory_space<vmem_shared>>
      %dma_wait3A_280 = arith.constant 0 : i32
      %dma_wait3A_281 = tpu.memref_slice %arg10[%add3A_219, %dma_wait3A_280] : memref<10000x64xf32, #tpu.memory_space<vmem_shared>> -> memref<128x64xf32, #tpu.memory_space<vmem_shared>>
      %dma_wait3A_282 = arith.constant 0 : i32
      %dma_wait3A_283 = arith.constant 0 : i32
      %dma_wait3A_284 = tpu.memref_slice %arg9[%run_scoped3A_220, %dma_wait3A_282, %dma_wait3A_283] : memref<6x128x64xf32, #tpu.memory_space<vmem>> -> memref<1x128x64xf32, #tpu.memory_space<vmem>>
      %dma_wait3A_285 = tpu.memref_squeeze %dma_wait3A_284 : memref<1x128x64xf32, #tpu.memory_space<vmem>> -> memref<128x64xf32, #tpu.memory_space<vmem>>
      %dma_wait3A_286 = arith.constant 0 : i32
      %dma_wait3A_287 = arith.constant 0 : i32
      %dma_wait3A_288 = tpu.memref_slice %dma_wait3A_285[%dma_wait3A_286, %dma_wait3A_287] : memref<128x64xf32, #tpu.memory_space<vmem>> -> memref<128x64xf32, #tpu.memory_space<vmem>>
      tpu.wait_dma2 semaphore(%run_scoped3A_254 : memref<!tpu.dma_semaphore, #tpu.memory_space<semaphore_mem>>) src(%dma_wait3A_288 : memref<128x64xf32, #tpu.memory_space<vmem>>) dst(%dma_wait3A_281 : memref<128x64xf32, #tpu.memory_space<vmem_shared>>)
      tpu.yield
    }) : () -> ()
    %mul3A_221 = arith.constant 625 : i32
    %mul3A_222 = arith.muli %arg1, %mul3A_221 : i32
    %add3A_223 = arith.constant 256 : i32
    %add3A_224 = arith.addi %mul3A_222, %add3A_223 : i32
    %run_scoped3A_225 = arith.constant 0 : i32
    "tpu.region"() ({
      %run_scoped3A_254 = tpu.sem_alloc : memref<!tpu.dma_semaphore, #tpu.memory_space<semaphore_mem>>
      %dma_start3A = arith.constant 0 : i32
      %dma_start3A_255 = arith.constant 0 : i32
      %dma_start3A_256 = tpu.memref_slice %arg9[%run_scoped3A_225, %dma_start3A, %dma_start3A_255] : memref<6x128x64xf32, #tpu.memory_space<vmem>> -> memref<1x128x64xf32, #tpu.memory_space<vmem>>
      %dma_start3A_257 = tpu.memref_squeeze %dma_start3A_256 : memref<1x128x64xf32, #tpu.memory_space<vmem>> -> memref<128x64xf32, #tpu.memory_space<vmem>>
      %dma_start3A_258 = arith.constant 0 : i32
      %dma_start3A_259 = arith.constant 0 : i32
      %dma_start3A_260 = tpu.memref_slice %dma_start3A_257[%dma_start3A_258, %dma_start3A_259] : memref<128x64xf32, #tpu.memory_space<vmem>> -> memref<128x64xf32, #tpu.memory_space<vmem>>
      %dma_start3A_261 = arith.constant 0 : i32
      %dma_start3A_262 = tpu.memref_slice %arg10[%add3A_224, %dma_start3A_261] : memref<10000x64xf32, #tpu.memory_space<vmem_shared>> -> memref<128x64xf32, #tpu.memory_space<vmem_shared>>
      %dma_start3A_263 = arith.constant 0 : i32
      %dma_start3A_264 = tpu.memref_slice %arg10[%add3A_224, %dma_start3A_263] : memref<10000x64xf32, #tpu.memory_space<vmem_shared>> -> memref<128x64xf32, #tpu.memory_space<vmem_shared>>
      %dma_start3A_265 = arith.constant 0 : i32
      %dma_start3A_266 = arith.constant 0 : i32
      %dma_start3A_267 = tpu.memref_slice %arg9[%run_scoped3A_225, %dma_start3A_265, %dma_start3A_266] : memref<6x128x64xf32, #tpu.memory_space<vmem>> -> memref<1x128x64xf32, #tpu.memory_space<vmem>>
      %dma_start3A_268 = tpu.memref_squeeze %dma_start3A_267 : memref<1x128x64xf32, #tpu.memory_space<vmem>> -> memref<128x64xf32, #tpu.memory_space<vmem>>
      %dma_start3A_269 = arith.constant 0 : i32
      %dma_start3A_270 = arith.constant 0 : i32
      %dma_start3A_271 = tpu.memref_slice %dma_start3A_268[%dma_start3A_269, %dma_start3A_270] : memref<128x64xf32, #tpu.memory_space<vmem>> -> memref<128x64xf32, #tpu.memory_space<vmem>>
      tpu.enqueue_dma source(%dma_start3A_271 : memref<128x64xf32, #tpu.memory_space<vmem>>) target(%dma_start3A_264 : memref<128x64xf32, #tpu.memory_space<vmem_shared>>) target_semaphore(%run_scoped3A_254 : memref<!tpu.dma_semaphore, #tpu.memory_space<semaphore_mem>>)
      %dma_wait3A = arith.constant 0 : i32
      %dma_wait3A_272 = arith.constant 0 : i32
      %dma_wait3A_273 = tpu.memref_slice %arg9[%run_scoped3A_225, %dma_wait3A, %dma_wait3A_272] : memref<6x128x64xf32, #tpu.memory_space<vmem>> -> memref<1x128x64xf32, #tpu.memory_space<vmem>>
      %dma_wait3A_274 = tpu.memref_squeeze %dma_wait3A_273 : memref<1x128x64xf32, #tpu.memory_space<vmem>> -> memref<128x64xf32, #tpu.memory_space<vmem>>
      %dma_wait3A_275 = arith.constant 0 : i32
      %dma_wait3A_276 = arith.constant 0 : i32
      %dma_wait3A_277 = tpu.memref_slice %dma_wait3A_274[%dma_wait3A_275, %dma_wait3A_276] : memref<128x64xf32, #tpu.memory_space<vmem>> -> memref<128x64xf32, #tpu.memory_space<vmem>>
      %dma_wait3A_278 = arith.constant 0 : i32
      %dma_wait3A_279 = tpu.memref_slice %arg10[%add3A_224, %dma_wait3A_278] : memref<10000x64xf32, #tpu.memory_space<vmem_shared>> -> memref<128x64xf32, #tpu.memory_space<vmem_shared>>
      %dma_wait3A_280 = arith.constant 0 : i32
      %dma_wait3A_281 = tpu.memref_slice %arg10[%add3A_224, %dma_wait3A_280] : memref<10000x64xf32, #tpu.memory_space<vmem_shared>> -> memref<128x64xf32, #tpu.memory_space<vmem_shared>>
      %dma_wait3A_282 = arith.constant 0 : i32
      %dma_wait3A_283 = arith.constant 0 : i32
      %dma_wait3A_284 = tpu.memref_slice %arg9[%run_scoped3A_225, %dma_wait3A_282, %dma_wait3A_283] : memref<6x128x64xf32, #tpu.memory_space<vmem>> -> memref<1x128x64xf32, #tpu.memory_space<vmem>>
      %dma_wait3A_285 = tpu.memref_squeeze %dma_wait3A_284 : memref<1x128x64xf32, #tpu.memory_space<vmem>> -> memref<128x64xf32, #tpu.memory_space<vmem>>
      %dma_wait3A_286 = arith.constant 0 : i32
      %dma_wait3A_287 = arith.constant 0 : i32
      %dma_wait3A_288 = tpu.memref_slice %dma_wait3A_285[%dma_wait3A_286, %dma_wait3A_287] : memref<128x64xf32, #tpu.memory_space<vmem>> -> memref<128x64xf32, #tpu.memory_space<vmem>>
      tpu.wait_dma2 semaphore(%run_scoped3A_254 : memref<!tpu.dma_semaphore, #tpu.memory_space<semaphore_mem>>) src(%dma_wait3A_288 : memref<128x64xf32, #tpu.memory_space<vmem>>) dst(%dma_wait3A_281 : memref<128x64xf32, #tpu.memory_space<vmem_shared>>)
      tpu.yield
    }) : () -> ()
    %mul3A_226 = arith.constant 625 : i32
    %mul3A_227 = arith.muli %arg1, %mul3A_226 : i32
    %add3A_228 = arith.constant 384 : i32
    %add3A_229 = arith.addi %mul3A_227, %add3A_228 : i32
    %run_scoped3A_230 = arith.constant 0 : i32
    "tpu.region"() ({
      %run_scoped3A_254 = tpu.sem_alloc : memref<!tpu.dma_semaphore, #tpu.memory_space<semaphore_mem>>
      %dma_start3A = arith.constant 0 : i32
      %dma_start3A_255 = arith.constant 0 : i32
      %dma_start3A_256 = tpu.memref_slice %arg9[%run_scoped3A_230, %dma_start3A, %dma_start3A_255] : memref<6x128x64xf32, #tpu.memory_space<vmem>> -> memref<1x128x64xf32, #tpu.memory_space<vmem>>
      %dma_start3A_257 = tpu.memref_squeeze %dma_start3A_256 : memref<1x128x64xf32, #tpu.memory_space<vmem>> -> memref<128x64xf32, #tpu.memory_space<vmem>>
      %dma_start3A_258 = arith.constant 0 : i32
      %dma_start3A_259 = arith.constant 0 : i32
      %dma_start3A_260 = tpu.memref_slice %dma_start3A_257[%dma_start3A_258, %dma_start3A_259] : memref<128x64xf32, #tpu.memory_space<vmem>> -> memref<128x64xf32, #tpu.memory_space<vmem>>
      %dma_start3A_261 = arith.constant 0 : i32
      %dma_start3A_262 = tpu.memref_slice %arg10[%add3A_229, %dma_start3A_261] : memref<10000x64xf32, #tpu.memory_space<vmem_shared>> -> memref<128x64xf32, #tpu.memory_space<vmem_shared>>
      %dma_start3A_263 = arith.constant 0 : i32
      %dma_start3A_264 = tpu.memref_slice %arg10[%add3A_229, %dma_start3A_263] : memref<10000x64xf32, #tpu.memory_space<vmem_shared>> -> memref<128x64xf32, #tpu.memory_space<vmem_shared>>
      %dma_start3A_265 = arith.constant 0 : i32
      %dma_start3A_266 = arith.constant 0 : i32
      %dma_start3A_267 = tpu.memref_slice %arg9[%run_scoped3A_230, %dma_start3A_265, %dma_start3A_266] : memref<6x128x64xf32, #tpu.memory_space<vmem>> -> memref<1x128x64xf32, #tpu.memory_space<vmem>>
      %dma_start3A_268 = tpu.memref_squeeze %dma_start3A_267 : memref<1x128x64xf32, #tpu.memory_space<vmem>> -> memref<128x64xf32, #tpu.memory_space<vmem>>
      %dma_start3A_269 = arith.constant 0 : i32
      %dma_start3A_270 = arith.constant 0 : i32
      %dma_start3A_271 = tpu.memref_slice %dma_start3A_268[%dma_start3A_269, %dma_start3A_270] : memref<128x64xf32, #tpu.memory_space<vmem>> -> memref<128x64xf32, #tpu.memory_space<vmem>>
      tpu.enqueue_dma source(%dma_start3A_271 : memref<128x64xf32, #tpu.memory_space<vmem>>) target(%dma_start3A_264 : memref<128x64xf32, #tpu.memory_space<vmem_shared>>) target_semaphore(%run_scoped3A_254 : memref<!tpu.dma_semaphore, #tpu.memory_space<semaphore_mem>>)
      %dma_wait3A = arith.constant 0 : i32
      %dma_wait3A_272 = arith.constant 0 : i32
      %dma_wait3A_273 = tpu.memref_slice %arg9[%run_scoped3A_230, %dma_wait3A, %dma_wait3A_272] : memref<6x128x64xf32, #tpu.memory_space<vmem>> -> memref<1x128x64xf32, #tpu.memory_space<vmem>>
      %dma_wait3A_274 = tpu.memref_squeeze %dma_wait3A_273 : memref<1x128x64xf32, #tpu.memory_space<vmem>> -> memref<128x64xf32, #tpu.memory_space<vmem>>
      %dma_wait3A_275 = arith.constant 0 : i32
      %dma_wait3A_276 = arith.constant 0 : i32
      %dma_wait3A_277 = tpu.memref_slice %dma_wait3A_274[%dma_wait3A_275, %dma_wait3A_276] : memref<128x64xf32, #tpu.memory_space<vmem>> -> memref<128x64xf32, #tpu.memory_space<vmem>>
      %dma_wait3A_278 = arith.constant 0 : i32
      %dma_wait3A_279 = tpu.memref_slice %arg10[%add3A_229, %dma_wait3A_278] : memref<10000x64xf32, #tpu.memory_space<vmem_shared>> -> memref<128x64xf32, #tpu.memory_space<vmem_shared>>
      %dma_wait3A_280 = arith.constant 0 : i32
      %dma_wait3A_281 = tpu.memref_slice %arg10[%add3A_229, %dma_wait3A_280] : memref<10000x64xf32, #tpu.memory_space<vmem_shared>> -> memref<128x64xf32, #tpu.memory_space<vmem_shared>>
      %dma_wait3A_282 = arith.constant 0 : i32
      %dma_wait3A_283 = arith.constant 0 : i32
      %dma_wait3A_284 = tpu.memref_slice %arg9[%run_scoped3A_230, %dma_wait3A_282, %dma_wait3A_283] : memref<6x128x64xf32, #tpu.memory_space<vmem>> -> memref<1x128x64xf32, #tpu.memory_space<vmem>>
      %dma_wait3A_285 = tpu.memref_squeeze %dma_wait3A_284 : memref<1x128x64xf32, #tpu.memory_space<vmem>> -> memref<128x64xf32, #tpu.memory_space<vmem>>
      %dma_wait3A_286 = arith.constant 0 : i32
      %dma_wait3A_287 = arith.constant 0 : i32
      %dma_wait3A_288 = tpu.memref_slice %dma_wait3A_285[%dma_wait3A_286, %dma_wait3A_287] : memref<128x64xf32, #tpu.memory_space<vmem>> -> memref<128x64xf32, #tpu.memory_space<vmem>>
      tpu.wait_dma2 semaphore(%run_scoped3A_254 : memref<!tpu.dma_semaphore, #tpu.memory_space<semaphore_mem>>) src(%dma_wait3A_288 : memref<128x64xf32, #tpu.memory_space<vmem>>) dst(%dma_wait3A_281 : memref<128x64xf32, #tpu.memory_space<vmem_shared>>)
      tpu.yield
    }) : () -> ()
    %mul3A_231 = arith.constant 625 : i32
    %mul3A_232 = arith.muli %arg1, %mul3A_231 : i32
    %add3A_233 = arith.constant 512 : i32
    %add3A_234 = arith.addi %mul3A_232, %add3A_233 : i32
    %run_scoped3A_235 = arith.constant 0 : i32
    "tpu.region"() ({
      %run_scoped3A_254 = tpu.sem_alloc : memref<!tpu.dma_semaphore, #tpu.memory_space<semaphore_mem>>
      %dma_start3A = arith.constant 0 : i32
      %dma_start3A_255 = arith.constant 0 : i32
      %dma_start3A_256 = tpu.memref_slice %arg9[%run_scoped3A_235, %dma_start3A, %dma_start3A_255] : memref<6x128x64xf32, #tpu.memory_space<vmem>> -> memref<1x128x64xf32, #tpu.memory_space<vmem>>
      %dma_start3A_257 = tpu.memref_squeeze %dma_start3A_256 : memref<1x128x64xf32, #tpu.memory_space<vmem>> -> memref<128x64xf32, #tpu.memory_space<vmem>>
      %dma_start3A_258 = arith.constant 0 : i32
      %dma_start3A_259 = arith.constant 0 : i32
      %dma_start3A_260 = tpu.memref_slice %dma_start3A_257[%dma_start3A_258, %dma_start3A_259] : memref<128x64xf32, #tpu.memory_space<vmem>> -> memref<113x64xf32, #tpu.memory_space<vmem>>
      %dma_start3A_261 = arith.constant 0 : i32
      %dma_start3A_262 = tpu.memref_slice %arg10[%add3A_234, %dma_start3A_261] : memref<10000x64xf32, #tpu.memory_space<vmem_shared>> -> memref<113x64xf32, #tpu.memory_space<vmem_shared>>
      %dma_start3A_263 = arith.constant 0 : i32
      %dma_start3A_264 = tpu.memref_slice %arg10[%add3A_234, %dma_start3A_263] : memref<10000x64xf32, #tpu.memory_space<vmem_shared>> -> memref<113x64xf32, #tpu.memory_space<vmem_shared>>
      %dma_start3A_265 = arith.constant 0 : i32
      %dma_start3A_266 = arith.constant 0 : i32
      %dma_start3A_267 = tpu.memref_slice %arg9[%run_scoped3A_235, %dma_start3A_265, %dma_start3A_266] : memref<6x128x64xf32, #tpu.memory_space<vmem>> -> memref<1x128x64xf32, #tpu.memory_space<vmem>>
      %dma_start3A_268 = tpu.memref_squeeze %dma_start3A_267 : memref<1x128x64xf32, #tpu.memory_space<vmem>> -> memref<128x64xf32, #tpu.memory_space<vmem>>
      %dma_start3A_269 = arith.constant 0 : i32
      %dma_start3A_270 = arith.constant 0 : i32
      %dma_start3A_271 = tpu.memref_slice %dma_start3A_268[%dma_start3A_269, %dma_start3A_270] : memref<128x64xf32, #tpu.memory_space<vmem>> -> memref<113x64xf32, #tpu.memory_space<vmem>>
      tpu.enqueue_dma source(%dma_start3A_271 : memref<113x64xf32, #tpu.memory_space<vmem>>) target(%dma_start3A_264 : memref<113x64xf32, #tpu.memory_space<vmem_shared>>) target_semaphore(%run_scoped3A_254 : memref<!tpu.dma_semaphore, #tpu.memory_space<semaphore_mem>>)
      %dma_wait3A = arith.constant 0 : i32
      %dma_wait3A_272 = arith.constant 0 : i32
      %dma_wait3A_273 = tpu.memref_slice %arg9[%run_scoped3A_235, %dma_wait3A, %dma_wait3A_272] : memref<6x128x64xf32, #tpu.memory_space<vmem>> -> memref<1x128x64xf32, #tpu.memory_space<vmem>>
      %dma_wait3A_274 = tpu.memref_squeeze %dma_wait3A_273 : memref<1x128x64xf32, #tpu.memory_space<vmem>> -> memref<128x64xf32, #tpu.memory_space<vmem>>
      %dma_wait3A_275 = arith.constant 0 : i32
      %dma_wait3A_276 = arith.constant 0 : i32
      %dma_wait3A_277 = tpu.memref_slice %dma_wait3A_274[%dma_wait3A_275, %dma_wait3A_276] : memref<128x64xf32, #tpu.memory_space<vmem>> -> memref<113x64xf32, #tpu.memory_space<vmem>>
      %dma_wait3A_278 = arith.constant 0 : i32
      %dma_wait3A_279 = tpu.memref_slice %arg10[%add3A_234, %dma_wait3A_278] : memref<10000x64xf32, #tpu.memory_space<vmem_shared>> -> memref<113x64xf32, #tpu.memory_space<vmem_shared>>
      %dma_wait3A_280 = arith.constant 0 : i32
      %dma_wait3A_281 = tpu.memref_slice %arg10[%add3A_234, %dma_wait3A_280] : memref<10000x64xf32, #tpu.memory_space<vmem_shared>> -> memref<113x64xf32, #tpu.memory_space<vmem_shared>>
      %dma_wait3A_282 = arith.constant 0 : i32
      %dma_wait3A_283 = arith.constant 0 : i32
      %dma_wait3A_284 = tpu.memref_slice %arg9[%run_scoped3A_235, %dma_wait3A_282, %dma_wait3A_283] : memref<6x128x64xf32, #tpu.memory_space<vmem>> -> memref<1x128x64xf32, #tpu.memory_space<vmem>>
      %dma_wait3A_285 = tpu.memref_squeeze %dma_wait3A_284 : memref<1x128x64xf32, #tpu.memory_space<vmem>> -> memref<128x64xf32, #tpu.memory_space<vmem>>
      %dma_wait3A_286 = arith.constant 0 : i32
      %dma_wait3A_287 = arith.constant 0 : i32
      %dma_wait3A_288 = tpu.memref_slice %dma_wait3A_285[%dma_wait3A_286, %dma_wait3A_287] : memref<128x64xf32, #tpu.memory_space<vmem>> -> memref<113x64xf32, #tpu.memory_space<vmem>>
      tpu.wait_dma2 semaphore(%run_scoped3A_254 : memref<!tpu.dma_semaphore, #tpu.memory_space<semaphore_mem>>) src(%dma_wait3A_288 : memref<113x64xf32, #tpu.memory_space<vmem>>) dst(%dma_wait3A_281 : memref<113x64xf32, #tpu.memory_space<vmem_shared>>)
      tpu.yield
    }) : () -> ()
    %barrier3A = arith.constant 0 : index
    tpu.barrier barrier_id(%barrier3A)
    %eq3A = arith.constant 0 : i32
    %eq3A_236 = arith.cmpi eq, %arg0, %eq3A : i32
    %convert_element_type3A = arith.extui %eq3A_236 : i1 to i32
    %cond3A = arith.constant 0 : i32
    %cond3A_237 = arith.cmpi ne, %convert_element_type3A, %cond3A : i32
    scf.if %cond3A_237 {
      %dma_start3A = arith.constant 0 : i32
      %dma_start3A_254 = arith.constant 0 : i32
      %dma_start3A_255 = arith.constant 0 : i32
      %dma_start3A_256 = arith.constant 0 : i32
      %dma_start3A_257 = tpu.memref_slice %arg9[%dma_start3A_254, %dma_start3A_255, %dma_start3A_256] : memref<6x128x64xf32, #tpu.memory_space<vmem>> -> memref<1x128x64xf32, #tpu.memory_space<vmem>>
      %dma_start3A_258 = tpu.memref_squeeze %dma_start3A_257 : memref<1x128x64xf32, #tpu.memory_space<vmem>> -> memref<128x64xf32, #tpu.memory_space<vmem>>
      %dma_start3A_259 = arith.constant 0 : i32
      %dma_start3A_260 = tpu.memref_slice %arg7[%dma_start3A, %dma_start3A_259] : memref<160x128xi32, #tpu.memory_space<vmem>> -> memref<1x128xi32, #tpu.memory_space<vmem>>
      %dma_start3A_261 = tpu.memref_squeeze %dma_start3A_260 : memref<1x128xi32, #tpu.memory_space<vmem>> -> memref<128xi32, #tpu.memory_space<vmem>>
      %dma_start3A_262 = arith.constant 0 : i32
      %dma_start3A_263 = arith.constant 0 : i32
      %dma_start3A_264 = tpu.memref_slice %arg2[%dma_start3A_262, %dma_start3A_263] : memref<10000x64xf32, #tpu.memory_space<hbm>> -> memref<10000x64xf32, #tpu.memory_space<hbm>>
      tpu.enqueue_indirect_dma source(%dma_start3A_264 : memref<10000x64xf32, #tpu.memory_space<hbm>>) target(%dma_start3A_258 : memref<128x64xf32, #tpu.memory_space<vmem>>) offsets(%dma_start3A_261 : memref<128xi32, #tpu.memory_space<vmem>>) semaphore(%arg11 : memref<!tpu.dma_semaphore, #tpu.memory_space<semaphore_mem>>)
      %dma_start3A_265 = arith.constant 1 : i32
      %dma_start3A_266 = arith.constant 1 : i32
      %dma_start3A_267 = arith.constant 0 : i32
      %dma_start3A_268 = arith.constant 0 : i32
      %dma_start3A_269 = tpu.memref_slice %arg9[%dma_start3A_266, %dma_start3A_267, %dma_start3A_268] : memref<6x128x64xf32, #tpu.memory_space<vmem>> -> memref<1x128x64xf32, #tpu.memory_space<vmem>>
      %dma_start3A_270 = tpu.memref_squeeze %dma_start3A_269 : memref<1x128x64xf32, #tpu.memory_space<vmem>> -> memref<128x64xf32, #tpu.memory_space<vmem>>
      %dma_start3A_271 = arith.constant 0 : i32
      %dma_start3A_272 = tpu.memref_slice %arg7[%dma_start3A_265, %dma_start3A_271] : memref<160x128xi32, #tpu.memory_space<vmem>> -> memref<1x128xi32, #tpu.memory_space<vmem>>
      %dma_start3A_273 = tpu.memref_squeeze %dma_start3A_272 : memref<1x128xi32, #tpu.memory_space<vmem>> -> memref<128xi32, #tpu.memory_space<vmem>>
      %dma_start3A_274 = arith.constant 0 : i32
      %dma_start3A_275 = arith.constant 0 : i32
      %dma_start3A_276 = tpu.memref_slice %arg2[%dma_start3A_274, %dma_start3A_275] : memref<10000x64xf32, #tpu.memory_space<hbm>> -> memref<10000x64xf32, #tpu.memory_space<hbm>>
      tpu.enqueue_indirect_dma source(%dma_start3A_276 : memref<10000x64xf32, #tpu.memory_space<hbm>>) target(%dma_start3A_270 : memref<128x64xf32, #tpu.memory_space<vmem>>) offsets(%dma_start3A_273 : memref<128xi32, #tpu.memory_space<vmem>>) semaphore(%arg12 : memref<!tpu.dma_semaphore, #tpu.memory_space<semaphore_mem>>)
      %dma_start3A_277 = arith.constant 2 : i32
      %dma_start3A_278 = arith.constant 2 : i32
      %dma_start3A_279 = arith.constant 0 : i32
      %dma_start3A_280 = arith.constant 0 : i32
      %dma_start3A_281 = tpu.memref_slice %arg9[%dma_start3A_278, %dma_start3A_279, %dma_start3A_280] : memref<6x128x64xf32, #tpu.memory_space<vmem>> -> memref<1x128x64xf32, #tpu.memory_space<vmem>>
      %dma_start3A_282 = tpu.memref_squeeze %dma_start3A_281 : memref<1x128x64xf32, #tpu.memory_space<vmem>> -> memref<128x64xf32, #tpu.memory_space<vmem>>
      %dma_start3A_283 = arith.constant 0 : i32
      %dma_start3A_284 = tpu.memref_slice %arg7[%dma_start3A_277, %dma_start3A_283] : memref<160x128xi32, #tpu.memory_space<vmem>> -> memref<1x128xi32, #tpu.memory_space<vmem>>
      %dma_start3A_285 = tpu.memref_squeeze %dma_start3A_284 : memref<1x128xi32, #tpu.memory_space<vmem>> -> memref<128xi32, #tpu.memory_space<vmem>>
      %dma_start3A_286 = arith.constant 0 : i32
      %dma_start3A_287 = arith.constant 0 : i32
      %dma_start3A_288 = tpu.memref_slice %arg2[%dma_start3A_286, %dma_start3A_287] : memref<10000x64xf32, #tpu.memory_space<hbm>> -> memref<10000x64xf32, #tpu.memory_space<hbm>>
      tpu.enqueue_indirect_dma source(%dma_start3A_288 : memref<10000x64xf32, #tpu.memory_space<hbm>>) target(%dma_start3A_282 : memref<128x64xf32, #tpu.memory_space<vmem>>) offsets(%dma_start3A_285 : memref<128xi32, #tpu.memory_space<vmem>>) semaphore(%arg13 : memref<!tpu.dma_semaphore, #tpu.memory_space<semaphore_mem>>)
      %dma_start3A_289 = arith.constant 3 : i32
      %dma_start3A_290 = arith.constant 3 : i32
      %dma_start3A_291 = arith.constant 0 : i32
      %dma_start3A_292 = arith.constant 0 : i32
      %dma_start3A_293 = tpu.memref_slice %arg9[%dma_start3A_290, %dma_start3A_291, %dma_start3A_292] : memref<6x128x64xf32, #tpu.memory_space<vmem>> -> memref<1x128x64xf32, #tpu.memory_space<vmem>>
      %dma_start3A_294 = tpu.memref_squeeze %dma_start3A_293 : memref<1x128x64xf32, #tpu.memory_space<vmem>> -> memref<128x64xf32, #tpu.memory_space<vmem>>
      %dma_start3A_295 = arith.constant 0 : i32
      %dma_start3A_296 = tpu.memref_slice %arg7[%dma_start3A_289, %dma_start3A_295] : memref<160x128xi32, #tpu.memory_space<vmem>> -> memref<1x128xi32, #tpu.memory_space<vmem>>
      %dma_start3A_297 = tpu.memref_squeeze %dma_start3A_296 : memref<1x128xi32, #tpu.memory_space<vmem>> -> memref<128xi32, #tpu.memory_space<vmem>>
      %dma_start3A_298 = arith.constant 0 : i32
      %dma_start3A_299 = arith.constant 0 : i32
      %dma_start3A_300 = tpu.memref_slice %arg2[%dma_start3A_298, %dma_start3A_299] : memref<10000x64xf32, #tpu.memory_space<hbm>> -> memref<10000x64xf32, #tpu.memory_space<hbm>>
      tpu.enqueue_indirect_dma source(%dma_start3A_300 : memref<10000x64xf32, #tpu.memory_space<hbm>>) target(%dma_start3A_294 : memref<128x64xf32, #tpu.memory_space<vmem>>) offsets(%dma_start3A_297 : memref<128xi32, #tpu.memory_space<vmem>>) semaphore(%arg14 : memref<!tpu.dma_semaphore, #tpu.memory_space<semaphore_mem>>)
      %dma_start3A_301 = arith.constant 4 : i32
      %dma_start3A_302 = arith.constant 4 : i32
      %dma_start3A_303 = arith.constant 0 : i32
      %dma_start3A_304 = arith.constant 0 : i32
      %dma_start3A_305 = tpu.memref_slice %arg9[%dma_start3A_302, %dma_start3A_303, %dma_start3A_304] : memref<6x128x64xf32, #tpu.memory_space<vmem>> -> memref<1x128x64xf32, #tpu.memory_space<vmem>>
      %dma_start3A_306 = tpu.memref_squeeze %dma_start3A_305 : memref<1x128x64xf32, #tpu.memory_space<vmem>> -> memref<128x64xf32, #tpu.memory_space<vmem>>
      %dma_start3A_307 = arith.constant 0 : i32
      %dma_start3A_308 = tpu.memref_slice %arg7[%dma_start3A_301, %dma_start3A_307] : memref<160x128xi32, #tpu.memory_space<vmem>> -> memref<1x128xi32, #tpu.memory_space<vmem>>
      %dma_start3A_309 = tpu.memref_squeeze %dma_start3A_308 : memref<1x128xi32, #tpu.memory_space<vmem>> -> memref<128xi32, #tpu.memory_space<vmem>>
      %dma_start3A_310 = arith.constant 0 : i32
      %dma_start3A_311 = arith.constant 0 : i32
      %dma_start3A_312 = tpu.memref_slice %arg2[%dma_start3A_310, %dma_start3A_311] : memref<10000x64xf32, #tpu.memory_space<hbm>> -> memref<10000x64xf32, #tpu.memory_space<hbm>>
      tpu.enqueue_indirect_dma source(%dma_start3A_312 : memref<10000x64xf32, #tpu.memory_space<hbm>>) target(%dma_start3A_306 : memref<128x64xf32, #tpu.memory_space<vmem>>) offsets(%dma_start3A_309 : memref<128xi32, #tpu.memory_space<vmem>>) semaphore(%arg15 : memref<!tpu.dma_semaphore, #tpu.memory_space<semaphore_mem>>)
      %dma_start3A_313 = arith.constant 5 : i32
      %dma_start3A_314 = arith.constant 5 : i32
      %dma_start3A_315 = arith.constant 0 : i32
      %dma_start3A_316 = arith.constant 0 : i32
      %dma_start3A_317 = tpu.memref_slice %arg9[%dma_start3A_314, %dma_start3A_315, %dma_start3A_316] : memref<6x128x64xf32, #tpu.memory_space<vmem>> -> memref<1x128x64xf32, #tpu.memory_space<vmem>>
      %dma_start3A_318 = tpu.memref_squeeze %dma_start3A_317 : memref<1x128x64xf32, #tpu.memory_space<vmem>> -> memref<128x64xf32, #tpu.memory_space<vmem>>
      %dma_start3A_319 = arith.constant 0 : i32
      %dma_start3A_320 = tpu.memref_slice %arg7[%dma_start3A_313, %dma_start3A_319] : memref<160x128xi32, #tpu.memory_space<vmem>> -> memref<1x128xi32, #tpu.memory_space<vmem>>
      %dma_start3A_321 = tpu.memref_squeeze %dma_start3A_320 : memref<1x128xi32, #tpu.memory_space<vmem>> -> memref<128xi32, #tpu.memory_space<vmem>>
      %dma_start3A_322 = arith.constant 0 : i32
      %dma_start3A_323 = arith.constant 0 : i32
      %dma_start3A_324 = tpu.memref_slice %arg2[%dma_start3A_322, %dma_start3A_323] : memref<10000x64xf32, #tpu.memory_space<hbm>> -> memref<10000x64xf32, #tpu.memory_space<hbm>>
      tpu.enqueue_indirect_dma source(%dma_start3A_324 : memref<10000x64xf32, #tpu.memory_space<hbm>>) target(%dma_start3A_318 : memref<128x64xf32, #tpu.memory_space<vmem>>) offsets(%dma_start3A_321 : memref<128xi32, #tpu.memory_space<vmem>>) semaphore(%arg16 : memref<!tpu.dma_semaphore, #tpu.memory_space<semaphore_mem>>)
      %scan3A_325 = arith.constant 0 : i32
      %scan3A_326 = arith.constant 0 : i32
      %scan3A_327 = arith.constant 26 : i32
      %scan3A_328 = arith.addi %scan3A_326, %scan3A_327 : i32
      %scan3A_329 = arith.constant 1 : i32
      scf.for %scan3A_335 = %scan3A_326 to %scan3A_328 step %scan3A_329  : i32 {
        %mul3A_336 = arith.constant 6 : i32
        %mul3A_337 = arith.muli %mul3A_336, %scan3A_335 : i32
        %add3A_338 = arith.constant 0 : i32
        %add3A_339 = arith.addi %mul3A_337, %add3A_338 : i32
        %dma_wait3A = arith.constant 0 : i32
        %dma_wait3A_340 = arith.constant 0 : i32
        %dma_wait3A_341 = arith.constant 0 : i32
        %dma_wait3A_342 = tpu.memref_slice %arg9[%dma_wait3A, %dma_wait3A_340, %dma_wait3A_341] : memref<6x128x64xf32, #tpu.memory_space<vmem>> -> memref<1x128x64xf32, #tpu.memory_space<vmem>>
        %dma_wait3A_343 = tpu.memref_squeeze %dma_wait3A_342 : memref<1x128x64xf32, #tpu.memory_space<vmem>> -> memref<128x64xf32, #tpu.memory_space<vmem>>
        %dma_wait3A_344 = arith.constant 0 : i32
        %dma_wait3A_345 = tpu.memref_slice %arg7[%add3A_339, %dma_wait3A_344] : memref<160x128xi32, #tpu.memory_space<vmem>> -> memref<1x128xi32, #tpu.memory_space<vmem>>
        %dma_wait3A_346 = tpu.memref_squeeze %dma_wait3A_345 : memref<1x128xi32, #tpu.memory_space<vmem>> -> memref<128xi32, #tpu.memory_space<vmem>>
        %dma_wait3A_347 = arith.constant 0 : i32
        %dma_wait3A_348 = arith.constant 0 : i32
        %dma_wait3A_349 = tpu.memref_slice %arg2[%dma_wait3A_347, %dma_wait3A_348] : memref<10000x64xf32, #tpu.memory_space<hbm>> -> memref<10000x64xf32, #tpu.memory_space<hbm>>
        tpu.wait_indirect_dma semaphore(%arg11 : memref<!tpu.dma_semaphore, #tpu.memory_space<semaphore_mem>>) src(%dma_wait3A_349 : memref<10000x64xf32, #tpu.memory_space<hbm>>) dst(%dma_wait3A_343 : memref<128x64xf32, #tpu.memory_space<vmem>>)
        %add3A_350 = arith.constant 0 : i32
        %add3A_351 = arith.addi %mul3A_337, %add3A_350 : i32
        %dma_start3A_352 = arith.constant 0 : i32
        %dma_start3A_353 = arith.constant 0 : i32
        %dma_start3A_354 = arith.constant 0 : i32
        %dma_start3A_355 = tpu.memref_slice %arg9[%dma_start3A_352, %dma_start3A_353, %dma_start3A_354] : memref<6x128x64xf32, #tpu.memory_space<vmem>> -> memref<1x128x64xf32, #tpu.memory_space<vmem>>
        %dma_start3A_356 = tpu.memref_squeeze %dma_start3A_355 : memref<1x128x64xf32, #tpu.memory_space<vmem>> -> memref<128x64xf32, #tpu.memory_space<vmem>>
        %dma_start3A_357 = arith.constant 0 : i32
        %dma_start3A_358 = tpu.memref_slice %arg8[%add3A_351, %dma_start3A_357] : memref<160x128xi32, #tpu.memory_space<vmem>> -> memref<1x128xi32, #tpu.memory_space<vmem>>
        %dma_start3A_359 = tpu.memref_squeeze %dma_start3A_358 : memref<1x128xi32, #tpu.memory_space<vmem>> -> memref<128xi32, #tpu.memory_space<vmem>>
        %dma_start3A_360 = arith.constant 0 : i32
        %dma_start3A_361 = arith.constant 0 : i32
        %dma_start3A_362 = tpu.memref_slice %arg10[%dma_start3A_360, %dma_start3A_361] : memref<10000x64xf32, #tpu.memory_space<vmem_shared>> -> memref<10000x64xf32, #tpu.memory_space<vmem_shared>>
        tpu.enqueue_indirect_dma source(%dma_start3A_356 : memref<128x64xf32, #tpu.memory_space<vmem>>) target(%dma_start3A_362 : memref<10000x64xf32, #tpu.memory_space<vmem_shared>>) offsets(%dma_start3A_359 : memref<128xi32, #tpu.memory_space<vmem>>) semaphore(%arg17 : memref<!tpu.dma_semaphore, #tpu.memory_space<semaphore_mem>>) {add = true}
        %add3A_363 = arith.constant 1 : i32
        %add3A_364 = arith.addi %mul3A_337, %add3A_363 : i32
        %dma_wait3A_365 = arith.constant 1 : i32
        %dma_wait3A_366 = arith.constant 0 : i32
        %dma_wait3A_367 = arith.constant 0 : i32
        %dma_wait3A_368 = tpu.memref_slice %arg9[%dma_wait3A_365, %dma_wait3A_366, %dma_wait3A_367] : memref<6x128x64xf32, #tpu.memory_space<vmem>> -> memref<1x128x64xf32, #tpu.memory_space<vmem>>
        %dma_wait3A_369 = tpu.memref_squeeze %dma_wait3A_368 : memref<1x128x64xf32, #tpu.memory_space<vmem>> -> memref<128x64xf32, #tpu.memory_space<vmem>>
        %dma_wait3A_370 = arith.constant 0 : i32
        %dma_wait3A_371 = tpu.memref_slice %arg7[%add3A_364, %dma_wait3A_370] : memref<160x128xi32, #tpu.memory_space<vmem>> -> memref<1x128xi32, #tpu.memory_space<vmem>>
        %dma_wait3A_372 = tpu.memref_squeeze %dma_wait3A_371 : memref<1x128xi32, #tpu.memory_space<vmem>> -> memref<128xi32, #tpu.memory_space<vmem>>
        %dma_wait3A_373 = arith.constant 0 : i32
        %dma_wait3A_374 = arith.constant 0 : i32
        %dma_wait3A_375 = tpu.memref_slice %arg2[%dma_wait3A_373, %dma_wait3A_374] : memref<10000x64xf32, #tpu.memory_space<hbm>> -> memref<10000x64xf32, #tpu.memory_space<hbm>>
        tpu.wait_indirect_dma semaphore(%arg12 : memref<!tpu.dma_semaphore, #tpu.memory_space<semaphore_mem>>) src(%dma_wait3A_375 : memref<10000x64xf32, #tpu.memory_space<hbm>>) dst(%dma_wait3A_369 : memref<128x64xf32, #tpu.memory_space<vmem>>)
        %add3A_376 = arith.constant 1 : i32
        %add3A_377 = arith.addi %mul3A_337, %add3A_376 : i32
        %dma_start3A_378 = arith.constant 1 : i32
        %dma_start3A_379 = arith.constant 0 : i32
        %dma_start3A_380 = arith.constant 0 : i32
        %dma_start3A_381 = tpu.memref_slice %arg9[%dma_start3A_378, %dma_start3A_379, %dma_start3A_380] : memref<6x128x64xf32, #tpu.memory_space<vmem>> -> memref<1x128x64xf32, #tpu.memory_space<vmem>>
        %dma_start3A_382 = tpu.memref_squeeze %dma_start3A_381 : memref<1x128x64xf32, #tpu.memory_space<vmem>> -> memref<128x64xf32, #tpu.memory_space<vmem>>
        %dma_start3A_383 = arith.constant 0 : i32
        %dma_start3A_384 = tpu.memref_slice %arg8[%add3A_377, %dma_start3A_383] : memref<160x128xi32, #tpu.memory_space<vmem>> -> memref<1x128xi32, #tpu.memory_space<vmem>>
        %dma_start3A_385 = tpu.memref_squeeze %dma_start3A_384 : memref<1x128xi32, #tpu.memory_space<vmem>> -> memref<128xi32, #tpu.memory_space<vmem>>
        %dma_start3A_386 = arith.constant 0 : i32
        %dma_start3A_387 = arith.constant 0 : i32
        %dma_start3A_388 = tpu.memref_slice %arg10[%dma_start3A_386, %dma_start3A_387] : memref<10000x64xf32, #tpu.memory_space<vmem_shared>> -> memref<10000x64xf32, #tpu.memory_space<vmem_shared>>
        tpu.enqueue_indirect_dma source(%dma_start3A_382 : memref<128x64xf32, #tpu.memory_space<vmem>>) target(%dma_start3A_388 : memref<10000x64xf32, #tpu.memory_space<vmem_shared>>) offsets(%dma_start3A_385 : memref<128xi32, #tpu.memory_space<vmem>>) semaphore(%arg18 : memref<!tpu.dma_semaphore, #tpu.memory_space<semaphore_mem>>) {add = true}
        %add3A_389 = arith.constant 2 : i32
        %add3A_390 = arith.addi %mul3A_337, %add3A_389 : i32
        %dma_wait3A_391 = arith.constant 2 : i32
        %dma_wait3A_392 = arith.constant 0 : i32
        %dma_wait3A_393 = arith.constant 0 : i32
        %dma_wait3A_394 = tpu.memref_slice %arg9[%dma_wait3A_391, %dma_wait3A_392, %dma_wait3A_393] : memref<6x128x64xf32, #tpu.memory_space<vmem>> -> memref<1x128x64xf32, #tpu.memory_space<vmem>>
        %dma_wait3A_395 = tpu.memref_squeeze %dma_wait3A_394 : memref<1x128x64xf32, #tpu.memory_space<vmem>> -> memref<128x64xf32, #tpu.memory_space<vmem>>
        %dma_wait3A_396 = arith.constant 0 : i32
        %dma_wait3A_397 = tpu.memref_slice %arg7[%add3A_390, %dma_wait3A_396] : memref<160x128xi32, #tpu.memory_space<vmem>> -> memref<1x128xi32, #tpu.memory_space<vmem>>
        %dma_wait3A_398 = tpu.memref_squeeze %dma_wait3A_397 : memref<1x128xi32, #tpu.memory_space<vmem>> -> memref<128xi32, #tpu.memory_space<vmem>>
        %dma_wait3A_399 = arith.constant 0 : i32
        %dma_wait3A_400 = arith.constant 0 : i32
        %dma_wait3A_401 = tpu.memref_slice %arg2[%dma_wait3A_399, %dma_wait3A_400] : memref<10000x64xf32, #tpu.memory_space<hbm>> -> memref<10000x64xf32, #tpu.memory_space<hbm>>
        tpu.wait_indirect_dma semaphore(%arg13 : memref<!tpu.dma_semaphore, #tpu.memory_space<semaphore_mem>>) src(%dma_wait3A_401 : memref<10000x64xf32, #tpu.memory_space<hbm>>) dst(%dma_wait3A_395 : memref<128x64xf32, #tpu.memory_space<vmem>>)
        %add3A_402 = arith.constant 2 : i32
        %add3A_403 = arith.addi %mul3A_337, %add3A_402 : i32
        %dma_start3A_404 = arith.constant 2 : i32
        %dma_start3A_405 = arith.constant 0 : i32
        %dma_start3A_406 = arith.constant 0 : i32
        %dma_start3A_407 = tpu.memref_slice %arg9[%dma_start3A_404, %dma_start3A_405, %dma_start3A_406] : memref<6x128x64xf32, #tpu.memory_space<vmem>> -> memref<1x128x64xf32, #tpu.memory_space<vmem>>
        %dma_start3A_408 = tpu.memref_squeeze %dma_start3A_407 : memref<1x128x64xf32, #tpu.memory_space<vmem>> -> memref<128x64xf32, #tpu.memory_space<vmem>>
        %dma_start3A_409 = arith.constant 0 : i32
        %dma_start3A_410 = tpu.memref_slice %arg8[%add3A_403, %dma_start3A_409] : memref<160x128xi32, #tpu.memory_space<vmem>> -> memref<1x128xi32, #tpu.memory_space<vmem>>
        %dma_start3A_411 = tpu.memref_squeeze %dma_start3A_410 : memref<1x128xi32, #tpu.memory_space<vmem>> -> memref<128xi32, #tpu.memory_space<vmem>>
        %dma_start3A_412 = arith.constant 0 : i32
        %dma_start3A_413 = arith.constant 0 : i32
        %dma_start3A_414 = tpu.memref_slice %arg10[%dma_start3A_412, %dma_start3A_413] : memref<10000x64xf32, #tpu.memory_space<vmem_shared>> -> memref<10000x64xf32, #tpu.memory_space<vmem_shared>>
        tpu.enqueue_indirect_dma source(%dma_start3A_408 : memref<128x64xf32, #tpu.memory_space<vmem>>) target(%dma_start3A_414 : memref<10000x64xf32, #tpu.memory_space<vmem_shared>>) offsets(%dma_start3A_411 : memref<128xi32, #tpu.memory_space<vmem>>) semaphore(%arg19 : memref<!tpu.dma_semaphore, #tpu.memory_space<semaphore_mem>>) {add = true}
        %add3A_415 = arith.constant 3 : i32
        %add3A_416 = arith.addi %mul3A_337, %add3A_415 : i32
        %dma_wait3A_417 = arith.constant 3 : i32
        %dma_wait3A_418 = arith.constant 0 : i32
        %dma_wait3A_419 = arith.constant 0 : i32
        %dma_wait3A_420 = tpu.memref_slice %arg9[%dma_wait3A_417, %dma_wait3A_418, %dma_wait3A_419] : memref<6x128x64xf32, #tpu.memory_space<vmem>> -> memref<1x128x64xf32, #tpu.memory_space<vmem>>
        %dma_wait3A_421 = tpu.memref_squeeze %dma_wait3A_420 : memref<1x128x64xf32, #tpu.memory_space<vmem>> -> memref<128x64xf32, #tpu.memory_space<vmem>>
        %dma_wait3A_422 = arith.constant 0 : i32
        %dma_wait3A_423 = tpu.memref_slice %arg7[%add3A_416, %dma_wait3A_422] : memref<160x128xi32, #tpu.memory_space<vmem>> -> memref<1x128xi32, #tpu.memory_space<vmem>>
        %dma_wait3A_424 = tpu.memref_squeeze %dma_wait3A_423 : memref<1x128xi32, #tpu.memory_space<vmem>> -> memref<128xi32, #tpu.memory_space<vmem>>
        %dma_wait3A_425 = arith.constant 0 : i32
        %dma_wait3A_426 = arith.constant 0 : i32
        %dma_wait3A_427 = tpu.memref_slice %arg2[%dma_wait3A_425, %dma_wait3A_426] : memref<10000x64xf32, #tpu.memory_space<hbm>> -> memref<10000x64xf32, #tpu.memory_space<hbm>>
        tpu.wait_indirect_dma semaphore(%arg14 : memref<!tpu.dma_semaphore, #tpu.memory_space<semaphore_mem>>) src(%dma_wait3A_427 : memref<10000x64xf32, #tpu.memory_space<hbm>>) dst(%dma_wait3A_421 : memref<128x64xf32, #tpu.memory_space<vmem>>)
        %add3A_428 = arith.constant 3 : i32
        %add3A_429 = arith.addi %mul3A_337, %add3A_428 : i32
        %dma_start3A_430 = arith.constant 3 : i32
        %dma_start3A_431 = arith.constant 0 : i32
        %dma_start3A_432 = arith.constant 0 : i32
        %dma_start3A_433 = tpu.memref_slice %arg9[%dma_start3A_430, %dma_start3A_431, %dma_start3A_432] : memref<6x128x64xf32, #tpu.memory_space<vmem>> -> memref<1x128x64xf32, #tpu.memory_space<vmem>>
        %dma_start3A_434 = tpu.memref_squeeze %dma_start3A_433 : memref<1x128x64xf32, #tpu.memory_space<vmem>> -> memref<128x64xf32, #tpu.memory_space<vmem>>
        %dma_start3A_435 = arith.constant 0 : i32
        %dma_start3A_436 = tpu.memref_slice %arg8[%add3A_429, %dma_start3A_435] : memref<160x128xi32, #tpu.memory_space<vmem>> -> memref<1x128xi32, #tpu.memory_space<vmem>>
        %dma_start3A_437 = tpu.memref_squeeze %dma_start3A_436 : memref<1x128xi32, #tpu.memory_space<vmem>> -> memref<128xi32, #tpu.memory_space<vmem>>
        %dma_start3A_438 = arith.constant 0 : i32
        %dma_start3A_439 = arith.constant 0 : i32
        %dma_start3A_440 = tpu.memref_slice %arg10[%dma_start3A_438, %dma_start3A_439] : memref<10000x64xf32, #tpu.memory_space<vmem_shared>> -> memref<10000x64xf32, #tpu.memory_space<vmem_shared>>
        tpu.enqueue_indirect_dma source(%dma_start3A_434 : memref<128x64xf32, #tpu.memory_space<vmem>>) target(%dma_start3A_440 : memref<10000x64xf32, #tpu.memory_space<vmem_shared>>) offsets(%dma_start3A_437 : memref<128xi32, #tpu.memory_space<vmem>>) semaphore(%arg20 : memref<!tpu.dma_semaphore, #tpu.memory_space<semaphore_mem>>) {add = true}
        %add3A_441 = arith.constant 4 : i32
        %add3A_442 = arith.addi %mul3A_337, %add3A_441 : i32
        %dma_wait3A_443 = arith.constant 4 : i32
        %dma_wait3A_444 = arith.constant 0 : i32
        %dma_wait3A_445 = arith.constant 0 : i32
        %dma_wait3A_446 = tpu.memref_slice %arg9[%dma_wait3A_443, %dma_wait3A_444, %dma_wait3A_445] : memref<6x128x64xf32, #tpu.memory_space<vmem>> -> memref<1x128x64xf32, #tpu.memory_space<vmem>>
        %dma_wait3A_447 = tpu.memref_squeeze %dma_wait3A_446 : memref<1x128x64xf32, #tpu.memory_space<vmem>> -> memref<128x64xf32, #tpu.memory_space<vmem>>
        %dma_wait3A_448 = arith.constant 0 : i32
        %dma_wait3A_449 = tpu.memref_slice %arg7[%add3A_442, %dma_wait3A_448] : memref<160x128xi32, #tpu.memory_space<vmem>> -> memref<1x128xi32, #tpu.memory_space<vmem>>
        %dma_wait3A_450 = tpu.memref_squeeze %dma_wait3A_449 : memref<1x128xi32, #tpu.memory_space<vmem>> -> memref<128xi32, #tpu.memory_space<vmem>>
        %dma_wait3A_451 = arith.constant 0 : i32
        %dma_wait3A_452 = arith.constant 0 : i32
        %dma_wait3A_453 = tpu.memref_slice %arg2[%dma_wait3A_451, %dma_wait3A_452] : memref<10000x64xf32, #tpu.memory_space<hbm>> -> memref<10000x64xf32, #tpu.memory_space<hbm>>
        tpu.wait_indirect_dma semaphore(%arg15 : memref<!tpu.dma_semaphore, #tpu.memory_space<semaphore_mem>>) src(%dma_wait3A_453 : memref<10000x64xf32, #tpu.memory_space<hbm>>) dst(%dma_wait3A_447 : memref<128x64xf32, #tpu.memory_space<vmem>>)
        %add3A_454 = arith.constant 4 : i32
        %add3A_455 = arith.addi %mul3A_337, %add3A_454 : i32
        %dma_start3A_456 = arith.constant 4 : i32
        %dma_start3A_457 = arith.constant 0 : i32
        %dma_start3A_458 = arith.constant 0 : i32
        %dma_start3A_459 = tpu.memref_slice %arg9[%dma_start3A_456, %dma_start3A_457, %dma_start3A_458] : memref<6x128x64xf32, #tpu.memory_space<vmem>> -> memref<1x128x64xf32, #tpu.memory_space<vmem>>
        %dma_start3A_460 = tpu.memref_squeeze %dma_start3A_459 : memref<1x128x64xf32, #tpu.memory_space<vmem>> -> memref<128x64xf32, #tpu.memory_space<vmem>>
        %dma_start3A_461 = arith.constant 0 : i32
        %dma_start3A_462 = tpu.memref_slice %arg8[%add3A_455, %dma_start3A_461] : memref<160x128xi32, #tpu.memory_space<vmem>> -> memref<1x128xi32, #tpu.memory_space<vmem>>
        %dma_start3A_463 = tpu.memref_squeeze %dma_start3A_462 : memref<1x128xi32, #tpu.memory_space<vmem>> -> memref<128xi32, #tpu.memory_space<vmem>>
        %dma_start3A_464 = arith.constant 0 : i32
        %dma_start3A_465 = arith.constant 0 : i32
        %dma_start3A_466 = tpu.memref_slice %arg10[%dma_start3A_464, %dma_start3A_465] : memref<10000x64xf32, #tpu.memory_space<vmem_shared>> -> memref<10000x64xf32, #tpu.memory_space<vmem_shared>>
        tpu.enqueue_indirect_dma source(%dma_start3A_460 : memref<128x64xf32, #tpu.memory_space<vmem>>) target(%dma_start3A_466 : memref<10000x64xf32, #tpu.memory_space<vmem_shared>>) offsets(%dma_start3A_463 : memref<128xi32, #tpu.memory_space<vmem>>) semaphore(%arg21 : memref<!tpu.dma_semaphore, #tpu.memory_space<semaphore_mem>>) {add = true}
        %add3A_467 = arith.constant 5 : i32
        %add3A_468 = arith.addi %mul3A_337, %add3A_467 : i32
        %dma_wait3A_469 = arith.constant 5 : i32
        %dma_wait3A_470 = arith.constant 0 : i32
        %dma_wait3A_471 = arith.constant 0 : i32
        %dma_wait3A_472 = tpu.memref_slice %arg9[%dma_wait3A_469, %dma_wait3A_470, %dma_wait3A_471] : memref<6x128x64xf32, #tpu.memory_space<vmem>> -> memref<1x128x64xf32, #tpu.memory_space<vmem>>
        %dma_wait3A_473 = tpu.memref_squeeze %dma_wait3A_472 : memref<1x128x64xf32, #tpu.memory_space<vmem>> -> memref<128x64xf32, #tpu.memory_space<vmem>>
        %dma_wait3A_474 = arith.constant 0 : i32
        %dma_wait3A_475 = tpu.memref_slice %arg7[%add3A_468, %dma_wait3A_474] : memref<160x128xi32, #tpu.memory_space<vmem>> -> memref<1x128xi32, #tpu.memory_space<vmem>>
        %dma_wait3A_476 = tpu.memref_squeeze %dma_wait3A_475 : memref<1x128xi32, #tpu.memory_space<vmem>> -> memref<128xi32, #tpu.memory_space<vmem>>
        %dma_wait3A_477 = arith.constant 0 : i32
        %dma_wait3A_478 = arith.constant 0 : i32
        %dma_wait3A_479 = tpu.memref_slice %arg2[%dma_wait3A_477, %dma_wait3A_478] : memref<10000x64xf32, #tpu.memory_space<hbm>> -> memref<10000x64xf32, #tpu.memory_space<hbm>>
        tpu.wait_indirect_dma semaphore(%arg16 : memref<!tpu.dma_semaphore, #tpu.memory_space<semaphore_mem>>) src(%dma_wait3A_479 : memref<10000x64xf32, #tpu.memory_space<hbm>>) dst(%dma_wait3A_473 : memref<128x64xf32, #tpu.memory_space<vmem>>)
        %add3A_480 = arith.constant 5 : i32
        %add3A_481 = arith.addi %mul3A_337, %add3A_480 : i32
        %dma_start3A_482 = arith.constant 5 : i32
        %dma_start3A_483 = arith.constant 0 : i32
        %dma_start3A_484 = arith.constant 0 : i32
        %dma_start3A_485 = tpu.memref_slice %arg9[%dma_start3A_482, %dma_start3A_483, %dma_start3A_484] : memref<6x128x64xf32, #tpu.memory_space<vmem>> -> memref<1x128x64xf32, #tpu.memory_space<vmem>>
        %dma_start3A_486 = tpu.memref_squeeze %dma_start3A_485 : memref<1x128x64xf32, #tpu.memory_space<vmem>> -> memref<128x64xf32, #tpu.memory_space<vmem>>
        %dma_start3A_487 = arith.constant 0 : i32
        %dma_start3A_488 = tpu.memref_slice %arg8[%add3A_481, %dma_start3A_487] : memref<160x128xi32, #tpu.memory_space<vmem>> -> memref<1x128xi32, #tpu.memory_space<vmem>>
        %dma_start3A_489 = tpu.memref_squeeze %dma_start3A_488 : memref<1x128xi32, #tpu.memory_space<vmem>> -> memref<128xi32, #tpu.memory_space<vmem>>
        %dma_start3A_490 = arith.constant 0 : i32
        %dma_start3A_491 = arith.constant 0 : i32
        %dma_start3A_492 = tpu.memref_slice %arg10[%dma_start3A_490, %dma_start3A_491] : memref<10000x64xf32, #tpu.memory_space<vmem_shared>> -> memref<10000x64xf32, #tpu.memory_space<vmem_shared>>
        tpu.enqueue_indirect_dma source(%dma_start3A_486 : memref<128x64xf32, #tpu.memory_space<vmem>>) target(%dma_start3A_492 : memref<10000x64xf32, #tpu.memory_space<vmem_shared>>) offsets(%dma_start3A_489 : memref<128xi32, #tpu.memory_space<vmem>>) semaphore(%arg22 : memref<!tpu.dma_semaphore, #tpu.memory_space<semaphore_mem>>) {add = true}
        %add3A_493 = arith.constant 0 : i32
        %add3A_494 = arith.addi %mul3A_337, %add3A_493 : i32
        %dma_wait3A_495 = arith.constant 0 : i32
        %dma_wait3A_496 = arith.constant 0 : i32
        %dma_wait3A_497 = arith.constant 0 : i32
        %dma_wait3A_498 = tpu.memref_slice %arg9[%dma_wait3A_495, %dma_wait3A_496, %dma_wait3A_497] : memref<6x128x64xf32, #tpu.memory_space<vmem>> -> memref<1x128x64xf32, #tpu.memory_space<vmem>>
        %dma_wait3A_499 = tpu.memref_squeeze %dma_wait3A_498 : memref<1x128x64xf32, #tpu.memory_space<vmem>> -> memref<128x64xf32, #tpu.memory_space<vmem>>
        %dma_wait3A_500 = arith.constant 0 : i32
        %dma_wait3A_501 = tpu.memref_slice %arg8[%add3A_494, %dma_wait3A_500] : memref<160x128xi32, #tpu.memory_space<vmem>> -> memref<1x128xi32, #tpu.memory_space<vmem>>
        %dma_wait3A_502 = tpu.memref_squeeze %dma_wait3A_501 : memref<1x128xi32, #tpu.memory_space<vmem>> -> memref<128xi32, #tpu.memory_space<vmem>>
        %dma_wait3A_503 = arith.constant 0 : i32
        %dma_wait3A_504 = arith.constant 0 : i32
        %dma_wait3A_505 = tpu.memref_slice %arg10[%dma_wait3A_503, %dma_wait3A_504] : memref<10000x64xf32, #tpu.memory_space<vmem_shared>> -> memref<10000x64xf32, #tpu.memory_space<vmem_shared>>
        tpu.wait_indirect_dma semaphore(%arg17 : memref<!tpu.dma_semaphore, #tpu.memory_space<semaphore_mem>>) src(%dma_wait3A_499 : memref<128x64xf32, #tpu.memory_space<vmem>>) dst(%dma_wait3A_505 : memref<10000x64xf32, #tpu.memory_space<vmem_shared>>)
        %add3A_506 = arith.constant 6 : i32
        %add3A_507 = arith.addi %mul3A_337, %add3A_506 : i32
        %add3A_508 = arith.constant 0 : i32
        %add3A_509 = arith.addi %add3A_507, %add3A_508 : i32
        %lt3A_510 = arith.constant 156 : i32
        %lt3A_511 = arith.cmpi slt, %add3A_509, %lt3A_510 : i32
        %convert_element_type3A_512 = arith.extui %lt3A_511 : i1 to i32
        %cond3A_513 = arith.constant 0 : i32
        %cond3A_514 = arith.cmpi ne, %convert_element_type3A_512, %cond3A_513 : i32
        scf.if %cond3A_514 {
          %add3A_625 = arith.constant 6 : i32
          %add3A_626 = arith.addi %mul3A_337, %add3A_625 : i32
          %add3A_627 = arith.constant 0 : i32
          %add3A_628 = arith.addi %add3A_626, %add3A_627 : i32
          %dma_start3A_629 = arith.constant 0 : i32
          %dma_start3A_630 = arith.constant 0 : i32
          %dma_start3A_631 = arith.constant 0 : i32
          %dma_start3A_632 = tpu.memref_slice %arg9[%dma_start3A_629, %dma_start3A_630, %dma_start3A_631] : memref<6x128x64xf32, #tpu.memory_space<vmem>> -> memref<1x128x64xf32, #tpu.memory_space<vmem>>
          %dma_start3A_633 = tpu.memref_squeeze %dma_start3A_632 : memref<1x128x64xf32, #tpu.memory_space<vmem>> -> memref<128x64xf32, #tpu.memory_space<vmem>>
          %dma_start3A_634 = arith.constant 0 : i32
          %dma_start3A_635 = tpu.memref_slice %arg7[%add3A_628, %dma_start3A_634] : memref<160x128xi32, #tpu.memory_space<vmem>> -> memref<1x128xi32, #tpu.memory_space<vmem>>
          %dma_start3A_636 = tpu.memref_squeeze %dma_start3A_635 : memref<1x128xi32, #tpu.memory_space<vmem>> -> memref<128xi32, #tpu.memory_space<vmem>>
          %dma_start3A_637 = arith.constant 0 : i32
          %dma_start3A_638 = arith.constant 0 : i32
          %dma_start3A_639 = tpu.memref_slice %arg2[%dma_start3A_637, %dma_start3A_638] : memref<10000x64xf32, #tpu.memory_space<hbm>> -> memref<10000x64xf32, #tpu.memory_space<hbm>>
          tpu.enqueue_indirect_dma source(%dma_start3A_639 : memref<10000x64xf32, #tpu.memory_space<hbm>>) target(%dma_start3A_633 : memref<128x64xf32, #tpu.memory_space<vmem>>) offsets(%dma_start3A_636 : memref<128xi32, #tpu.memory_space<vmem>>) semaphore(%arg11 : memref<!tpu.dma_semaphore, #tpu.memory_space<semaphore_mem>>)
        } else {
        }
        %add3A_515 = arith.constant 1 : i32
        %add3A_516 = arith.addi %mul3A_337, %add3A_515 : i32
        %dma_wait3A_517 = arith.constant 1 : i32
        %dma_wait3A_518 = arith.constant 0 : i32
        %dma_wait3A_519 = arith.constant 0 : i32
        %dma_wait3A_520 = tpu.memref_slice %arg9[%dma_wait3A_517, %dma_wait3A_518, %dma_wait3A_519] : memref<6x128x64xf32, #tpu.memory_space<vmem>> -> memref<1x128x64xf32, #tpu.memory_space<vmem>>
        %dma_wait3A_521 = tpu.memref_squeeze %dma_wait3A_520 : memref<1x128x64xf32, #tpu.memory_space<vmem>> -> memref<128x64xf32, #tpu.memory_space<vmem>>
        %dma_wait3A_522 = arith.constant 0 : i32
        %dma_wait3A_523 = tpu.memref_slice %arg8[%add3A_516, %dma_wait3A_522] : memref<160x128xi32, #tpu.memory_space<vmem>> -> memref<1x128xi32, #tpu.memory_space<vmem>>
        %dma_wait3A_524 = tpu.memref_squeeze %dma_wait3A_523 : memref<1x128xi32, #tpu.memory_space<vmem>> -> memref<128xi32, #tpu.memory_space<vmem>>
        %dma_wait3A_525 = arith.constant 0 : i32
        %dma_wait3A_526 = arith.constant 0 : i32
        %dma_wait3A_527 = tpu.memref_slice %arg10[%dma_wait3A_525, %dma_wait3A_526] : memref<10000x64xf32, #tpu.memory_space<vmem_shared>> -> memref<10000x64xf32, #tpu.memory_space<vmem_shared>>
        tpu.wait_indirect_dma semaphore(%arg18 : memref<!tpu.dma_semaphore, #tpu.memory_space<semaphore_mem>>) src(%dma_wait3A_521 : memref<128x64xf32, #tpu.memory_space<vmem>>) dst(%dma_wait3A_527 : memref<10000x64xf32, #tpu.memory_space<vmem_shared>>)
        %add3A_528 = arith.constant 6 : i32
        %add3A_529 = arith.addi %mul3A_337, %add3A_528 : i32
        %add3A_530 = arith.constant 1 : i32
        %add3A_531 = arith.addi %add3A_529, %add3A_530 : i32
        %lt3A_532 = arith.constant 156 : i32
        %lt3A_533 = arith.cmpi slt, %add3A_531, %lt3A_532 : i32
        %convert_element_type3A_534 = arith.extui %lt3A_533 : i1 to i32
        %cond3A_535 = arith.constant 0 : i32
        %cond3A_536 = arith.cmpi ne, %convert_element_type3A_534, %cond3A_535 : i32
        scf.if %cond3A_536 {
          %add3A_625 = arith.constant 6 : i32
          %add3A_626 = arith.addi %mul3A_337, %add3A_625 : i32
          %add3A_627 = arith.constant 1 : i32
          %add3A_628 = arith.addi %add3A_626, %add3A_627 : i32
          %dma_start3A_629 = arith.constant 1 : i32
          %dma_start3A_630 = arith.constant 0 : i32
          %dma_start3A_631 = arith.constant 0 : i32
          %dma_start3A_632 = tpu.memref_slice %arg9[%dma_start3A_629, %dma_start3A_630, %dma_start3A_631] : memref<6x128x64xf32, #tpu.memory_space<vmem>> -> memref<1x128x64xf32, #tpu.memory_space<vmem>>
          %dma_start3A_633 = tpu.memref_squeeze %dma_start3A_632 : memref<1x128x64xf32, #tpu.memory_space<vmem>> -> memref<128x64xf32, #tpu.memory_space<vmem>>
          %dma_start3A_634 = arith.constant 0 : i32
          %dma_start3A_635 = tpu.memref_slice %arg7[%add3A_628, %dma_start3A_634] : memref<160x128xi32, #tpu.memory_space<vmem>> -> memref<1x128xi32, #tpu.memory_space<vmem>>
          %dma_start3A_636 = tpu.memref_squeeze %dma_start3A_635 : memref<1x128xi32, #tpu.memory_space<vmem>> -> memref<128xi32, #tpu.memory_space<vmem>>
          %dma_start3A_637 = arith.constant 0 : i32
          %dma_start3A_638 = arith.constant 0 : i32
          %dma_start3A_639 = tpu.memref_slice %arg2[%dma_start3A_637, %dma_start3A_638] : memref<10000x64xf32, #tpu.memory_space<hbm>> -> memref<10000x64xf32, #tpu.memory_space<hbm>>
          tpu.enqueue_indirect_dma source(%dma_start3A_639 : memref<10000x64xf32, #tpu.memory_space<hbm>>) target(%dma_start3A_633 : memref<128x64xf32, #tpu.memory_space<vmem>>) offsets(%dma_start3A_636 : memref<128xi32, #tpu.memory_space<vmem>>) semaphore(%arg12 : memref<!tpu.dma_semaphore, #tpu.memory_space<semaphore_mem>>)
        } else {
        }
        %add3A_537 = arith.constant 2 : i32
        %add3A_538 = arith.addi %mul3A_337, %add3A_537 : i32
        %dma_wait3A_539 = arith.constant 2 : i32
        %dma_wait3A_540 = arith.constant 0 : i32
        %dma_wait3A_541 = arith.constant 0 : i32
        %dma_wait3A_542 = tpu.memref_slice %arg9[%dma_wait3A_539, %dma_wait3A_540, %dma_wait3A_541] : memref<6x128x64xf32, #tpu.memory_space<vmem>> -> memref<1x128x64xf32, #tpu.memory_space<vmem>>
        %dma_wait3A_543 = tpu.memref_squeeze %dma_wait3A_542 : memref<1x128x64xf32, #tpu.memory_space<vmem>> -> memref<128x64xf32, #tpu.memory_space<vmem>>
        %dma_wait3A_544 = arith.constant 0 : i32
        %dma_wait3A_545 = tpu.memref_slice %arg8[%add3A_538, %dma_wait3A_544] : memref<160x128xi32, #tpu.memory_space<vmem>> -> memref<1x128xi32, #tpu.memory_space<vmem>>
        %dma_wait3A_546 = tpu.memref_squeeze %dma_wait3A_545 : memref<1x128xi32, #tpu.memory_space<vmem>> -> memref<128xi32, #tpu.memory_space<vmem>>
        %dma_wait3A_547 = arith.constant 0 : i32
        %dma_wait3A_548 = arith.constant 0 : i32
        %dma_wait3A_549 = tpu.memref_slice %arg10[%dma_wait3A_547, %dma_wait3A_548] : memref<10000x64xf32, #tpu.memory_space<vmem_shared>> -> memref<10000x64xf32, #tpu.memory_space<vmem_shared>>
        tpu.wait_indirect_dma semaphore(%arg19 : memref<!tpu.dma_semaphore, #tpu.memory_space<semaphore_mem>>) src(%dma_wait3A_543 : memref<128x64xf32, #tpu.memory_space<vmem>>) dst(%dma_wait3A_549 : memref<10000x64xf32, #tpu.memory_space<vmem_shared>>)
        %add3A_550 = arith.constant 6 : i32
        %add3A_551 = arith.addi %mul3A_337, %add3A_550 : i32
        %add3A_552 = arith.constant 2 : i32
        %add3A_553 = arith.addi %add3A_551, %add3A_552 : i32
        %lt3A_554 = arith.constant 156 : i32
        %lt3A_555 = arith.cmpi slt, %add3A_553, %lt3A_554 : i32
        %convert_element_type3A_556 = arith.extui %lt3A_555 : i1 to i32
        %cond3A_557 = arith.constant 0 : i32
        %cond3A_558 = arith.cmpi ne, %convert_element_type3A_556, %cond3A_557 : i32
        scf.if %cond3A_558 {
          %add3A_625 = arith.constant 6 : i32
          %add3A_626 = arith.addi %mul3A_337, %add3A_625 : i32
          %add3A_627 = arith.constant 2 : i32
          %add3A_628 = arith.addi %add3A_626, %add3A_627 : i32
          %dma_start3A_629 = arith.constant 2 : i32
          %dma_start3A_630 = arith.constant 0 : i32
          %dma_start3A_631 = arith.constant 0 : i32
          %dma_start3A_632 = tpu.memref_slice %arg9[%dma_start3A_629, %dma_start3A_630, %dma_start3A_631] : memref<6x128x64xf32, #tpu.memory_space<vmem>> -> memref<1x128x64xf32, #tpu.memory_space<vmem>>
          %dma_start3A_633 = tpu.memref_squeeze %dma_start3A_632 : memref<1x128x64xf32, #tpu.memory_space<vmem>> -> memref<128x64xf32, #tpu.memory_space<vmem>>
          %dma_start3A_634 = arith.constant 0 : i32
          %dma_start3A_635 = tpu.memref_slice %arg7[%add3A_628, %dma_start3A_634] : memref<160x128xi32, #tpu.memory_space<vmem>> -> memref<1x128xi32, #tpu.memory_space<vmem>>
          %dma_start3A_636 = tpu.memref_squeeze %dma_start3A_635 : memref<1x128xi32, #tpu.memory_space<vmem>> -> memref<128xi32, #tpu.memory_space<vmem>>
          %dma_start3A_637 = arith.constant 0 : i32
          %dma_start3A_638 = arith.constant 0 : i32
          %dma_start3A_639 = tpu.memref_slice %arg2[%dma_start3A_637, %dma_start3A_638] : memref<10000x64xf32, #tpu.memory_space<hbm>> -> memref<10000x64xf32, #tpu.memory_space<hbm>>
          tpu.enqueue_indirect_dma source(%dma_start3A_639 : memref<10000x64xf32, #tpu.memory_space<hbm>>) target(%dma_start3A_633 : memref<128x64xf32, #tpu.memory_space<vmem>>) offsets(%dma_start3A_636 : memref<128xi32, #tpu.memory_space<vmem>>) semaphore(%arg13 : memref<!tpu.dma_semaphore, #tpu.memory_space<semaphore_mem>>)
        } else {
        }
        %add3A_559 = arith.constant 3 : i32
        %add3A_560 = arith.addi %mul3A_337, %add3A_559 : i32
        %dma_wait3A_561 = arith.constant 3 : i32
        %dma_wait3A_562 = arith.constant 0 : i32
        %dma_wait3A_563 = arith.constant 0 : i32
        %dma_wait3A_564 = tpu.memref_slice %arg9[%dma_wait3A_561, %dma_wait3A_562, %dma_wait3A_563] : memref<6x128x64xf32, #tpu.memory_space<vmem>> -> memref<1x128x64xf32, #tpu.memory_space<vmem>>
        %dma_wait3A_565 = tpu.memref_squeeze %dma_wait3A_564 : memref<1x128x64xf32, #tpu.memory_space<vmem>> -> memref<128x64xf32, #tpu.memory_space<vmem>>
        %dma_wait3A_566 = arith.constant 0 : i32
        %dma_wait3A_567 = tpu.memref_slice %arg8[%add3A_560, %dma_wait3A_566] : memref<160x128xi32, #tpu.memory_space<vmem>> -> memref<1x128xi32, #tpu.memory_space<vmem>>
        %dma_wait3A_568 = tpu.memref_squeeze %dma_wait3A_567 : memref<1x128xi32, #tpu.memory_space<vmem>> -> memref<128xi32, #tpu.memory_space<vmem>>
        %dma_wait3A_569 = arith.constant 0 : i32
        %dma_wait3A_570 = arith.constant 0 : i32
        %dma_wait3A_571 = tpu.memref_slice %arg10[%dma_wait3A_569, %dma_wait3A_570] : memref<10000x64xf32, #tpu.memory_space<vmem_shared>> -> memref<10000x64xf32, #tpu.memory_space<vmem_shared>>
        tpu.wait_indirect_dma semaphore(%arg20 : memref<!tpu.dma_semaphore, #tpu.memory_space<semaphore_mem>>) src(%dma_wait3A_565 : memref<128x64xf32, #tpu.memory_space<vmem>>) dst(%dma_wait3A_571 : memref<10000x64xf32, #tpu.memory_space<vmem_shared>>)
        %add3A_572 = arith.constant 6 : i32
        %add3A_573 = arith.addi %mul3A_337, %add3A_572 : i32
        %add3A_574 = arith.constant 3 : i32
        %add3A_575 = arith.addi %add3A_573, %add3A_574 : i32
        %lt3A_576 = arith.constant 156 : i32
        %lt3A_577 = arith.cmpi slt, %add3A_575, %lt3A_576 : i32
        %convert_element_type3A_578 = arith.extui %lt3A_577 : i1 to i32
        %cond3A_579 = arith.constant 0 : i32
        %cond3A_580 = arith.cmpi ne, %convert_element_type3A_578, %cond3A_579 : i32
        scf.if %cond3A_580 {
          %add3A_625 = arith.constant 6 : i32
          %add3A_626 = arith.addi %mul3A_337, %add3A_625 : i32
          %add3A_627 = arith.constant 3 : i32
          %add3A_628 = arith.addi %add3A_626, %add3A_627 : i32
          %dma_start3A_629 = arith.constant 3 : i32
          %dma_start3A_630 = arith.constant 0 : i32
          %dma_start3A_631 = arith.constant 0 : i32
          %dma_start3A_632 = tpu.memref_slice %arg9[%dma_start3A_629, %dma_start3A_630, %dma_start3A_631] : memref<6x128x64xf32, #tpu.memory_space<vmem>> -> memref<1x128x64xf32, #tpu.memory_space<vmem>>
          %dma_start3A_633 = tpu.memref_squeeze %dma_start3A_632 : memref<1x128x64xf32, #tpu.memory_space<vmem>> -> memref<128x64xf32, #tpu.memory_space<vmem>>
          %dma_start3A_634 = arith.constant 0 : i32
          %dma_start3A_635 = tpu.memref_slice %arg7[%add3A_628, %dma_start3A_634] : memref<160x128xi32, #tpu.memory_space<vmem>> -> memref<1x128xi32, #tpu.memory_space<vmem>>
          %dma_start3A_636 = tpu.memref_squeeze %dma_start3A_635 : memref<1x128xi32, #tpu.memory_space<vmem>> -> memref<128xi32, #tpu.memory_space<vmem>>
          %dma_start3A_637 = arith.constant 0 : i32
          %dma_start3A_638 = arith.constant 0 : i32
          %dma_start3A_639 = tpu.memref_slice %arg2[%dma_start3A_637, %dma_start3A_638] : memref<10000x64xf32, #tpu.memory_space<hbm>> -> memref<10000x64xf32, #tpu.memory_space<hbm>>
          tpu.enqueue_indirect_dma source(%dma_start3A_639 : memref<10000x64xf32, #tpu.memory_space<hbm>>) target(%dma_start3A_633 : memref<128x64xf32, #tpu.memory_space<vmem>>) offsets(%dma_start3A_636 : memref<128xi32, #tpu.memory_space<vmem>>) semaphore(%arg14 : memref<!tpu.dma_semaphore, #tpu.memory_space<semaphore_mem>>)
        } else {
        }
        %add3A_581 = arith.constant 4 : i32
        %add3A_582 = arith.addi %mul3A_337, %add3A_581 : i32
        %dma_wait3A_583 = arith.constant 4 : i32
        %dma_wait3A_584 = arith.constant 0 : i32
        %dma_wait3A_585 = arith.constant 0 : i32
        %dma_wait3A_586 = tpu.memref_slice %arg9[%dma_wait3A_583, %dma_wait3A_584, %dma_wait3A_585] : memref<6x128x64xf32, #tpu.memory_space<vmem>> -> memref<1x128x64xf32, #tpu.memory_space<vmem>>
        %dma_wait3A_587 = tpu.memref_squeeze %dma_wait3A_586 : memref<1x128x64xf32, #tpu.memory_space<vmem>> -> memref<128x64xf32, #tpu.memory_space<vmem>>
        %dma_wait3A_588 = arith.constant 0 : i32
        %dma_wait3A_589 = tpu.memref_slice %arg8[%add3A_582, %dma_wait3A_588] : memref<160x128xi32, #tpu.memory_space<vmem>> -> memref<1x128xi32, #tpu.memory_space<vmem>>
        %dma_wait3A_590 = tpu.memref_squeeze %dma_wait3A_589 : memref<1x128xi32, #tpu.memory_space<vmem>> -> memref<128xi32, #tpu.memory_space<vmem>>
        %dma_wait3A_591 = arith.constant 0 : i32
        %dma_wait3A_592 = arith.constant 0 : i32
        %dma_wait3A_593 = tpu.memref_slice %arg10[%dma_wait3A_591, %dma_wait3A_592] : memref<10000x64xf32, #tpu.memory_space<vmem_shared>> -> memref<10000x64xf32, #tpu.memory_space<vmem_shared>>
        tpu.wait_indirect_dma semaphore(%arg21 : memref<!tpu.dma_semaphore, #tpu.memory_space<semaphore_mem>>) src(%dma_wait3A_587 : memref<128x64xf32, #tpu.memory_space<vmem>>) dst(%dma_wait3A_593 : memref<10000x64xf32, #tpu.memory_space<vmem_shared>>)
        %add3A_594 = arith.constant 6 : i32
        %add3A_595 = arith.addi %mul3A_337, %add3A_594 : i32
        %add3A_596 = arith.constant 4 : i32
        %add3A_597 = arith.addi %add3A_595, %add3A_596 : i32
        %lt3A_598 = arith.constant 156 : i32
        %lt3A_599 = arith.cmpi slt, %add3A_597, %lt3A_598 : i32
        %convert_element_type3A_600 = arith.extui %lt3A_599 : i1 to i32
        %cond3A_601 = arith.constant 0 : i32
        %cond3A_602 = arith.cmpi ne, %convert_element_type3A_600, %cond3A_601 : i32
        scf.if %cond3A_602 {
          %add3A_625 = arith.constant 6 : i32
          %add3A_626 = arith.addi %mul3A_337, %add3A_625 : i32
          %add3A_627 = arith.constant 4 : i32
          %add3A_628 = arith.addi %add3A_626, %add3A_627 : i32
          %dma_start3A_629 = arith.constant 4 : i32
          %dma_start3A_630 = arith.constant 0 : i32
          %dma_start3A_631 = arith.constant 0 : i32
          %dma_start3A_632 = tpu.memref_slice %arg9[%dma_start3A_629, %dma_start3A_630, %dma_start3A_631] : memref<6x128x64xf32, #tpu.memory_space<vmem>> -> memref<1x128x64xf32, #tpu.memory_space<vmem>>
          %dma_start3A_633 = tpu.memref_squeeze %dma_start3A_632 : memref<1x128x64xf32, #tpu.memory_space<vmem>> -> memref<128x64xf32, #tpu.memory_space<vmem>>
          %dma_start3A_634 = arith.constant 0 : i32
          %dma_start3A_635 = tpu.memref_slice %arg7[%add3A_628, %dma_start3A_634] : memref<160x128xi32, #tpu.memory_space<vmem>> -> memref<1x128xi32, #tpu.memory_space<vmem>>
          %dma_start3A_636 = tpu.memref_squeeze %dma_start3A_635 : memref<1x128xi32, #tpu.memory_space<vmem>> -> memref<128xi32, #tpu.memory_space<vmem>>
          %dma_start3A_637 = arith.constant 0 : i32
          %dma_start3A_638 = arith.constant 0 : i32
          %dma_start3A_639 = tpu.memref_slice %arg2[%dma_start3A_637, %dma_start3A_638] : memref<10000x64xf32, #tpu.memory_space<hbm>> -> memref<10000x64xf32, #tpu.memory_space<hbm>>
          tpu.enqueue_indirect_dma source(%dma_start3A_639 : memref<10000x64xf32, #tpu.memory_space<hbm>>) target(%dma_start3A_633 : memref<128x64xf32, #tpu.memory_space<vmem>>) offsets(%dma_start3A_636 : memref<128xi32, #tpu.memory_space<vmem>>) semaphore(%arg15 : memref<!tpu.dma_semaphore, #tpu.memory_space<semaphore_mem>>)
        } else {
        }
        %add3A_603 = arith.constant 5 : i32
        %add3A_604 = arith.addi %mul3A_337, %add3A_603 : i32
        %dma_wait3A_605 = arith.constant 5 : i32
        %dma_wait3A_606 = arith.constant 0 : i32
        %dma_wait3A_607 = arith.constant 0 : i32
        %dma_wait3A_608 = tpu.memref_slice %arg9[%dma_wait3A_605, %dma_wait3A_606, %dma_wait3A_607] : memref<6x128x64xf32, #tpu.memory_space<vmem>> -> memref<1x128x64xf32, #tpu.memory_space<vmem>>
        %dma_wait3A_609 = tpu.memref_squeeze %dma_wait3A_608 : memref<1x128x64xf32, #tpu.memory_space<vmem>> -> memref<128x64xf32, #tpu.memory_space<vmem>>
        %dma_wait3A_610 = arith.constant 0 : i32
        %dma_wait3A_611 = tpu.memref_slice %arg8[%add3A_604, %dma_wait3A_610] : memref<160x128xi32, #tpu.memory_space<vmem>> -> memref<1x128xi32, #tpu.memory_space<vmem>>
        %dma_wait3A_612 = tpu.memref_squeeze %dma_wait3A_611 : memref<1x128xi32, #tpu.memory_space<vmem>> -> memref<128xi32, #tpu.memory_space<vmem>>
        %dma_wait3A_613 = arith.constant 0 : i32
        %dma_wait3A_614 = arith.constant 0 : i32
        %dma_wait3A_615 = tpu.memref_slice %arg10[%dma_wait3A_613, %dma_wait3A_614] : memref<10000x64xf32, #tpu.memory_space<vmem_shared>> -> memref<10000x64xf32, #tpu.memory_space<vmem_shared>>
        tpu.wait_indirect_dma semaphore(%arg22 : memref<!tpu.dma_semaphore, #tpu.memory_space<semaphore_mem>>) src(%dma_wait3A_609 : memref<128x64xf32, #tpu.memory_space<vmem>>) dst(%dma_wait3A_615 : memref<10000x64xf32, #tpu.memory_space<vmem_shared>>)
        %add3A_616 = arith.constant 6 : i32
        %add3A_617 = arith.addi %mul3A_337, %add3A_616 : i32
        %add3A_618 = arith.constant 5 : i32
        %add3A_619 = arith.addi %add3A_617, %add3A_618 : i32
        %lt3A_620 = arith.constant 156 : i32
        %lt3A_621 = arith.cmpi slt, %add3A_619, %lt3A_620 : i32
        %convert_element_type3A_622 = arith.extui %lt3A_621 : i1 to i32
        %cond3A_623 = arith.constant 0 : i32
        %cond3A_624 = arith.cmpi ne, %convert_element_type3A_622, %cond3A_623 : i32
        scf.if %cond3A_624 {
          %add3A_625 = arith.constant 6 : i32
          %add3A_626 = arith.addi %mul3A_337, %add3A_625 : i32
          %add3A_627 = arith.constant 5 : i32
          %add3A_628 = arith.addi %add3A_626, %add3A_627 : i32
          %dma_start3A_629 = arith.constant 5 : i32
          %dma_start3A_630 = arith.constant 0 : i32
          %dma_start3A_631 = arith.constant 0 : i32
          %dma_start3A_632 = tpu.memref_slice %arg9[%dma_start3A_629, %dma_start3A_630, %dma_start3A_631] : memref<6x128x64xf32, #tpu.memory_space<vmem>> -> memref<1x128x64xf32, #tpu.memory_space<vmem>>
          %dma_start3A_633 = tpu.memref_squeeze %dma_start3A_632 : memref<1x128x64xf32, #tpu.memory_space<vmem>> -> memref<128x64xf32, #tpu.memory_space<vmem>>
          %dma_start3A_634 = arith.constant 0 : i32
          %dma_start3A_635 = tpu.memref_slice %arg7[%add3A_628, %dma_start3A_634] : memref<160x128xi32, #tpu.memory_space<vmem>> -> memref<1x128xi32, #tpu.memory_space<vmem>>
          %dma_start3A_636 = tpu.memref_squeeze %dma_start3A_635 : memref<1x128xi32, #tpu.memory_space<vmem>> -> memref<128xi32, #tpu.memory_space<vmem>>
          %dma_start3A_637 = arith.constant 0 : i32
          %dma_start3A_638 = arith.constant 0 : i32
          %dma_start3A_639 = tpu.memref_slice %arg2[%dma_start3A_637, %dma_start3A_638] : memref<10000x64xf32, #tpu.memory_space<hbm>> -> memref<10000x64xf32, #tpu.memory_space<hbm>>
          tpu.enqueue_indirect_dma source(%dma_start3A_639 : memref<10000x64xf32, #tpu.memory_space<hbm>>) target(%dma_start3A_633 : memref<128x64xf32, #tpu.memory_space<vmem>>) offsets(%dma_start3A_636 : memref<128xi32, #tpu.memory_space<vmem>>) semaphore(%arg16 : memref<!tpu.dma_semaphore, #tpu.memory_space<semaphore_mem>>)
        } else {
        }
      }
      %scan3A_330 = arith.constant 26 : i32
      %gt3A = arith.constant 156 : i32
      %gt3A_331 = arith.cmpi sgt, %select_n3A, %gt3A : i32
      %convert_element_type3A_332 = arith.extui %gt3A_331 : i1 to i32
      %cond3A_333 = arith.constant 0 : i32
      %cond3A_334 = arith.cmpi ne, %convert_element_type3A_332, %cond3A_333 : i32
      scf.if %cond3A_334 {
        %run_scoped3A_335 = arith.constant 156 : i32
        %run_scoped3A_336 = arith.constant 0 : i32
        "tpu.region"() ({
          %run_scoped3A_339 = tpu.sem_alloc : memref<!tpu.dma_semaphore, #tpu.memory_space<semaphore_mem>>
          %dma_start3A_340 = arith.constant 0 : i32
          %dma_start3A_341 = arith.constant 0 : i32
          %dma_start3A_342 = tpu.memref_slice %arg9[%run_scoped3A_336, %dma_start3A_340, %dma_start3A_341] : memref<6x128x64xf32, #tpu.memory_space<vmem>> -> memref<1x128x64xf32, #tpu.memory_space<vmem>>
          %dma_start3A_343 = tpu.memref_squeeze %dma_start3A_342 : memref<1x128x64xf32, #tpu.memory_space<vmem>> -> memref<128x64xf32, #tpu.memory_space<vmem>>
          %dma_start3A_344 = arith.constant 0 : i32
          %dma_start3A_345 = tpu.memref_slice %arg7[%run_scoped3A_335, %dma_start3A_344] : memref<160x128xi32, #tpu.memory_space<vmem>> -> memref<1x128xi32, #tpu.memory_space<vmem>>
          %dma_start3A_346 = tpu.memref_squeeze %dma_start3A_345 : memref<1x128xi32, #tpu.memory_space<vmem>> -> memref<128xi32, #tpu.memory_space<vmem>>
          %dma_start3A_347 = arith.constant 0 : i32
          %dma_start3A_348 = arith.constant 0 : i32
          %dma_start3A_349 = tpu.memref_slice %arg2[%dma_start3A_347, %dma_start3A_348] : memref<10000x64xf32, #tpu.memory_space<hbm>> -> memref<10000x64xf32, #tpu.memory_space<hbm>>
          tpu.enqueue_indirect_dma source(%dma_start3A_349 : memref<10000x64xf32, #tpu.memory_space<hbm>>) target(%dma_start3A_343 : memref<128x64xf32, #tpu.memory_space<vmem>>) offsets(%dma_start3A_346 : memref<128xi32, #tpu.memory_space<vmem>>) semaphore(%run_scoped3A_339 : memref<!tpu.dma_semaphore, #tpu.memory_space<semaphore_mem>>)
          %dma_wait3A = arith.constant 0 : i32
          %dma_wait3A_350 = arith.constant 0 : i32
          %dma_wait3A_351 = tpu.memref_slice %arg9[%run_scoped3A_336, %dma_wait3A, %dma_wait3A_350] : memref<6x128x64xf32, #tpu.memory_space<vmem>> -> memref<1x128x64xf32, #tpu.memory_space<vmem>>
          %dma_wait3A_352 = tpu.memref_squeeze %dma_wait3A_351 : memref<1x128x64xf32, #tpu.memory_space<vmem>> -> memref<128x64xf32, #tpu.memory_space<vmem>>
          %dma_wait3A_353 = arith.constant 0 : i32
          %dma_wait3A_354 = tpu.memref_slice %arg7[%run_scoped3A_335, %dma_wait3A_353] : memref<160x128xi32, #tpu.memory_space<vmem>> -> memref<1x128xi32, #tpu.memory_space<vmem>>
          %dma_wait3A_355 = tpu.memref_squeeze %dma_wait3A_354 : memref<1x128xi32, #tpu.memory_space<vmem>> -> memref<128xi32, #tpu.memory_space<vmem>>
          %dma_wait3A_356 = arith.constant 0 : i32
          %dma_wait3A_357 = arith.constant 0 : i32
          %dma_wait3A_358 = tpu.memref_slice %arg2[%dma_wait3A_356, %dma_wait3A_357] : memref<10000x64xf32, #tpu.memory_space<hbm>> -> memref<10000x64xf32, #tpu.memory_space<hbm>>
          tpu.wait_indirect_dma semaphore(%run_scoped3A_339 : memref<!tpu.dma_semaphore, #tpu.memory_space<semaphore_mem>>) src(%dma_wait3A_358 : memref<10000x64xf32, #tpu.memory_space<hbm>>) dst(%dma_wait3A_352 : memref<128x64xf32, #tpu.memory_space<vmem>>)
          tpu.yield
        }) : () -> ()
        %run_scoped3A_337 = arith.constant 0 : i32
        %run_scoped3A_338 = arith.constant 156 : i32
        "tpu.region"() ({
          %run_scoped3A_339 = tpu.sem_alloc : memref<!tpu.dma_semaphore, #tpu.memory_space<semaphore_mem>>
          %dma_start3A_340 = arith.constant 0 : i32
          %dma_start3A_341 = arith.constant 0 : i32
          %dma_start3A_342 = tpu.memref_slice %arg9[%run_scoped3A_337, %dma_start3A_340, %dma_start3A_341] : memref<6x128x64xf32, #tpu.memory_space<vmem>> -> memref<1x128x64xf32, #tpu.memory_space<vmem>>
          %dma_start3A_343 = tpu.memref_squeeze %dma_start3A_342 : memref<1x128x64xf32, #tpu.memory_space<vmem>> -> memref<128x64xf32, #tpu.memory_space<vmem>>
          %dma_start3A_344 = arith.constant 0 : i32
          %dma_start3A_345 = tpu.memref_slice %arg8[%run_scoped3A_338, %dma_start3A_344] : memref<160x128xi32, #tpu.memory_space<vmem>> -> memref<1x128xi32, #tpu.memory_space<vmem>>
          %dma_start3A_346 = tpu.memref_squeeze %dma_start3A_345 : memref<1x128xi32, #tpu.memory_space<vmem>> -> memref<128xi32, #tpu.memory_space<vmem>>
          %dma_start3A_347 = arith.constant 0 : i32
          %dma_start3A_348 = arith.constant 0 : i32
          %dma_start3A_349 = tpu.memref_slice %arg10[%dma_start3A_347, %dma_start3A_348] : memref<10000x64xf32, #tpu.memory_space<vmem_shared>> -> memref<10000x64xf32, #tpu.memory_space<vmem_shared>>
          tpu.enqueue_indirect_dma source(%dma_start3A_343 : memref<128x64xf32, #tpu.memory_space<vmem>>) target(%dma_start3A_349 : memref<10000x64xf32, #tpu.memory_space<vmem_shared>>) offsets(%dma_start3A_346 : memref<128xi32, #tpu.memory_space<vmem>>) semaphore(%run_scoped3A_339 : memref<!tpu.dma_semaphore, #tpu.memory_space<semaphore_mem>>) {add = true}
          %dma_wait3A = arith.constant 0 : i32
          %dma_wait3A_350 = arith.constant 0 : i32
          %dma_wait3A_351 = tpu.memref_slice %arg9[%run_scoped3A_337, %dma_wait3A, %dma_wait3A_350] : memref<6x128x64xf32, #tpu.memory_space<vmem>> -> memref<1x128x64xf32, #tpu.memory_space<vmem>>
          %dma_wait3A_352 = tpu.memref_squeeze %dma_wait3A_351 : memref<1x128x64xf32, #tpu.memory_space<vmem>> -> memref<128x64xf32, #tpu.memory_space<vmem>>
          %dma_wait3A_353 = arith.constant 0 : i32
          %dma_wait3A_354 = tpu.memref_slice %arg8[%run_scoped3A_338, %dma_wait3A_353] : memref<160x128xi32, #tpu.memory_space<vmem>> -> memref<1x128xi32, #tpu.memory_space<vmem>>
          %dma_wait3A_355 = tpu.memref_squeeze %dma_wait3A_354 : memref<1x128xi32, #tpu.memory_space<vmem>> -> memref<128xi32, #tpu.memory_space<vmem>>
          %dma_wait3A_356 = arith.constant 0 : i32
          %dma_wait3A_357 = arith.constant 0 : i32
          %dma_wait3A_358 = tpu.memref_slice %arg10[%dma_wait3A_356, %dma_wait3A_357] : memref<10000x64xf32, #tpu.memory_space<vmem_shared>> -> memref<10000x64xf32, #tpu.memory_space<vmem_shared>>
          tpu.wait_indirect_dma semaphore(%run_scoped3A_339 : memref<!tpu.dma_semaphore, #tpu.memory_space<semaphore_mem>>) src(%dma_wait3A_352 : memref<128x64xf32, #tpu.memory_space<vmem>>) dst(%dma_wait3A_358 : memref<10000x64xf32, #tpu.memory_space<vmem_shared>>)
          tpu.yield
        }) : () -> ()
      } else {
      }
    } else {
    }
    %eq3A_238 = arith.constant 1 : i32
    %eq3A_239 = arith.cmpi eq, %arg0, %eq3A_238 : i32
    %convert_element_type3A_240 = arith.extui %eq3A_239 : i1 to i32
    %cond3A_241 = arith.constant 0 : i32
    %cond3A_242 = arith.cmpi ne, %convert_element_type3A_240, %cond3A_241 : i32
    scf.if %cond3A_242 {
      %dma_start3A = arith.constant 0 : i32
      %dma_start3A_254 = arith.constant 0 : i32
      %dma_start3A_255 = arith.constant 0 : i32
      %dma_start3A_256 = arith.constant 0 : i32
      %dma_start3A_257 = tpu.memref_slice %arg9[%dma_start3A_254, %dma_start3A_255, %dma_start3A_256] : memref<6x128x64xf32, #tpu.memory_space<vmem>> -> memref<1x128x64xf32, #tpu.memory_space<vmem>>
      %dma_start3A_258 = tpu.memref_squeeze %dma_start3A_257 : memref<1x128x64xf32, #tpu.memory_space<vmem>> -> memref<128x64xf32, #tpu.memory_space<vmem>>
      %dma_start3A_259 = arith.constant 0 : i32
      %dma_start3A_260 = tpu.memref_slice %arg7[%dma_start3A, %dma_start3A_259] : memref<160x128xi32, #tpu.memory_space<vmem>> -> memref<1x128xi32, #tpu.memory_space<vmem>>
      %dma_start3A_261 = tpu.memref_squeeze %dma_start3A_260 : memref<1x128xi32, #tpu.memory_space<vmem>> -> memref<128xi32, #tpu.memory_space<vmem>>
      %dma_start3A_262 = arith.constant 0 : i32
      %dma_start3A_263 = arith.constant 0 : i32
      %dma_start3A_264 = tpu.memref_slice %arg3[%dma_start3A_262, %dma_start3A_263] : memref<10000x64xf32, #tpu.memory_space<hbm>> -> memref<10000x64xf32, #tpu.memory_space<hbm>>
      tpu.enqueue_indirect_dma source(%dma_start3A_264 : memref<10000x64xf32, #tpu.memory_space<hbm>>) target(%dma_start3A_258 : memref<128x64xf32, #tpu.memory_space<vmem>>) offsets(%dma_start3A_261 : memref<128xi32, #tpu.memory_space<vmem>>) semaphore(%arg11 : memref<!tpu.dma_semaphore, #tpu.memory_space<semaphore_mem>>)
      %dma_start3A_265 = arith.constant 1 : i32
      %dma_start3A_266 = arith.constant 1 : i32
      %dma_start3A_267 = arith.constant 0 : i32
      %dma_start3A_268 = arith.constant 0 : i32
      %dma_start3A_269 = tpu.memref_slice %arg9[%dma_start3A_266, %dma_start3A_267, %dma_start3A_268] : memref<6x128x64xf32, #tpu.memory_space<vmem>> -> memref<1x128x64xf32, #tpu.memory_space<vmem>>
      %dma_start3A_270 = tpu.memref_squeeze %dma_start3A_269 : memref<1x128x64xf32, #tpu.memory_space<vmem>> -> memref<128x64xf32, #tpu.memory_space<vmem>>
      %dma_start3A_271 = arith.constant 0 : i32
      %dma_start3A_272 = tpu.memref_slice %arg7[%dma_start3A_265, %dma_start3A_271] : memref<160x128xi32, #tpu.memory_space<vmem>> -> memref<1x128xi32, #tpu.memory_space<vmem>>
      %dma_start3A_273 = tpu.memref_squeeze %dma_start3A_272 : memref<1x128xi32, #tpu.memory_space<vmem>> -> memref<128xi32, #tpu.memory_space<vmem>>
      %dma_start3A_274 = arith.constant 0 : i32
      %dma_start3A_275 = arith.constant 0 : i32
      %dma_start3A_276 = tpu.memref_slice %arg3[%dma_start3A_274, %dma_start3A_275] : memref<10000x64xf32, #tpu.memory_space<hbm>> -> memref<10000x64xf32, #tpu.memory_space<hbm>>
      tpu.enqueue_indirect_dma source(%dma_start3A_276 : memref<10000x64xf32, #tpu.memory_space<hbm>>) target(%dma_start3A_270 : memref<128x64xf32, #tpu.memory_space<vmem>>) offsets(%dma_start3A_273 : memref<128xi32, #tpu.memory_space<vmem>>) semaphore(%arg12 : memref<!tpu.dma_semaphore, #tpu.memory_space<semaphore_mem>>)
      %dma_start3A_277 = arith.constant 2 : i32
      %dma_start3A_278 = arith.constant 2 : i32
      %dma_start3A_279 = arith.constant 0 : i32
      %dma_start3A_280 = arith.constant 0 : i32
      %dma_start3A_281 = tpu.memref_slice %arg9[%dma_start3A_278, %dma_start3A_279, %dma_start3A_280] : memref<6x128x64xf32, #tpu.memory_space<vmem>> -> memref<1x128x64xf32, #tpu.memory_space<vmem>>
      %dma_start3A_282 = tpu.memref_squeeze %dma_start3A_281 : memref<1x128x64xf32, #tpu.memory_space<vmem>> -> memref<128x64xf32, #tpu.memory_space<vmem>>
      %dma_start3A_283 = arith.constant 0 : i32
      %dma_start3A_284 = tpu.memref_slice %arg7[%dma_start3A_277, %dma_start3A_283] : memref<160x128xi32, #tpu.memory_space<vmem>> -> memref<1x128xi32, #tpu.memory_space<vmem>>
      %dma_start3A_285 = tpu.memref_squeeze %dma_start3A_284 : memref<1x128xi32, #tpu.memory_space<vmem>> -> memref<128xi32, #tpu.memory_space<vmem>>
      %dma_start3A_286 = arith.constant 0 : i32
      %dma_start3A_287 = arith.constant 0 : i32
      %dma_start3A_288 = tpu.memref_slice %arg3[%dma_start3A_286, %dma_start3A_287] : memref<10000x64xf32, #tpu.memory_space<hbm>> -> memref<10000x64xf32, #tpu.memory_space<hbm>>
      tpu.enqueue_indirect_dma source(%dma_start3A_288 : memref<10000x64xf32, #tpu.memory_space<hbm>>) target(%dma_start3A_282 : memref<128x64xf32, #tpu.memory_space<vmem>>) offsets(%dma_start3A_285 : memref<128xi32, #tpu.memory_space<vmem>>) semaphore(%arg13 : memref<!tpu.dma_semaphore, #tpu.memory_space<semaphore_mem>>)
      %dma_start3A_289 = arith.constant 3 : i32
      %dma_start3A_290 = arith.constant 3 : i32
      %dma_start3A_291 = arith.constant 0 : i32
      %dma_start3A_292 = arith.constant 0 : i32
      %dma_start3A_293 = tpu.memref_slice %arg9[%dma_start3A_290, %dma_start3A_291, %dma_start3A_292] : memref<6x128x64xf32, #tpu.memory_space<vmem>> -> memref<1x128x64xf32, #tpu.memory_space<vmem>>
      %dma_start3A_294 = tpu.memref_squeeze %dma_start3A_293 : memref<1x128x64xf32, #tpu.memory_space<vmem>> -> memref<128x64xf32, #tpu.memory_space<vmem>>
      %dma_start3A_295 = arith.constant 0 : i32
      %dma_start3A_296 = tpu.memref_slice %arg7[%dma_start3A_289, %dma_start3A_295] : memref<160x128xi32, #tpu.memory_space<vmem>> -> memref<1x128xi32, #tpu.memory_space<vmem>>
      %dma_start3A_297 = tpu.memref_squeeze %dma_start3A_296 : memref<1x128xi32, #tpu.memory_space<vmem>> -> memref<128xi32, #tpu.memory_space<vmem>>
      %dma_start3A_298 = arith.constant 0 : i32
      %dma_start3A_299 = arith.constant 0 : i32
      %dma_start3A_300 = tpu.memref_slice %arg3[%dma_start3A_298, %dma_start3A_299] : memref<10000x64xf32, #tpu.memory_space<hbm>> -> memref<10000x64xf32, #tpu.memory_space<hbm>>
      tpu.enqueue_indirect_dma source(%dma_start3A_300 : memref<10000x64xf32, #tpu.memory_space<hbm>>) target(%dma_start3A_294 : memref<128x64xf32, #tpu.memory_space<vmem>>) offsets(%dma_start3A_297 : memref<128xi32, #tpu.memory_space<vmem>>) semaphore(%arg14 : memref<!tpu.dma_semaphore, #tpu.memory_space<semaphore_mem>>)
      %dma_start3A_301 = arith.constant 4 : i32
      %dma_start3A_302 = arith.constant 4 : i32
      %dma_start3A_303 = arith.constant 0 : i32
      %dma_start3A_304 = arith.constant 0 : i32
      %dma_start3A_305 = tpu.memref_slice %arg9[%dma_start3A_302, %dma_start3A_303, %dma_start3A_304] : memref<6x128x64xf32, #tpu.memory_space<vmem>> -> memref<1x128x64xf32, #tpu.memory_space<vmem>>
      %dma_start3A_306 = tpu.memref_squeeze %dma_start3A_305 : memref<1x128x64xf32, #tpu.memory_space<vmem>> -> memref<128x64xf32, #tpu.memory_space<vmem>>
      %dma_start3A_307 = arith.constant 0 : i32
      %dma_start3A_308 = tpu.memref_slice %arg7[%dma_start3A_301, %dma_start3A_307] : memref<160x128xi32, #tpu.memory_space<vmem>> -> memref<1x128xi32, #tpu.memory_space<vmem>>
      %dma_start3A_309 = tpu.memref_squeeze %dma_start3A_308 : memref<1x128xi32, #tpu.memory_space<vmem>> -> memref<128xi32, #tpu.memory_space<vmem>>
      %dma_start3A_310 = arith.constant 0 : i32
      %dma_start3A_311 = arith.constant 0 : i32
      %dma_start3A_312 = tpu.memref_slice %arg3[%dma_start3A_310, %dma_start3A_311] : memref<10000x64xf32, #tpu.memory_space<hbm>> -> memref<10000x64xf32, #tpu.memory_space<hbm>>
      tpu.enqueue_indirect_dma source(%dma_start3A_312 : memref<10000x64xf32, #tpu.memory_space<hbm>>) target(%dma_start3A_306 : memref<128x64xf32, #tpu.memory_space<vmem>>) offsets(%dma_start3A_309 : memref<128xi32, #tpu.memory_space<vmem>>) semaphore(%arg15 : memref<!tpu.dma_semaphore, #tpu.memory_space<semaphore_mem>>)
      %dma_start3A_313 = arith.constant 5 : i32
      %dma_start3A_314 = arith.constant 5 : i32
      %dma_start3A_315 = arith.constant 0 : i32
      %dma_start3A_316 = arith.constant 0 : i32
      %dma_start3A_317 = tpu.memref_slice %arg9[%dma_start3A_314, %dma_start3A_315, %dma_start3A_316] : memref<6x128x64xf32, #tpu.memory_space<vmem>> -> memref<1x128x64xf32, #tpu.memory_space<vmem>>
      %dma_start3A_318 = tpu.memref_squeeze %dma_start3A_317 : memref<1x128x64xf32, #tpu.memory_space<vmem>> -> memref<128x64xf32, #tpu.memory_space<vmem>>
      %dma_start3A_319 = arith.constant 0 : i32
      %dma_start3A_320 = tpu.memref_slice %arg7[%dma_start3A_313, %dma_start3A_319] : memref<160x128xi32, #tpu.memory_space<vmem>> -> memref<1x128xi32, #tpu.memory_space<vmem>>
      %dma_start3A_321 = tpu.memref_squeeze %dma_start3A_320 : memref<1x128xi32, #tpu.memory_space<vmem>> -> memref<128xi32, #tpu.memory_space<vmem>>
      %dma_start3A_322 = arith.constant 0 : i32
      %dma_start3A_323 = arith.constant 0 : i32
      %dma_start3A_324 = tpu.memref_slice %arg3[%dma_start3A_322, %dma_start3A_323] : memref<10000x64xf32, #tpu.memory_space<hbm>> -> memref<10000x64xf32, #tpu.memory_space<hbm>>
      tpu.enqueue_indirect_dma source(%dma_start3A_324 : memref<10000x64xf32, #tpu.memory_space<hbm>>) target(%dma_start3A_318 : memref<128x64xf32, #tpu.memory_space<vmem>>) offsets(%dma_start3A_321 : memref<128xi32, #tpu.memory_space<vmem>>) semaphore(%arg16 : memref<!tpu.dma_semaphore, #tpu.memory_space<semaphore_mem>>)
      %scan3A_325 = arith.constant 0 : i32
      %scan3A_326 = arith.constant 0 : i32
      %scan3A_327 = arith.constant 26 : i32
      %scan3A_328 = arith.addi %scan3A_326, %scan3A_327 : i32
      %scan3A_329 = arith.constant 1 : i32
      scf.for %scan3A_335 = %scan3A_326 to %scan3A_328 step %scan3A_329  : i32 {
        %mul3A_336 = arith.constant 6 : i32
        %mul3A_337 = arith.muli %mul3A_336, %scan3A_335 : i32
        %add3A_338 = arith.constant 0 : i32
        %add3A_339 = arith.addi %mul3A_337, %add3A_338 : i32
        %dma_wait3A = arith.constant 0 : i32
        %dma_wait3A_340 = arith.constant 0 : i32
        %dma_wait3A_341 = arith.constant 0 : i32
        %dma_wait3A_342 = tpu.memref_slice %arg9[%dma_wait3A, %dma_wait3A_340, %dma_wait3A_341] : memref<6x128x64xf32, #tpu.memory_space<vmem>> -> memref<1x128x64xf32, #tpu.memory_space<vmem>>
        %dma_wait3A_343 = tpu.memref_squeeze %dma_wait3A_342 : memref<1x128x64xf32, #tpu.memory_space<vmem>> -> memref<128x64xf32, #tpu.memory_space<vmem>>
        %dma_wait3A_344 = arith.constant 0 : i32
        %dma_wait3A_345 = tpu.memref_slice %arg7[%add3A_339, %dma_wait3A_344] : memref<160x128xi32, #tpu.memory_space<vmem>> -> memref<1x128xi32, #tpu.memory_space<vmem>>
        %dma_wait3A_346 = tpu.memref_squeeze %dma_wait3A_345 : memref<1x128xi32, #tpu.memory_space<vmem>> -> memref<128xi32, #tpu.memory_space<vmem>>
        %dma_wait3A_347 = arith.constant 0 : i32
        %dma_wait3A_348 = arith.constant 0 : i32
        %dma_wait3A_349 = tpu.memref_slice %arg3[%dma_wait3A_347, %dma_wait3A_348] : memref<10000x64xf32, #tpu.memory_space<hbm>> -> memref<10000x64xf32, #tpu.memory_space<hbm>>
        tpu.wait_indirect_dma semaphore(%arg11 : memref<!tpu.dma_semaphore, #tpu.memory_space<semaphore_mem>>) src(%dma_wait3A_349 : memref<10000x64xf32, #tpu.memory_space<hbm>>) dst(%dma_wait3A_343 : memref<128x64xf32, #tpu.memory_space<vmem>>)
        %add3A_350 = arith.constant 0 : i32
        %add3A_351 = arith.addi %mul3A_337, %add3A_350 : i32
        %dma_start3A_352 = arith.constant 0 : i32
        %dma_start3A_353 = arith.constant 0 : i32
        %dma_start3A_354 = arith.constant 0 : i32
        %dma_start3A_355 = tpu.memref_slice %arg9[%dma_start3A_352, %dma_start3A_353, %dma_start3A_354] : memref<6x128x64xf32, #tpu.memory_space<vmem>> -> memref<1x128x64xf32, #tpu.memory_space<vmem>>
        %dma_start3A_356 = tpu.memref_squeeze %dma_start3A_355 : memref<1x128x64xf32, #tpu.memory_space<vmem>> -> memref<128x64xf32, #tpu.memory_space<vmem>>
        %dma_start3A_357 = arith.constant 0 : i32
        %dma_start3A_358 = tpu.memref_slice %arg8[%add3A_351, %dma_start3A_357] : memref<160x128xi32, #tpu.memory_space<vmem>> -> memref<1x128xi32, #tpu.memory_space<vmem>>
        %dma_start3A_359 = tpu.memref_squeeze %dma_start3A_358 : memref<1x128xi32, #tpu.memory_space<vmem>> -> memref<128xi32, #tpu.memory_space<vmem>>
        %dma_start3A_360 = arith.constant 0 : i32
        %dma_start3A_361 = arith.constant 0 : i32
        %dma_start3A_362 = tpu.memref_slice %arg10[%dma_start3A_360, %dma_start3A_361] : memref<10000x64xf32, #tpu.memory_space<vmem_shared>> -> memref<10000x64xf32, #tpu.memory_space<vmem_shared>>
        tpu.enqueue_indirect_dma source(%dma_start3A_356 : memref<128x64xf32, #tpu.memory_space<vmem>>) target(%dma_start3A_362 : memref<10000x64xf32, #tpu.memory_space<vmem_shared>>) offsets(%dma_start3A_359 : memref<128xi32, #tpu.memory_space<vmem>>) semaphore(%arg17 : memref<!tpu.dma_semaphore, #tpu.memory_space<semaphore_mem>>) {add = true}
        %add3A_363 = arith.constant 1 : i32
        %add3A_364 = arith.addi %mul3A_337, %add3A_363 : i32
        %dma_wait3A_365 = arith.constant 1 : i32
        %dma_wait3A_366 = arith.constant 0 : i32
        %dma_wait3A_367 = arith.constant 0 : i32
        %dma_wait3A_368 = tpu.memref_slice %arg9[%dma_wait3A_365, %dma_wait3A_366, %dma_wait3A_367] : memref<6x128x64xf32, #tpu.memory_space<vmem>> -> memref<1x128x64xf32, #tpu.memory_space<vmem>>
        %dma_wait3A_369 = tpu.memref_squeeze %dma_wait3A_368 : memref<1x128x64xf32, #tpu.memory_space<vmem>> -> memref<128x64xf32, #tpu.memory_space<vmem>>
        %dma_wait3A_370 = arith.constant 0 : i32
        %dma_wait3A_371 = tpu.memref_slice %arg7[%add3A_364, %dma_wait3A_370] : memref<160x128xi32, #tpu.memory_space<vmem>> -> memref<1x128xi32, #tpu.memory_space<vmem>>
        %dma_wait3A_372 = tpu.memref_squeeze %dma_wait3A_371 : memref<1x128xi32, #tpu.memory_space<vmem>> -> memref<128xi32, #tpu.memory_space<vmem>>
        %dma_wait3A_373 = arith.constant 0 : i32
        %dma_wait3A_374 = arith.constant 0 : i32
        %dma_wait3A_375 = tpu.memref_slice %arg3[%dma_wait3A_373, %dma_wait3A_374] : memref<10000x64xf32, #tpu.memory_space<hbm>> -> memref<10000x64xf32, #tpu.memory_space<hbm>>
        tpu.wait_indirect_dma semaphore(%arg12 : memref<!tpu.dma_semaphore, #tpu.memory_space<semaphore_mem>>) src(%dma_wait3A_375 : memref<10000x64xf32, #tpu.memory_space<hbm>>) dst(%dma_wait3A_369 : memref<128x64xf32, #tpu.memory_space<vmem>>)
        %add3A_376 = arith.constant 1 : i32
        %add3A_377 = arith.addi %mul3A_337, %add3A_376 : i32
        %dma_start3A_378 = arith.constant 1 : i32
        %dma_start3A_379 = arith.constant 0 : i32
        %dma_start3A_380 = arith.constant 0 : i32
        %dma_start3A_381 = tpu.memref_slice %arg9[%dma_start3A_378, %dma_start3A_379, %dma_start3A_380] : memref<6x128x64xf32, #tpu.memory_space<vmem>> -> memref<1x128x64xf32, #tpu.memory_space<vmem>>
        %dma_start3A_382 = tpu.memref_squeeze %dma_start3A_381 : memref<1x128x64xf32, #tpu.memory_space<vmem>> -> memref<128x64xf32, #tpu.memory_space<vmem>>
        %dma_start3A_383 = arith.constant 0 : i32
        %dma_start3A_384 = tpu.memref_slice %arg8[%add3A_377, %dma_start3A_383] : memref<160x128xi32, #tpu.memory_space<vmem>> -> memref<1x128xi32, #tpu.memory_space<vmem>>
        %dma_start3A_385 = tpu.memref_squeeze %dma_start3A_384 : memref<1x128xi32, #tpu.memory_space<vmem>> -> memref<128xi32, #tpu.memory_space<vmem>>
        %dma_start3A_386 = arith.constant 0 : i32
        %dma_start3A_387 = arith.constant 0 : i32
        %dma_start3A_388 = tpu.memref_slice %arg10[%dma_start3A_386, %dma_start3A_387] : memref<10000x64xf32, #tpu.memory_space<vmem_shared>> -> memref<10000x64xf32, #tpu.memory_space<vmem_shared>>
        tpu.enqueue_indirect_dma source(%dma_start3A_382 : memref<128x64xf32, #tpu.memory_space<vmem>>) target(%dma_start3A_388 : memref<10000x64xf32, #tpu.memory_space<vmem_shared>>) offsets(%dma_start3A_385 : memref<128xi32, #tpu.memory_space<vmem>>) semaphore(%arg18 : memref<!tpu.dma_semaphore, #tpu.memory_space<semaphore_mem>>) {add = true}
        %add3A_389 = arith.constant 2 : i32
        %add3A_390 = arith.addi %mul3A_337, %add3A_389 : i32
        %dma_wait3A_391 = arith.constant 2 : i32
        %dma_wait3A_392 = arith.constant 0 : i32
        %dma_wait3A_393 = arith.constant 0 : i32
        %dma_wait3A_394 = tpu.memref_slice %arg9[%dma_wait3A_391, %dma_wait3A_392, %dma_wait3A_393] : memref<6x128x64xf32, #tpu.memory_space<vmem>> -> memref<1x128x64xf32, #tpu.memory_space<vmem>>
        %dma_wait3A_395 = tpu.memref_squeeze %dma_wait3A_394 : memref<1x128x64xf32, #tpu.memory_space<vmem>> -> memref<128x64xf32, #tpu.memory_space<vmem>>
        %dma_wait3A_396 = arith.constant 0 : i32
        %dma_wait3A_397 = tpu.memref_slice %arg7[%add3A_390, %dma_wait3A_396] : memref<160x128xi32, #tpu.memory_space<vmem>> -> memref<1x128xi32, #tpu.memory_space<vmem>>
        %dma_wait3A_398 = tpu.memref_squeeze %dma_wait3A_397 : memref<1x128xi32, #tpu.memory_space<vmem>> -> memref<128xi32, #tpu.memory_space<vmem>>
        %dma_wait3A_399 = arith.constant 0 : i32
        %dma_wait3A_400 = arith.constant 0 : i32
        %dma_wait3A_401 = tpu.memref_slice %arg3[%dma_wait3A_399, %dma_wait3A_400] : memref<10000x64xf32, #tpu.memory_space<hbm>> -> memref<10000x64xf32, #tpu.memory_space<hbm>>
        tpu.wait_indirect_dma semaphore(%arg13 : memref<!tpu.dma_semaphore, #tpu.memory_space<semaphore_mem>>) src(%dma_wait3A_401 : memref<10000x64xf32, #tpu.memory_space<hbm>>) dst(%dma_wait3A_395 : memref<128x64xf32, #tpu.memory_space<vmem>>)
        %add3A_402 = arith.constant 2 : i32
        %add3A_403 = arith.addi %mul3A_337, %add3A_402 : i32
        %dma_start3A_404 = arith.constant 2 : i32
        %dma_start3A_405 = arith.constant 0 : i32
        %dma_start3A_406 = arith.constant 0 : i32
        %dma_start3A_407 = tpu.memref_slice %arg9[%dma_start3A_404, %dma_start3A_405, %dma_start3A_406] : memref<6x128x64xf32, #tpu.memory_space<vmem>> -> memref<1x128x64xf32, #tpu.memory_space<vmem>>
        %dma_start3A_408 = tpu.memref_squeeze %dma_start3A_407 : memref<1x128x64xf32, #tpu.memory_space<vmem>> -> memref<128x64xf32, #tpu.memory_space<vmem>>
        %dma_start3A_409 = arith.constant 0 : i32
        %dma_start3A_410 = tpu.memref_slice %arg8[%add3A_403, %dma_start3A_409] : memref<160x128xi32, #tpu.memory_space<vmem>> -> memref<1x128xi32, #tpu.memory_space<vmem>>
        %dma_start3A_411 = tpu.memref_squeeze %dma_start3A_410 : memref<1x128xi32, #tpu.memory_space<vmem>> -> memref<128xi32, #tpu.memory_space<vmem>>
        %dma_start3A_412 = arith.constant 0 : i32
        %dma_start3A_413 = arith.constant 0 : i32
        %dma_start3A_414 = tpu.memref_slice %arg10[%dma_start3A_412, %dma_start3A_413] : memref<10000x64xf32, #tpu.memory_space<vmem_shared>> -> memref<10000x64xf32, #tpu.memory_space<vmem_shared>>
        tpu.enqueue_indirect_dma source(%dma_start3A_408 : memref<128x64xf32, #tpu.memory_space<vmem>>) target(%dma_start3A_414 : memref<10000x64xf32, #tpu.memory_space<vmem_shared>>) offsets(%dma_start3A_411 : memref<128xi32, #tpu.memory_space<vmem>>) semaphore(%arg19 : memref<!tpu.dma_semaphore, #tpu.memory_space<semaphore_mem>>) {add = true}
        %add3A_415 = arith.constant 3 : i32
        %add3A_416 = arith.addi %mul3A_337, %add3A_415 : i32
        %dma_wait3A_417 = arith.constant 3 : i32
        %dma_wait3A_418 = arith.constant 0 : i32
        %dma_wait3A_419 = arith.constant 0 : i32
        %dma_wait3A_420 = tpu.memref_slice %arg9[%dma_wait3A_417, %dma_wait3A_418, %dma_wait3A_419] : memref<6x128x64xf32, #tpu.memory_space<vmem>> -> memref<1x128x64xf32, #tpu.memory_space<vmem>>
        %dma_wait3A_421 = tpu.memref_squeeze %dma_wait3A_420 : memref<1x128x64xf32, #tpu.memory_space<vmem>> -> memref<128x64xf32, #tpu.memory_space<vmem>>
        %dma_wait3A_422 = arith.constant 0 : i32
        %dma_wait3A_423 = tpu.memref_slice %arg7[%add3A_416, %dma_wait3A_422] : memref<160x128xi32, #tpu.memory_space<vmem>> -> memref<1x128xi32, #tpu.memory_space<vmem>>
        %dma_wait3A_424 = tpu.memref_squeeze %dma_wait3A_423 : memref<1x128xi32, #tpu.memory_space<vmem>> -> memref<128xi32, #tpu.memory_space<vmem>>
        %dma_wait3A_425 = arith.constant 0 : i32
        %dma_wait3A_426 = arith.constant 0 : i32
        %dma_wait3A_427 = tpu.memref_slice %arg3[%dma_wait3A_425, %dma_wait3A_426] : memref<10000x64xf32, #tpu.memory_space<hbm>> -> memref<10000x64xf32, #tpu.memory_space<hbm>>
        tpu.wait_indirect_dma semaphore(%arg14 : memref<!tpu.dma_semaphore, #tpu.memory_space<semaphore_mem>>) src(%dma_wait3A_427 : memref<10000x64xf32, #tpu.memory_space<hbm>>) dst(%dma_wait3A_421 : memref<128x64xf32, #tpu.memory_space<vmem>>)
        %add3A_428 = arith.constant 3 : i32
        %add3A_429 = arith.addi %mul3A_337, %add3A_428 : i32
        %dma_start3A_430 = arith.constant 3 : i32
        %dma_start3A_431 = arith.constant 0 : i32
        %dma_start3A_432 = arith.constant 0 : i32
        %dma_start3A_433 = tpu.memref_slice %arg9[%dma_start3A_430, %dma_start3A_431, %dma_start3A_432] : memref<6x128x64xf32, #tpu.memory_space<vmem>> -> memref<1x128x64xf32, #tpu.memory_space<vmem>>
        %dma_start3A_434 = tpu.memref_squeeze %dma_start3A_433 : memref<1x128x64xf32, #tpu.memory_space<vmem>> -> memref<128x64xf32, #tpu.memory_space<vmem>>
        %dma_start3A_435 = arith.constant 0 : i32
        %dma_start3A_436 = tpu.memref_slice %arg8[%add3A_429, %dma_start3A_435] : memref<160x128xi32, #tpu.memory_space<vmem>> -> memref<1x128xi32, #tpu.memory_space<vmem>>
        %dma_start3A_437 = tpu.memref_squeeze %dma_start3A_436 : memref<1x128xi32, #tpu.memory_space<vmem>> -> memref<128xi32, #tpu.memory_space<vmem>>
        %dma_start3A_438 = arith.constant 0 : i32
        %dma_start3A_439 = arith.constant 0 : i32
        %dma_start3A_440 = tpu.memref_slice %arg10[%dma_start3A_438, %dma_start3A_439] : memref<10000x64xf32, #tpu.memory_space<vmem_shared>> -> memref<10000x64xf32, #tpu.memory_space<vmem_shared>>
        tpu.enqueue_indirect_dma source(%dma_start3A_434 : memref<128x64xf32, #tpu.memory_space<vmem>>) target(%dma_start3A_440 : memref<10000x64xf32, #tpu.memory_space<vmem_shared>>) offsets(%dma_start3A_437 : memref<128xi32, #tpu.memory_space<vmem>>) semaphore(%arg20 : memref<!tpu.dma_semaphore, #tpu.memory_space<semaphore_mem>>) {add = true}
        %add3A_441 = arith.constant 4 : i32
        %add3A_442 = arith.addi %mul3A_337, %add3A_441 : i32
        %dma_wait3A_443 = arith.constant 4 : i32
        %dma_wait3A_444 = arith.constant 0 : i32
        %dma_wait3A_445 = arith.constant 0 : i32
        %dma_wait3A_446 = tpu.memref_slice %arg9[%dma_wait3A_443, %dma_wait3A_444, %dma_wait3A_445] : memref<6x128x64xf32, #tpu.memory_space<vmem>> -> memref<1x128x64xf32, #tpu.memory_space<vmem>>
        %dma_wait3A_447 = tpu.memref_squeeze %dma_wait3A_446 : memref<1x128x64xf32, #tpu.memory_space<vmem>> -> memref<128x64xf32, #tpu.memory_space<vmem>>
        %dma_wait3A_448 = arith.constant 0 : i32
        %dma_wait3A_449 = tpu.memref_slice %arg7[%add3A_442, %dma_wait3A_448] : memref<160x128xi32, #tpu.memory_space<vmem>> -> memref<1x128xi32, #tpu.memory_space<vmem>>
        %dma_wait3A_450 = tpu.memref_squeeze %dma_wait3A_449 : memref<1x128xi32, #tpu.memory_space<vmem>> -> memref<128xi32, #tpu.memory_space<vmem>>
        %dma_wait3A_451 = arith.constant 0 : i32
        %dma_wait3A_452 = arith.constant 0 : i32
        %dma_wait3A_453 = tpu.memref_slice %arg3[%dma_wait3A_451, %dma_wait3A_452] : memref<10000x64xf32, #tpu.memory_space<hbm>> -> memref<10000x64xf32, #tpu.memory_space<hbm>>
        tpu.wait_indirect_dma semaphore(%arg15 : memref<!tpu.dma_semaphore, #tpu.memory_space<semaphore_mem>>) src(%dma_wait3A_453 : memref<10000x64xf32, #tpu.memory_space<hbm>>) dst(%dma_wait3A_447 : memref<128x64xf32, #tpu.memory_space<vmem>>)
        %add3A_454 = arith.constant 4 : i32
        %add3A_455 = arith.addi %mul3A_337, %add3A_454 : i32
        %dma_start3A_456 = arith.constant 4 : i32
        %dma_start3A_457 = arith.constant 0 : i32
        %dma_start3A_458 = arith.constant 0 : i32
        %dma_start3A_459 = tpu.memref_slice %arg9[%dma_start3A_456, %dma_start3A_457, %dma_start3A_458] : memref<6x128x64xf32, #tpu.memory_space<vmem>> -> memref<1x128x64xf32, #tpu.memory_space<vmem>>
        %dma_start3A_460 = tpu.memref_squeeze %dma_start3A_459 : memref<1x128x64xf32, #tpu.memory_space<vmem>> -> memref<128x64xf32, #tpu.memory_space<vmem>>
        %dma_start3A_461 = arith.constant 0 : i32
        %dma_start3A_462 = tpu.memref_slice %arg8[%add3A_455, %dma_start3A_461] : memref<160x128xi32, #tpu.memory_space<vmem>> -> memref<1x128xi32, #tpu.memory_space<vmem>>
        %dma_start3A_463 = tpu.memref_squeeze %dma_start3A_462 : memref<1x128xi32, #tpu.memory_space<vmem>> -> memref<128xi32, #tpu.memory_space<vmem>>
        %dma_start3A_464 = arith.constant 0 : i32
        %dma_start3A_465 = arith.constant 0 : i32
        %dma_start3A_466 = tpu.memref_slice %arg10[%dma_start3A_464, %dma_start3A_465] : memref<10000x64xf32, #tpu.memory_space<vmem_shared>> -> memref<10000x64xf32, #tpu.memory_space<vmem_shared>>
        tpu.enqueue_indirect_dma source(%dma_start3A_460 : memref<128x64xf32, #tpu.memory_space<vmem>>) target(%dma_start3A_466 : memref<10000x64xf32, #tpu.memory_space<vmem_shared>>) offsets(%dma_start3A_463 : memref<128xi32, #tpu.memory_space<vmem>>) semaphore(%arg21 : memref<!tpu.dma_semaphore, #tpu.memory_space<semaphore_mem>>) {add = true}
        %add3A_467 = arith.constant 5 : i32
        %add3A_468 = arith.addi %mul3A_337, %add3A_467 : i32
        %dma_wait3A_469 = arith.constant 5 : i32
        %dma_wait3A_470 = arith.constant 0 : i32
        %dma_wait3A_471 = arith.constant 0 : i32
        %dma_wait3A_472 = tpu.memref_slice %arg9[%dma_wait3A_469, %dma_wait3A_470, %dma_wait3A_471] : memref<6x128x64xf32, #tpu.memory_space<vmem>> -> memref<1x128x64xf32, #tpu.memory_space<vmem>>
        %dma_wait3A_473 = tpu.memref_squeeze %dma_wait3A_472 : memref<1x128x64xf32, #tpu.memory_space<vmem>> -> memref<128x64xf32, #tpu.memory_space<vmem>>
        %dma_wait3A_474 = arith.constant 0 : i32
        %dma_wait3A_475 = tpu.memref_slice %arg7[%add3A_468, %dma_wait3A_474] : memref<160x128xi32, #tpu.memory_space<vmem>> -> memref<1x128xi32, #tpu.memory_space<vmem>>
        %dma_wait3A_476 = tpu.memref_squeeze %dma_wait3A_475 : memref<1x128xi32, #tpu.memory_space<vmem>> -> memref<128xi32, #tpu.memory_space<vmem>>
        %dma_wait3A_477 = arith.constant 0 : i32
        %dma_wait3A_478 = arith.constant 0 : i32
        %dma_wait3A_479 = tpu.memref_slice %arg3[%dma_wait3A_477, %dma_wait3A_478] : memref<10000x64xf32, #tpu.memory_space<hbm>> -> memref<10000x64xf32, #tpu.memory_space<hbm>>
        tpu.wait_indirect_dma semaphore(%arg16 : memref<!tpu.dma_semaphore, #tpu.memory_space<semaphore_mem>>) src(%dma_wait3A_479 : memref<10000x64xf32, #tpu.memory_space<hbm>>) dst(%dma_wait3A_473 : memref<128x64xf32, #tpu.memory_space<vmem>>)
        %add3A_480 = arith.constant 5 : i32
        %add3A_481 = arith.addi %mul3A_337, %add3A_480 : i32
        %dma_start3A_482 = arith.constant 5 : i32
        %dma_start3A_483 = arith.constant 0 : i32
        %dma_start3A_484 = arith.constant 0 : i32
        %dma_start3A_485 = tpu.memref_slice %arg9[%dma_start3A_482, %dma_start3A_483, %dma_start3A_484] : memref<6x128x64xf32, #tpu.memory_space<vmem>> -> memref<1x128x64xf32, #tpu.memory_space<vmem>>
        %dma_start3A_486 = tpu.memref_squeeze %dma_start3A_485 : memref<1x128x64xf32, #tpu.memory_space<vmem>> -> memref<128x64xf32, #tpu.memory_space<vmem>>
        %dma_start3A_487 = arith.constant 0 : i32
        %dma_start3A_488 = tpu.memref_slice %arg8[%add3A_481, %dma_start3A_487] : memref<160x128xi32, #tpu.memory_space<vmem>> -> memref<1x128xi32, #tpu.memory_space<vmem>>
        %dma_start3A_489 = tpu.memref_squeeze %dma_start3A_488 : memref<1x128xi32, #tpu.memory_space<vmem>> -> memref<128xi32, #tpu.memory_space<vmem>>
        %dma_start3A_490 = arith.constant 0 : i32
        %dma_start3A_491 = arith.constant 0 : i32
        %dma_start3A_492 = tpu.memref_slice %arg10[%dma_start3A_490, %dma_start3A_491] : memref<10000x64xf32, #tpu.memory_space<vmem_shared>> -> memref<10000x64xf32, #tpu.memory_space<vmem_shared>>
        tpu.enqueue_indirect_dma source(%dma_start3A_486 : memref<128x64xf32, #tpu.memory_space<vmem>>) target(%dma_start3A_492 : memref<10000x64xf32, #tpu.memory_space<vmem_shared>>) offsets(%dma_start3A_489 : memref<128xi32, #tpu.memory_space<vmem>>) semaphore(%arg22 : memref<!tpu.dma_semaphore, #tpu.memory_space<semaphore_mem>>) {add = true}
        %add3A_493 = arith.constant 0 : i32
        %add3A_494 = arith.addi %mul3A_337, %add3A_493 : i32
        %dma_wait3A_495 = arith.constant 0 : i32
        %dma_wait3A_496 = arith.constant 0 : i32
        %dma_wait3A_497 = arith.constant 0 : i32
        %dma_wait3A_498 = tpu.memref_slice %arg9[%dma_wait3A_495, %dma_wait3A_496, %dma_wait3A_497] : memref<6x128x64xf32, #tpu.memory_space<vmem>> -> memref<1x128x64xf32, #tpu.memory_space<vmem>>
        %dma_wait3A_499 = tpu.memref_squeeze %dma_wait3A_498 : memref<1x128x64xf32, #tpu.memory_space<vmem>> -> memref<128x64xf32, #tpu.memory_space<vmem>>
        %dma_wait3A_500 = arith.constant 0 : i32
        %dma_wait3A_501 = tpu.memref_slice %arg8[%add3A_494, %dma_wait3A_500] : memref<160x128xi32, #tpu.memory_space<vmem>> -> memref<1x128xi32, #tpu.memory_space<vmem>>
        %dma_wait3A_502 = tpu.memref_squeeze %dma_wait3A_501 : memref<1x128xi32, #tpu.memory_space<vmem>> -> memref<128xi32, #tpu.memory_space<vmem>>
        %dma_wait3A_503 = arith.constant 0 : i32
        %dma_wait3A_504 = arith.constant 0 : i32
        %dma_wait3A_505 = tpu.memref_slice %arg10[%dma_wait3A_503, %dma_wait3A_504] : memref<10000x64xf32, #tpu.memory_space<vmem_shared>> -> memref<10000x64xf32, #tpu.memory_space<vmem_shared>>
        tpu.wait_indirect_dma semaphore(%arg17 : memref<!tpu.dma_semaphore, #tpu.memory_space<semaphore_mem>>) src(%dma_wait3A_499 : memref<128x64xf32, #tpu.memory_space<vmem>>) dst(%dma_wait3A_505 : memref<10000x64xf32, #tpu.memory_space<vmem_shared>>)
        %add3A_506 = arith.constant 6 : i32
        %add3A_507 = arith.addi %mul3A_337, %add3A_506 : i32
        %add3A_508 = arith.constant 0 : i32
        %add3A_509 = arith.addi %add3A_507, %add3A_508 : i32
        %lt3A_510 = arith.constant 156 : i32
        %lt3A_511 = arith.cmpi slt, %add3A_509, %lt3A_510 : i32
        %convert_element_type3A_512 = arith.extui %lt3A_511 : i1 to i32
        %cond3A_513 = arith.constant 0 : i32
        %cond3A_514 = arith.cmpi ne, %convert_element_type3A_512, %cond3A_513 : i32
        scf.if %cond3A_514 {
          %add3A_625 = arith.constant 6 : i32
          %add3A_626 = arith.addi %mul3A_337, %add3A_625 : i32
          %add3A_627 = arith.constant 0 : i32
          %add3A_628 = arith.addi %add3A_626, %add3A_627 : i32
          %dma_start3A_629 = arith.constant 0 : i32
          %dma_start3A_630 = arith.constant 0 : i32
          %dma_start3A_631 = arith.constant 0 : i32
          %dma_start3A_632 = tpu.memref_slice %arg9[%dma_start3A_629, %dma_start3A_630, %dma_start3A_631] : memref<6x128x64xf32, #tpu.memory_space<vmem>> -> memref<1x128x64xf32, #tpu.memory_space<vmem>>
          %dma_start3A_633 = tpu.memref_squeeze %dma_start3A_632 : memref<1x128x64xf32, #tpu.memory_space<vmem>> -> memref<128x64xf32, #tpu.memory_space<vmem>>
          %dma_start3A_634 = arith.constant 0 : i32
          %dma_start3A_635 = tpu.memref_slice %arg7[%add3A_628, %dma_start3A_634] : memref<160x128xi32, #tpu.memory_space<vmem>> -> memref<1x128xi32, #tpu.memory_space<vmem>>
          %dma_start3A_636 = tpu.memref_squeeze %dma_start3A_635 : memref<1x128xi32, #tpu.memory_space<vmem>> -> memref<128xi32, #tpu.memory_space<vmem>>
          %dma_start3A_637 = arith.constant 0 : i32
          %dma_start3A_638 = arith.constant 0 : i32
          %dma_start3A_639 = tpu.memref_slice %arg3[%dma_start3A_637, %dma_start3A_638] : memref<10000x64xf32, #tpu.memory_space<hbm>> -> memref<10000x64xf32, #tpu.memory_space<hbm>>
          tpu.enqueue_indirect_dma source(%dma_start3A_639 : memref<10000x64xf32, #tpu.memory_space<hbm>>) target(%dma_start3A_633 : memref<128x64xf32, #tpu.memory_space<vmem>>) offsets(%dma_start3A_636 : memref<128xi32, #tpu.memory_space<vmem>>) semaphore(%arg11 : memref<!tpu.dma_semaphore, #tpu.memory_space<semaphore_mem>>)
        } else {
        }
        %add3A_515 = arith.constant 1 : i32
        %add3A_516 = arith.addi %mul3A_337, %add3A_515 : i32
        %dma_wait3A_517 = arith.constant 1 : i32
        %dma_wait3A_518 = arith.constant 0 : i32
        %dma_wait3A_519 = arith.constant 0 : i32
        %dma_wait3A_520 = tpu.memref_slice %arg9[%dma_wait3A_517, %dma_wait3A_518, %dma_wait3A_519] : memref<6x128x64xf32, #tpu.memory_space<vmem>> -> memref<1x128x64xf32, #tpu.memory_space<vmem>>
        %dma_wait3A_521 = tpu.memref_squeeze %dma_wait3A_520 : memref<1x128x64xf32, #tpu.memory_space<vmem>> -> memref<128x64xf32, #tpu.memory_space<vmem>>
        %dma_wait3A_522 = arith.constant 0 : i32
        %dma_wait3A_523 = tpu.memref_slice %arg8[%add3A_516, %dma_wait3A_522] : memref<160x128xi32, #tpu.memory_space<vmem>> -> memref<1x128xi32, #tpu.memory_space<vmem>>
        %dma_wait3A_524 = tpu.memref_squeeze %dma_wait3A_523 : memref<1x128xi32, #tpu.memory_space<vmem>> -> memref<128xi32, #tpu.memory_space<vmem>>
        %dma_wait3A_525 = arith.constant 0 : i32
        %dma_wait3A_526 = arith.constant 0 : i32
        %dma_wait3A_527 = tpu.memref_slice %arg10[%dma_wait3A_525, %dma_wait3A_526] : memref<10000x64xf32, #tpu.memory_space<vmem_shared>> -> memref<10000x64xf32, #tpu.memory_space<vmem_shared>>
        tpu.wait_indirect_dma semaphore(%arg18 : memref<!tpu.dma_semaphore, #tpu.memory_space<semaphore_mem>>) src(%dma_wait3A_521 : memref<128x64xf32, #tpu.memory_space<vmem>>) dst(%dma_wait3A_527 : memref<10000x64xf32, #tpu.memory_space<vmem_shared>>)
        %add3A_528 = arith.constant 6 : i32
        %add3A_529 = arith.addi %mul3A_337, %add3A_528 : i32
        %add3A_530 = arith.constant 1 : i32
        %add3A_531 = arith.addi %add3A_529, %add3A_530 : i32
        %lt3A_532 = arith.constant 156 : i32
        %lt3A_533 = arith.cmpi slt, %add3A_531, %lt3A_532 : i32
        %convert_element_type3A_534 = arith.extui %lt3A_533 : i1 to i32
        %cond3A_535 = arith.constant 0 : i32
        %cond3A_536 = arith.cmpi ne, %convert_element_type3A_534, %cond3A_535 : i32
        scf.if %cond3A_536 {
          %add3A_625 = arith.constant 6 : i32
          %add3A_626 = arith.addi %mul3A_337, %add3A_625 : i32
          %add3A_627 = arith.constant 1 : i32
          %add3A_628 = arith.addi %add3A_626, %add3A_627 : i32
          %dma_start3A_629 = arith.constant 1 : i32
          %dma_start3A_630 = arith.constant 0 : i32
          %dma_start3A_631 = arith.constant 0 : i32
          %dma_start3A_632 = tpu.memref_slice %arg9[%dma_start3A_629, %dma_start3A_630, %dma_start3A_631] : memref<6x128x64xf32, #tpu.memory_space<vmem>> -> memref<1x128x64xf32, #tpu.memory_space<vmem>>
          %dma_start3A_633 = tpu.memref_squeeze %dma_start3A_632 : memref<1x128x64xf32, #tpu.memory_space<vmem>> -> memref<128x64xf32, #tpu.memory_space<vmem>>
          %dma_start3A_634 = arith.constant 0 : i32
          %dma_start3A_635 = tpu.memref_slice %arg7[%add3A_628, %dma_start3A_634] : memref<160x128xi32, #tpu.memory_space<vmem>> -> memref<1x128xi32, #tpu.memory_space<vmem>>
          %dma_start3A_636 = tpu.memref_squeeze %dma_start3A_635 : memref<1x128xi32, #tpu.memory_space<vmem>> -> memref<128xi32, #tpu.memory_space<vmem>>
          %dma_start3A_637 = arith.constant 0 : i32
          %dma_start3A_638 = arith.constant 0 : i32
          %dma_start3A_639 = tpu.memref_slice %arg3[%dma_start3A_637, %dma_start3A_638] : memref<10000x64xf32, #tpu.memory_space<hbm>> -> memref<10000x64xf32, #tpu.memory_space<hbm>>
          tpu.enqueue_indirect_dma source(%dma_start3A_639 : memref<10000x64xf32, #tpu.memory_space<hbm>>) target(%dma_start3A_633 : memref<128x64xf32, #tpu.memory_space<vmem>>) offsets(%dma_start3A_636 : memref<128xi32, #tpu.memory_space<vmem>>) semaphore(%arg12 : memref<!tpu.dma_semaphore, #tpu.memory_space<semaphore_mem>>)
        } else {
        }
        %add3A_537 = arith.constant 2 : i32
        %add3A_538 = arith.addi %mul3A_337, %add3A_537 : i32
        %dma_wait3A_539 = arith.constant 2 : i32
        %dma_wait3A_540 = arith.constant 0 : i32
        %dma_wait3A_541 = arith.constant 0 : i32
        %dma_wait3A_542 = tpu.memref_slice %arg9[%dma_wait3A_539, %dma_wait3A_540, %dma_wait3A_541] : memref<6x128x64xf32, #tpu.memory_space<vmem>> -> memref<1x128x64xf32, #tpu.memory_space<vmem>>
        %dma_wait3A_543 = tpu.memref_squeeze %dma_wait3A_542 : memref<1x128x64xf32, #tpu.memory_space<vmem>> -> memref<128x64xf32, #tpu.memory_space<vmem>>
        %dma_wait3A_544 = arith.constant 0 : i32
        %dma_wait3A_545 = tpu.memref_slice %arg8[%add3A_538, %dma_wait3A_544] : memref<160x128xi32, #tpu.memory_space<vmem>> -> memref<1x128xi32, #tpu.memory_space<vmem>>
        %dma_wait3A_546 = tpu.memref_squeeze %dma_wait3A_545 : memref<1x128xi32, #tpu.memory_space<vmem>> -> memref<128xi32, #tpu.memory_space<vmem>>
        %dma_wait3A_547 = arith.constant 0 : i32
        %dma_wait3A_548 = arith.constant 0 : i32
        %dma_wait3A_549 = tpu.memref_slice %arg10[%dma_wait3A_547, %dma_wait3A_548] : memref<10000x64xf32, #tpu.memory_space<vmem_shared>> -> memref<10000x64xf32, #tpu.memory_space<vmem_shared>>
        tpu.wait_indirect_dma semaphore(%arg19 : memref<!tpu.dma_semaphore, #tpu.memory_space<semaphore_mem>>) src(%dma_wait3A_543 : memref<128x64xf32, #tpu.memory_space<vmem>>) dst(%dma_wait3A_549 : memref<10000x64xf32, #tpu.memory_space<vmem_shared>>)
        %add3A_550 = arith.constant 6 : i32
        %add3A_551 = arith.addi %mul3A_337, %add3A_550 : i32
        %add3A_552 = arith.constant 2 : i32
        %add3A_553 = arith.addi %add3A_551, %add3A_552 : i32
        %lt3A_554 = arith.constant 156 : i32
        %lt3A_555 = arith.cmpi slt, %add3A_553, %lt3A_554 : i32
        %convert_element_type3A_556 = arith.extui %lt3A_555 : i1 to i32
        %cond3A_557 = arith.constant 0 : i32
        %cond3A_558 = arith.cmpi ne, %convert_element_type3A_556, %cond3A_557 : i32
        scf.if %cond3A_558 {
          %add3A_625 = arith.constant 6 : i32
          %add3A_626 = arith.addi %mul3A_337, %add3A_625 : i32
          %add3A_627 = arith.constant 2 : i32
          %add3A_628 = arith.addi %add3A_626, %add3A_627 : i32
          %dma_start3A_629 = arith.constant 2 : i32
          %dma_start3A_630 = arith.constant 0 : i32
          %dma_start3A_631 = arith.constant 0 : i32
          %dma_start3A_632 = tpu.memref_slice %arg9[%dma_start3A_629, %dma_start3A_630, %dma_start3A_631] : memref<6x128x64xf32, #tpu.memory_space<vmem>> -> memref<1x128x64xf32, #tpu.memory_space<vmem>>
          %dma_start3A_633 = tpu.memref_squeeze %dma_start3A_632 : memref<1x128x64xf32, #tpu.memory_space<vmem>> -> memref<128x64xf32, #tpu.memory_space<vmem>>
          %dma_start3A_634 = arith.constant 0 : i32
          %dma_start3A_635 = tpu.memref_slice %arg7[%add3A_628, %dma_start3A_634] : memref<160x128xi32, #tpu.memory_space<vmem>> -> memref<1x128xi32, #tpu.memory_space<vmem>>
          %dma_start3A_636 = tpu.memref_squeeze %dma_start3A_635 : memref<1x128xi32, #tpu.memory_space<vmem>> -> memref<128xi32, #tpu.memory_space<vmem>>
          %dma_start3A_637 = arith.constant 0 : i32
          %dma_start3A_638 = arith.constant 0 : i32
          %dma_start3A_639 = tpu.memref_slice %arg3[%dma_start3A_637, %dma_start3A_638] : memref<10000x64xf32, #tpu.memory_space<hbm>> -> memref<10000x64xf32, #tpu.memory_space<hbm>>
          tpu.enqueue_indirect_dma source(%dma_start3A_639 : memref<10000x64xf32, #tpu.memory_space<hbm>>) target(%dma_start3A_633 : memref<128x64xf32, #tpu.memory_space<vmem>>) offsets(%dma_start3A_636 : memref<128xi32, #tpu.memory_space<vmem>>) semaphore(%arg13 : memref<!tpu.dma_semaphore, #tpu.memory_space<semaphore_mem>>)
        } else {
        }
        %add3A_559 = arith.constant 3 : i32
        %add3A_560 = arith.addi %mul3A_337, %add3A_559 : i32
        %dma_wait3A_561 = arith.constant 3 : i32
        %dma_wait3A_562 = arith.constant 0 : i32
        %dma_wait3A_563 = arith.constant 0 : i32
        %dma_wait3A_564 = tpu.memref_slice %arg9[%dma_wait3A_561, %dma_wait3A_562, %dma_wait3A_563] : memref<6x128x64xf32, #tpu.memory_space<vmem>> -> memref<1x128x64xf32, #tpu.memory_space<vmem>>
        %dma_wait3A_565 = tpu.memref_squeeze %dma_wait3A_564 : memref<1x128x64xf32, #tpu.memory_space<vmem>> -> memref<128x64xf32, #tpu.memory_space<vmem>>
        %dma_wait3A_566 = arith.constant 0 : i32
        %dma_wait3A_567 = tpu.memref_slice %arg8[%add3A_560, %dma_wait3A_566] : memref<160x128xi32, #tpu.memory_space<vmem>> -> memref<1x128xi32, #tpu.memory_space<vmem>>
        %dma_wait3A_568 = tpu.memref_squeeze %dma_wait3A_567 : memref<1x128xi32, #tpu.memory_space<vmem>> -> memref<128xi32, #tpu.memory_space<vmem>>
        %dma_wait3A_569 = arith.constant 0 : i32
        %dma_wait3A_570 = arith.constant 0 : i32
        %dma_wait3A_571 = tpu.memref_slice %arg10[%dma_wait3A_569, %dma_wait3A_570] : memref<10000x64xf32, #tpu.memory_space<vmem_shared>> -> memref<10000x64xf32, #tpu.memory_space<vmem_shared>>
        tpu.wait_indirect_dma semaphore(%arg20 : memref<!tpu.dma_semaphore, #tpu.memory_space<semaphore_mem>>) src(%dma_wait3A_565 : memref<128x64xf32, #tpu.memory_space<vmem>>) dst(%dma_wait3A_571 : memref<10000x64xf32, #tpu.memory_space<vmem_shared>>)
        %add3A_572 = arith.constant 6 : i32
        %add3A_573 = arith.addi %mul3A_337, %add3A_572 : i32
        %add3A_574 = arith.constant 3 : i32
        %add3A_575 = arith.addi %add3A_573, %add3A_574 : i32
        %lt3A_576 = arith.constant 156 : i32
        %lt3A_577 = arith.cmpi slt, %add3A_575, %lt3A_576 : i32
        %convert_element_type3A_578 = arith.extui %lt3A_577 : i1 to i32
        %cond3A_579 = arith.constant 0 : i32
        %cond3A_580 = arith.cmpi ne, %convert_element_type3A_578, %cond3A_579 : i32
        scf.if %cond3A_580 {
          %add3A_625 = arith.constant 6 : i32
          %add3A_626 = arith.addi %mul3A_337, %add3A_625 : i32
          %add3A_627 = arith.constant 3 : i32
          %add3A_628 = arith.addi %add3A_626, %add3A_627 : i32
          %dma_start3A_629 = arith.constant 3 : i32
          %dma_start3A_630 = arith.constant 0 : i32
          %dma_start3A_631 = arith.constant 0 : i32
          %dma_start3A_632 = tpu.memref_slice %arg9[%dma_start3A_629, %dma_start3A_630, %dma_start3A_631] : memref<6x128x64xf32, #tpu.memory_space<vmem>> -> memref<1x128x64xf32, #tpu.memory_space<vmem>>
          %dma_start3A_633 = tpu.memref_squeeze %dma_start3A_632 : memref<1x128x64xf32, #tpu.memory_space<vmem>> -> memref<128x64xf32, #tpu.memory_space<vmem>>
          %dma_start3A_634 = arith.constant 0 : i32
          %dma_start3A_635 = tpu.memref_slice %arg7[%add3A_628, %dma_start3A_634] : memref<160x128xi32, #tpu.memory_space<vmem>> -> memref<1x128xi32, #tpu.memory_space<vmem>>
          %dma_start3A_636 = tpu.memref_squeeze %dma_start3A_635 : memref<1x128xi32, #tpu.memory_space<vmem>> -> memref<128xi32, #tpu.memory_space<vmem>>
          %dma_start3A_637 = arith.constant 0 : i32
          %dma_start3A_638 = arith.constant 0 : i32
          %dma_start3A_639 = tpu.memref_slice %arg3[%dma_start3A_637, %dma_start3A_638] : memref<10000x64xf32, #tpu.memory_space<hbm>> -> memref<10000x64xf32, #tpu.memory_space<hbm>>
          tpu.enqueue_indirect_dma source(%dma_start3A_639 : memref<10000x64xf32, #tpu.memory_space<hbm>>) target(%dma_start3A_633 : memref<128x64xf32, #tpu.memory_space<vmem>>) offsets(%dma_start3A_636 : memref<128xi32, #tpu.memory_space<vmem>>) semaphore(%arg14 : memref<!tpu.dma_semaphore, #tpu.memory_space<semaphore_mem>>)
        } else {
        }
        %add3A_581 = arith.constant 4 : i32
        %add3A_582 = arith.addi %mul3A_337, %add3A_581 : i32
        %dma_wait3A_583 = arith.constant 4 : i32
        %dma_wait3A_584 = arith.constant 0 : i32
        %dma_wait3A_585 = arith.constant 0 : i32
        %dma_wait3A_586 = tpu.memref_slice %arg9[%dma_wait3A_583, %dma_wait3A_584, %dma_wait3A_585] : memref<6x128x64xf32, #tpu.memory_space<vmem>> -> memref<1x128x64xf32, #tpu.memory_space<vmem>>
        %dma_wait3A_587 = tpu.memref_squeeze %dma_wait3A_586 : memref<1x128x64xf32, #tpu.memory_space<vmem>> -> memref<128x64xf32, #tpu.memory_space<vmem>>
        %dma_wait3A_588 = arith.constant 0 : i32
        %dma_wait3A_589 = tpu.memref_slice %arg8[%add3A_582, %dma_wait3A_588] : memref<160x128xi32, #tpu.memory_space<vmem>> -> memref<1x128xi32, #tpu.memory_space<vmem>>
        %dma_wait3A_590 = tpu.memref_squeeze %dma_wait3A_589 : memref<1x128xi32, #tpu.memory_space<vmem>> -> memref<128xi32, #tpu.memory_space<vmem>>
        %dma_wait3A_591 = arith.constant 0 : i32
        %dma_wait3A_592 = arith.constant 0 : i32
        %dma_wait3A_593 = tpu.memref_slice %arg10[%dma_wait3A_591, %dma_wait3A_592] : memref<10000x64xf32, #tpu.memory_space<vmem_shared>> -> memref<10000x64xf32, #tpu.memory_space<vmem_shared>>
        tpu.wait_indirect_dma semaphore(%arg21 : memref<!tpu.dma_semaphore, #tpu.memory_space<semaphore_mem>>) src(%dma_wait3A_587 : memref<128x64xf32, #tpu.memory_space<vmem>>) dst(%dma_wait3A_593 : memref<10000x64xf32, #tpu.memory_space<vmem_shared>>)
        %add3A_594 = arith.constant 6 : i32
        %add3A_595 = arith.addi %mul3A_337, %add3A_594 : i32
        %add3A_596 = arith.constant 4 : i32
        %add3A_597 = arith.addi %add3A_595, %add3A_596 : i32
        %lt3A_598 = arith.constant 156 : i32
        %lt3A_599 = arith.cmpi slt, %add3A_597, %lt3A_598 : i32
        %convert_element_type3A_600 = arith.extui %lt3A_599 : i1 to i32
        %cond3A_601 = arith.constant 0 : i32
        %cond3A_602 = arith.cmpi ne, %convert_element_type3A_600, %cond3A_601 : i32
        scf.if %cond3A_602 {
          %add3A_625 = arith.constant 6 : i32
          %add3A_626 = arith.addi %mul3A_337, %add3A_625 : i32
          %add3A_627 = arith.constant 4 : i32
          %add3A_628 = arith.addi %add3A_626, %add3A_627 : i32
          %dma_start3A_629 = arith.constant 4 : i32
          %dma_start3A_630 = arith.constant 0 : i32
          %dma_start3A_631 = arith.constant 0 : i32
          %dma_start3A_632 = tpu.memref_slice %arg9[%dma_start3A_629, %dma_start3A_630, %dma_start3A_631] : memref<6x128x64xf32, #tpu.memory_space<vmem>> -> memref<1x128x64xf32, #tpu.memory_space<vmem>>
          %dma_start3A_633 = tpu.memref_squeeze %dma_start3A_632 : memref<1x128x64xf32, #tpu.memory_space<vmem>> -> memref<128x64xf32, #tpu.memory_space<vmem>>
          %dma_start3A_634 = arith.constant 0 : i32
          %dma_start3A_635 = tpu.memref_slice %arg7[%add3A_628, %dma_start3A_634] : memref<160x128xi32, #tpu.memory_space<vmem>> -> memref<1x128xi32, #tpu.memory_space<vmem>>
          %dma_start3A_636 = tpu.memref_squeeze %dma_start3A_635 : memref<1x128xi32, #tpu.memory_space<vmem>> -> memref<128xi32, #tpu.memory_space<vmem>>
          %dma_start3A_637 = arith.constant 0 : i32
          %dma_start3A_638 = arith.constant 0 : i32
          %dma_start3A_639 = tpu.memref_slice %arg3[%dma_start3A_637, %dma_start3A_638] : memref<10000x64xf32, #tpu.memory_space<hbm>> -> memref<10000x64xf32, #tpu.memory_space<hbm>>
          tpu.enqueue_indirect_dma source(%dma_start3A_639 : memref<10000x64xf32, #tpu.memory_space<hbm>>) target(%dma_start3A_633 : memref<128x64xf32, #tpu.memory_space<vmem>>) offsets(%dma_start3A_636 : memref<128xi32, #tpu.memory_space<vmem>>) semaphore(%arg15 : memref<!tpu.dma_semaphore, #tpu.memory_space<semaphore_mem>>)
        } else {
        }
        %add3A_603 = arith.constant 5 : i32
        %add3A_604 = arith.addi %mul3A_337, %add3A_603 : i32
        %dma_wait3A_605 = arith.constant 5 : i32
        %dma_wait3A_606 = arith.constant 0 : i32
        %dma_wait3A_607 = arith.constant 0 : i32
        %dma_wait3A_608 = tpu.memref_slice %arg9[%dma_wait3A_605, %dma_wait3A_606, %dma_wait3A_607] : memref<6x128x64xf32, #tpu.memory_space<vmem>> -> memref<1x128x64xf32, #tpu.memory_space<vmem>>
        %dma_wait3A_609 = tpu.memref_squeeze %dma_wait3A_608 : memref<1x128x64xf32, #tpu.memory_space<vmem>> -> memref<128x64xf32, #tpu.memory_space<vmem>>
        %dma_wait3A_610 = arith.constant 0 : i32
        %dma_wait3A_611 = tpu.memref_slice %arg8[%add3A_604, %dma_wait3A_610] : memref<160x128xi32, #tpu.memory_space<vmem>> -> memref<1x128xi32, #tpu.memory_space<vmem>>
        %dma_wait3A_612 = tpu.memref_squeeze %dma_wait3A_611 : memref<1x128xi32, #tpu.memory_space<vmem>> -> memref<128xi32, #tpu.memory_space<vmem>>
        %dma_wait3A_613 = arith.constant 0 : i32
        %dma_wait3A_614 = arith.constant 0 : i32
        %dma_wait3A_615 = tpu.memref_slice %arg10[%dma_wait3A_613, %dma_wait3A_614] : memref<10000x64xf32, #tpu.memory_space<vmem_shared>> -> memref<10000x64xf32, #tpu.memory_space<vmem_shared>>
        tpu.wait_indirect_dma semaphore(%arg22 : memref<!tpu.dma_semaphore, #tpu.memory_space<semaphore_mem>>) src(%dma_wait3A_609 : memref<128x64xf32, #tpu.memory_space<vmem>>) dst(%dma_wait3A_615 : memref<10000x64xf32, #tpu.memory_space<vmem_shared>>)
        %add3A_616 = arith.constant 6 : i32
        %add3A_617 = arith.addi %mul3A_337, %add3A_616 : i32
        %add3A_618 = arith.constant 5 : i32
        %add3A_619 = arith.addi %add3A_617, %add3A_618 : i32
        %lt3A_620 = arith.constant 156 : i32
        %lt3A_621 = arith.cmpi slt, %add3A_619, %lt3A_620 : i32
        %convert_element_type3A_622 = arith.extui %lt3A_621 : i1 to i32
        %cond3A_623 = arith.constant 0 : i32
        %cond3A_624 = arith.cmpi ne, %convert_element_type3A_622, %cond3A_623 : i32
        scf.if %cond3A_624 {
          %add3A_625 = arith.constant 6 : i32
          %add3A_626 = arith.addi %mul3A_337, %add3A_625 : i32
          %add3A_627 = arith.constant 5 : i32
          %add3A_628 = arith.addi %add3A_626, %add3A_627 : i32
          %dma_start3A_629 = arith.constant 5 : i32
          %dma_start3A_630 = arith.constant 0 : i32
          %dma_start3A_631 = arith.constant 0 : i32
          %dma_start3A_632 = tpu.memref_slice %arg9[%dma_start3A_629, %dma_start3A_630, %dma_start3A_631] : memref<6x128x64xf32, #tpu.memory_space<vmem>> -> memref<1x128x64xf32, #tpu.memory_space<vmem>>
          %dma_start3A_633 = tpu.memref_squeeze %dma_start3A_632 : memref<1x128x64xf32, #tpu.memory_space<vmem>> -> memref<128x64xf32, #tpu.memory_space<vmem>>
          %dma_start3A_634 = arith.constant 0 : i32
          %dma_start3A_635 = tpu.memref_slice %arg7[%add3A_628, %dma_start3A_634] : memref<160x128xi32, #tpu.memory_space<vmem>> -> memref<1x128xi32, #tpu.memory_space<vmem>>
          %dma_start3A_636 = tpu.memref_squeeze %dma_start3A_635 : memref<1x128xi32, #tpu.memory_space<vmem>> -> memref<128xi32, #tpu.memory_space<vmem>>
          %dma_start3A_637 = arith.constant 0 : i32
          %dma_start3A_638 = arith.constant 0 : i32
          %dma_start3A_639 = tpu.memref_slice %arg3[%dma_start3A_637, %dma_start3A_638] : memref<10000x64xf32, #tpu.memory_space<hbm>> -> memref<10000x64xf32, #tpu.memory_space<hbm>>
          tpu.enqueue_indirect_dma source(%dma_start3A_639 : memref<10000x64xf32, #tpu.memory_space<hbm>>) target(%dma_start3A_633 : memref<128x64xf32, #tpu.memory_space<vmem>>) offsets(%dma_start3A_636 : memref<128xi32, #tpu.memory_space<vmem>>) semaphore(%arg16 : memref<!tpu.dma_semaphore, #tpu.memory_space<semaphore_mem>>)
        } else {
        }
      }
      %scan3A_330 = arith.constant 26 : i32
      %gt3A = arith.constant 156 : i32
      %gt3A_331 = arith.cmpi sgt, %select_n3A, %gt3A : i32
      %convert_element_type3A_332 = arith.extui %gt3A_331 : i1 to i32
      %cond3A_333 = arith.constant 0 : i32
      %cond3A_334 = arith.cmpi ne, %convert_element_type3A_332, %cond3A_333 : i32
      scf.if %cond3A_334 {
        %run_scoped3A_335 = arith.constant 156 : i32
        %run_scoped3A_336 = arith.constant 0 : i32
        "tpu.region"() ({
          %run_scoped3A_339 = tpu.sem_alloc : memref<!tpu.dma_semaphore, #tpu.memory_space<semaphore_mem>>
          %dma_start3A_340 = arith.constant 0 : i32
          %dma_start3A_341 = arith.constant 0 : i32
          %dma_start3A_342 = tpu.memref_slice %arg9[%run_scoped3A_336, %dma_start3A_340, %dma_start3A_341] : memref<6x128x64xf32, #tpu.memory_space<vmem>> -> memref<1x128x64xf32, #tpu.memory_space<vmem>>
          %dma_start3A_343 = tpu.memref_squeeze %dma_start3A_342 : memref<1x128x64xf32, #tpu.memory_space<vmem>> -> memref<128x64xf32, #tpu.memory_space<vmem>>
          %dma_start3A_344 = arith.constant 0 : i32
          %dma_start3A_345 = tpu.memref_slice %arg7[%run_scoped3A_335, %dma_start3A_344] : memref<160x128xi32, #tpu.memory_space<vmem>> -> memref<1x128xi32, #tpu.memory_space<vmem>>
          %dma_start3A_346 = tpu.memref_squeeze %dma_start3A_345 : memref<1x128xi32, #tpu.memory_space<vmem>> -> memref<128xi32, #tpu.memory_space<vmem>>
          %dma_start3A_347 = arith.constant 0 : i32
          %dma_start3A_348 = arith.constant 0 : i32
          %dma_start3A_349 = tpu.memref_slice %arg3[%dma_start3A_347, %dma_start3A_348] : memref<10000x64xf32, #tpu.memory_space<hbm>> -> memref<10000x64xf32, #tpu.memory_space<hbm>>
          tpu.enqueue_indirect_dma source(%dma_start3A_349 : memref<10000x64xf32, #tpu.memory_space<hbm>>) target(%dma_start3A_343 : memref<128x64xf32, #tpu.memory_space<vmem>>) offsets(%dma_start3A_346 : memref<128xi32, #tpu.memory_space<vmem>>) semaphore(%run_scoped3A_339 : memref<!tpu.dma_semaphore, #tpu.memory_space<semaphore_mem>>)
          %dma_wait3A = arith.constant 0 : i32
          %dma_wait3A_350 = arith.constant 0 : i32
          %dma_wait3A_351 = tpu.memref_slice %arg9[%run_scoped3A_336, %dma_wait3A, %dma_wait3A_350] : memref<6x128x64xf32, #tpu.memory_space<vmem>> -> memref<1x128x64xf32, #tpu.memory_space<vmem>>
          %dma_wait3A_352 = tpu.memref_squeeze %dma_wait3A_351 : memref<1x128x64xf32, #tpu.memory_space<vmem>> -> memref<128x64xf32, #tpu.memory_space<vmem>>
          %dma_wait3A_353 = arith.constant 0 : i32
          %dma_wait3A_354 = tpu.memref_slice %arg7[%run_scoped3A_335, %dma_wait3A_353] : memref<160x128xi32, #tpu.memory_space<vmem>> -> memref<1x128xi32, #tpu.memory_space<vmem>>
          %dma_wait3A_355 = tpu.memref_squeeze %dma_wait3A_354 : memref<1x128xi32, #tpu.memory_space<vmem>> -> memref<128xi32, #tpu.memory_space<vmem>>
          %dma_wait3A_356 = arith.constant 0 : i32
          %dma_wait3A_357 = arith.constant 0 : i32
          %dma_wait3A_358 = tpu.memref_slice %arg3[%dma_wait3A_356, %dma_wait3A_357] : memref<10000x64xf32, #tpu.memory_space<hbm>> -> memref<10000x64xf32, #tpu.memory_space<hbm>>
          tpu.wait_indirect_dma semaphore(%run_scoped3A_339 : memref<!tpu.dma_semaphore, #tpu.memory_space<semaphore_mem>>) src(%dma_wait3A_358 : memref<10000x64xf32, #tpu.memory_space<hbm>>) dst(%dma_wait3A_352 : memref<128x64xf32, #tpu.memory_space<vmem>>)
          tpu.yield
        }) : () -> ()
        %run_scoped3A_337 = arith.constant 0 : i32
        %run_scoped3A_338 = arith.constant 156 : i32
        "tpu.region"() ({
          %run_scoped3A_339 = tpu.sem_alloc : memref<!tpu.dma_semaphore, #tpu.memory_space<semaphore_mem>>
          %dma_start3A_340 = arith.constant 0 : i32
          %dma_start3A_341 = arith.constant 0 : i32
          %dma_start3A_342 = tpu.memref_slice %arg9[%run_scoped3A_337, %dma_start3A_340, %dma_start3A_341] : memref<6x128x64xf32, #tpu.memory_space<vmem>> -> memref<1x128x64xf32, #tpu.memory_space<vmem>>
          %dma_start3A_343 = tpu.memref_squeeze %dma_start3A_342 : memref<1x128x64xf32, #tpu.memory_space<vmem>> -> memref<128x64xf32, #tpu.memory_space<vmem>>
          %dma_start3A_344 = arith.constant 0 : i32
          %dma_start3A_345 = tpu.memref_slice %arg8[%run_scoped3A_338, %dma_start3A_344] : memref<160x128xi32, #tpu.memory_space<vmem>> -> memref<1x128xi32, #tpu.memory_space<vmem>>
          %dma_start3A_346 = tpu.memref_squeeze %dma_start3A_345 : memref<1x128xi32, #tpu.memory_space<vmem>> -> memref<128xi32, #tpu.memory_space<vmem>>
          %dma_start3A_347 = arith.constant 0 : i32
          %dma_start3A_348 = arith.constant 0 : i32
          %dma_start3A_349 = tpu.memref_slice %arg10[%dma_start3A_347, %dma_start3A_348] : memref<10000x64xf32, #tpu.memory_space<vmem_shared>> -> memref<10000x64xf32, #tpu.memory_space<vmem_shared>>
          tpu.enqueue_indirect_dma source(%dma_start3A_343 : memref<128x64xf32, #tpu.memory_space<vmem>>) target(%dma_start3A_349 : memref<10000x64xf32, #tpu.memory_space<vmem_shared>>) offsets(%dma_start3A_346 : memref<128xi32, #tpu.memory_space<vmem>>) semaphore(%run_scoped3A_339 : memref<!tpu.dma_semaphore, #tpu.memory_space<semaphore_mem>>) {add = true}
          %dma_wait3A = arith.constant 0 : i32
          %dma_wait3A_350 = arith.constant 0 : i32
          %dma_wait3A_351 = tpu.memref_slice %arg9[%run_scoped3A_337, %dma_wait3A, %dma_wait3A_350] : memref<6x128x64xf32, #tpu.memory_space<vmem>> -> memref<1x128x64xf32, #tpu.memory_space<vmem>>
          %dma_wait3A_352 = tpu.memref_squeeze %dma_wait3A_351 : memref<1x128x64xf32, #tpu.memory_space<vmem>> -> memref<128x64xf32, #tpu.memory_space<vmem>>
          %dma_wait3A_353 = arith.constant 0 : i32
          %dma_wait3A_354 = tpu.memref_slice %arg8[%run_scoped3A_338, %dma_wait3A_353] : memref<160x128xi32, #tpu.memory_space<vmem>> -> memref<1x128xi32, #tpu.memory_space<vmem>>
          %dma_wait3A_355 = tpu.memref_squeeze %dma_wait3A_354 : memref<1x128xi32, #tpu.memory_space<vmem>> -> memref<128xi32, #tpu.memory_space<vmem>>
          %dma_wait3A_356 = arith.constant 0 : i32
          %dma_wait3A_357 = arith.constant 0 : i32
          %dma_wait3A_358 = tpu.memref_slice %arg10[%dma_wait3A_356, %dma_wait3A_357] : memref<10000x64xf32, #tpu.memory_space<vmem_shared>> -> memref<10000x64xf32, #tpu.memory_space<vmem_shared>>
          tpu.wait_indirect_dma semaphore(%run_scoped3A_339 : memref<!tpu.dma_semaphore, #tpu.memory_space<semaphore_mem>>) src(%dma_wait3A_352 : memref<128x64xf32, #tpu.memory_space<vmem>>) dst(%dma_wait3A_358 : memref<10000x64xf32, #tpu.memory_space<vmem_shared>>)
          tpu.yield
        }) : () -> ()
      } else {
      }
    } else {
    }
    %barrier3A_243 = arith.constant 0 : index
    tpu.barrier barrier_id(%barrier3A_243)
    %lt3A_244 = arith.constant 15 : i32
    %lt3A_245 = arith.cmpi slt, %arg1, %lt3A_244 : i32
    %convert_element_type3A_246 = arith.extui %lt3A_245 : i1 to i32
    %cond3A_247 = arith.constant 0 : i32
    %cond3A_248 = arith.cmpi ne, %convert_element_type3A_246, %cond3A_247 : i32
    scf.if %cond3A_248 {
      %mul3A_254 = arith.constant 624 : i32
      %mul3A_255 = arith.muli %arg1, %mul3A_254 : i32
      %mul3A_256 = arith.constant 624 : i32
      %mul3A_257 = arith.muli %arg1, %mul3A_256 : i32
      "tpu.region"() ({
        %run_scoped3A_258 = tpu.sem_alloc : memref<!tpu.dma_semaphore, #tpu.memory_space<semaphore_mem>>
        %dma_start3A = arith.constant 0 : i32
        %dma_start3A_259 = tpu.memref_slice %arg6[%arg0, %mul3A_257, %dma_start3A] : memref<2x10000x64xf32, #tpu.memory_space<hbm>> -> memref<1x624x64xf32, #tpu.memory_space<hbm>>
        %dma_start3A_260 = tpu.memref_squeeze %dma_start3A_259 : memref<1x624x64xf32, #tpu.memory_space<hbm>> -> memref<624x64xf32, #tpu.memory_space<hbm>>
        %dma_start3A_261 = arith.constant 0 : i32
        %dma_start3A_262 = tpu.memref_slice %arg10[%mul3A_255, %dma_start3A_261] : memref<10000x64xf32, #tpu.memory_space<vmem_shared>> -> memref<624x64xf32, #tpu.memory_space<vmem_shared>>
        tpu.enqueue_dma source(%dma_start3A_262 : memref<624x64xf32, #tpu.memory_space<vmem_shared>>) target(%dma_start3A_260 : memref<624x64xf32, #tpu.memory_space<hbm>>) target_semaphore(%run_scoped3A_258 : memref<!tpu.dma_semaphore, #tpu.memory_space<semaphore_mem>>)
        %dma_wait3A = arith.constant 0 : i32
        %dma_wait3A_263 = tpu.memref_slice %arg6[%arg0, %mul3A_257, %dma_wait3A] : memref<2x10000x64xf32, #tpu.memory_space<hbm>> -> memref<1x624x64xf32, #tpu.memory_space<hbm>>
        %dma_wait3A_264 = tpu.memref_squeeze %dma_wait3A_263 : memref<1x624x64xf32, #tpu.memory_space<hbm>> -> memref<624x64xf32, #tpu.memory_space<hbm>>
        %dma_wait3A_265 = arith.constant 0 : i32
        %dma_wait3A_266 = tpu.memref_slice %arg10[%mul3A_255, %dma_wait3A_265] : memref<10000x64xf32, #tpu.memory_space<vmem_shared>> -> memref<624x64xf32, #tpu.memory_space<vmem_shared>>
        tpu.wait_dma2 semaphore(%run_scoped3A_258 : memref<!tpu.dma_semaphore, #tpu.memory_space<semaphore_mem>>) src(%dma_wait3A_266 : memref<624x64xf32, #tpu.memory_space<vmem_shared>>) dst(%dma_wait3A_264 : memref<624x64xf32, #tpu.memory_space<hbm>>)
        tpu.yield
      }) : () -> ()
    } else {
    }
    %eq3A_249 = arith.constant 15 : i32
    %eq3A_250 = arith.cmpi eq, %arg1, %eq3A_249 : i32
    %convert_element_type3A_251 = arith.extui %eq3A_250 : i1 to i32
    %cond3A_252 = arith.constant 0 : i32
    %cond3A_253 = arith.cmpi ne, %convert_element_type3A_251, %cond3A_252 : i32
    scf.if %cond3A_253 {
      %mul3A_254 = arith.constant 624 : i32
      %mul3A_255 = arith.muli %arg1, %mul3A_254 : i32
      %mul3A_256 = arith.constant 624 : i32
      %mul3A_257 = arith.muli %arg1, %mul3A_256 : i32
      "tpu.region"() ({
        %run_scoped3A_258 = tpu.sem_alloc : memref<!tpu.dma_semaphore, #tpu.memory_space<semaphore_mem>>
        %dma_start3A = arith.constant 0 : i32
        %dma_start3A_259 = tpu.memref_slice %arg6[%arg0, %mul3A_257, %dma_start3A] : memref<2x10000x64xf32, #tpu.memory_space<hbm>> -> memref<1x640x64xf32, #tpu.memory_space<hbm>>
        %dma_start3A_260 = tpu.memref_squeeze %dma_start3A_259 : memref<1x640x64xf32, #tpu.memory_space<hbm>> -> memref<640x64xf32, #tpu.memory_space<hbm>>
        %dma_start3A_261 = arith.constant 0 : i32
        %dma_start3A_262 = tpu.memref_slice %arg10[%mul3A_255, %dma_start3A_261] : memref<10000x64xf32, #tpu.memory_space<vmem_shared>> -> memref<640x64xf32, #tpu.memory_space<vmem_shared>>
        tpu.enqueue_dma source(%dma_start3A_262 : memref<640x64xf32, #tpu.memory_space<vmem_shared>>) target(%dma_start3A_260 : memref<640x64xf32, #tpu.memory_space<hbm>>) target_semaphore(%run_scoped3A_258 : memref<!tpu.dma_semaphore, #tpu.memory_space<semaphore_mem>>)
        %dma_wait3A = arith.constant 0 : i32
        %dma_wait3A_263 = tpu.memref_slice %arg6[%arg0, %mul3A_257, %dma_wait3A] : memref<2x10000x64xf32, #tpu.memory_space<hbm>> -> memref<1x640x64xf32, #tpu.memory_space<hbm>>
        %dma_wait3A_264 = tpu.memref_squeeze %dma_wait3A_263 : memref<1x640x64xf32, #tpu.memory_space<hbm>> -> memref<640x64xf32, #tpu.memory_space<hbm>>
        %dma_wait3A_265 = arith.constant 0 : i32
        %dma_wait3A_266 = tpu.memref_slice %arg10[%mul3A_255, %dma_wait3A_265] : memref<10000x64xf32, #tpu.memory_space<vmem_shared>> -> memref<640x64xf32, #tpu.memory_space<vmem_shared>>
        tpu.wait_dma2 semaphore(%run_scoped3A_258 : memref<!tpu.dma_semaphore, #tpu.memory_space<semaphore_mem>>) src(%dma_wait3A_266 : memref<640x64xf32, #tpu.memory_space<vmem_shared>>) dst(%dma_wait3A_264 : memref<640x64xf32, #tpu.memory_space<hbm>>)
        tpu.yield
      }) : () -> ()
    } else {
    }
    return
  }
}

module attributes {stable_mosaic.version = 14 : i64} {
  func.func @_mm_scale_body(%arg0: i32, %arg1: memref<1000x128xf32, #tpu.memory_space<vmem>>, %arg2: memref<128x128xf32, #tpu.memory_space<vmem>>, %arg3: memref<1000x1xf32, #tpu.memory_space<vmem>>, %arg4: memref<1000x1xf32, #tpu.memory_space<vmem>>, %arg5: memref<1000x64xf32, #tpu.memory_space<vmem>>, %arg6: memref<1000x64xf32, #tpu.memory_space<vmem>>, %arg7: memref<1000x1xf32, #tpu.memory_space<vmem>>) attributes {dimension_semantics = [#tpu.dimension_semantics<arbitrary>], iteration_bounds = array<i64: 10>, scalar_prefetch = 0 : i64, scratch_operands = 0 : i64, tpu.core_type = #tpu.core_type<tc>, window_params = [{transform_indices = @transform_0, window_bounds = array<i64: 1000, 128>}, {pipeline_mode = #tpu.pipeline_mode<synchronous>, transform_indices = @transform_1, window_bounds = array<i64: 128, 128>}, {transform_indices = @transform_2, window_bounds = array<i64: 1000, 1>}, {transform_indices = @transform_3, window_bounds = array<i64: 1000, 1>}, {transform_indices = @transform_4, window_bounds = array<i64: 1000, 64>}, {transform_indices = @transform_5, window_bounds = array<i64: 1000, 64>}, {transform_indices = @transform_6, window_bounds = array<i64: 1000, 1>}]} {
    %get3A = arith.constant 0 : index
    %get3A_0 = arith.constant 0 : index
    %get3A_1 = vector.load %arg1[%get3A, %get3A_0] : memref<1000x128xf32, #tpu.memory_space<vmem>>, vector<1000x128xf32>
    %get3A_2 = arith.constant 0 : index
    %get3A_3 = arith.constant 0 : index
    %get3A_4 = vector.load %arg2[%get3A_2, %get3A_3] : memref<128x128xf32, #tpu.memory_space<vmem>>, vector<128x128xf32>
    %dot_general3A = arith.constant dense<0.000000e+00> : vector<1000x128xf32>
    %dot_general3A_5 = tpu.matmul %get3A_1, %get3A_4, %dot_general3A {dimension_numbers = #tpu.dot_dimension_numbers<[1], [0], [0], [1], [0, 0, 1, 1], [], []>, transpose_lhs_hint = false} : vector<1000x128xf32>, vector<128x128xf32>, vector<1000x128xf32> -> vector<1000x128xf32>
    %get3A_6 = arith.constant 0 : index
    %get3A_7 = arith.constant 0 : index
    %get3A_8 = vector.load %arg3[%get3A_6, %get3A_7] : memref<1000x1xf32, #tpu.memory_space<vmem>>, vector<1000x1xf32>
    %get3A_9 = arith.constant 0 : index
    %get3A_10 = arith.constant 0 : index
    %get3A_11 = vector.load %arg4[%get3A_9, %get3A_10] : memref<1000x1xf32, #tpu.memory_space<vmem>>, vector<1000x1xf32>
    %add3A = arith.addf %get3A_8, %get3A_11 : vector<1000x1xf32>
    %add3A_12 = arith.constant 1.000000e+00 : f32
    %add3A_13 = vector.broadcast %add3A_12 : f32 to vector<1000x1xf32>
    %add3A_14 = arith.addf %add3A, %add3A_13 : vector<1000x1xf32>
    %rsqrt3A = math.rsqrt %add3A_14 : vector<1000x1xf32>
    %mul3A = vector.broadcast %rsqrt3A : vector<1000x1xf32> to vector<1000x128xf32>
    %mul3A_15 = arith.mulf %dot_general3A_5, %mul3A : vector<1000x128xf32>
    %slice3A = vector.extract_strided_slice %mul3A_15 {offsets = [0, 0], sizes = [1000, 64], strides = [1, 1]} : vector<1000x128xf32> to vector<1000x64xf32>
    %swap3A = arith.constant 0 : index
    %swap3A_16 = arith.constant 0 : index
    %swap3A_17 = vector.load %arg5[%swap3A, %swap3A_16] : memref<1000x64xf32, #tpu.memory_space<vmem>>, vector<1000x64xf32>
    tpu.vector_store %arg5[%swap3A, %swap3A_16], %slice3A {strides = array<i32>} : memref<1000x64xf32, #tpu.memory_space<vmem>>, vector<1000x64xf32>,
    %slice3A_18 = vector.extract_strided_slice %mul3A_15 {offsets = [0, 64], sizes = [1000, 64], strides = [1, 1]} : vector<1000x128xf32> to vector<1000x64xf32>
    %swap3A_19 = arith.constant 0 : index
    %swap3A_20 = arith.constant 0 : index
    %swap3A_21 = vector.load %arg6[%swap3A_19, %swap3A_20] : memref<1000x64xf32, #tpu.memory_space<vmem>>, vector<1000x64xf32>
    tpu.vector_store %arg6[%swap3A_19, %swap3A_20], %slice3A_18 {strides = array<i32>} : memref<1000x64xf32, #tpu.memory_space<vmem>>, vector<1000x64xf32>,
    %swap3A_22 = arith.constant 0 : index
    %swap3A_23 = arith.constant 0 : index
    %swap3A_24 = vector.load %arg7[%swap3A_22, %swap3A_23] : memref<1000x1xf32, #tpu.memory_space<vmem>>, vector<1000x1xf32>
    tpu.vector_store %arg7[%swap3A_22, %swap3A_23], %rsqrt3A {strides = array<i32>} : memref<1000x1xf32, #tpu.memory_space<vmem>>, vector<1000x1xf32>,
    return
  }
  func.func @transform_0(%arg0: i32) -> (i32, i32) {
    %c0_i32 = arith.constant 0 : i32
    %c0_i32_0 = arith.constant 0 : i32
    return %arg0, %c0_i32 : i32, i32
  }
  func.func @transform_1(%arg0: i32) -> (i32, i32) {
    %c0_i32 = arith.constant 0 : i32
    %c0_i32_0 = arith.constant 0 : i32
    %c0_i32_1 = arith.constant 0 : i32
    return %c0_i32, %c0_i32_0 : i32, i32
  }
  func.func @transform_2(%arg0: i32) -> (i32, i32) {
    %c0_i32 = arith.constant 0 : i32
    %c0_i32_0 = arith.constant 0 : i32
    return %arg0, %c0_i32 : i32, i32
  }
  func.func @transform_3(%arg0: i32) -> (i32, i32) {
    %c0_i32 = arith.constant 0 : i32
    %c0_i32_0 = arith.constant 0 : i32
    return %arg0, %c0_i32 : i32, i32
  }
  func.func @transform_4(%arg0: i32) -> (i32, i32) {
    %c0_i32 = arith.constant 0 : i32
    %c0_i32_0 = arith.constant 0 : i32
    return %arg0, %c0_i32 : i32, i32
  }
  func.func @transform_5(%arg0: i32) -> (i32, i32) {
    %c0_i32 = arith.constant 0 : i32
    %c0_i32_0 = arith.constant 0 : i32
    return %arg0, %c0_i32 : i32, i32
  }
  func.func @transform_6(%arg0: i32) -> (i32, i32) {
    %c0_i32 = arith.constant 0 : i32
    %c0_i32_0 = arith.constant 0 : i32
    return %arg0, %c0_i32 : i32, i32
  }
}

module attributes {stable_mosaic.version = 14 : i64} {
  func.func @_finish_body(%arg0: i32, %arg1: memref<2x1000x64xf32, #tpu.memory_space<vmem>>, %arg2: memref<1000x64xf32, #tpu.memory_space<vmem>>, %arg3: memref<1000x64xf32, #tpu.memory_space<vmem>>, %arg4: memref<1000x1xf32, #tpu.memory_space<vmem>>, %arg5: memref<1x128xf32, #tpu.memory_space<vmem>>, %arg6: memref<1000x128xf32, #tpu.memory_space<vmem>>) attributes {dimension_semantics = [#tpu.dimension_semantics<arbitrary>], iteration_bounds = array<i64: 10>, scalar_prefetch = 0 : i64, scratch_operands = 0 : i64, tpu.core_type = #tpu.core_type<tc>, window_params = [{transform_indices = @transform_0, window_bounds = array<i64: 2, 1000, 64>}, {transform_indices = @transform_1, window_bounds = array<i64: 1000, 64>}, {transform_indices = @transform_2, window_bounds = array<i64: 1000, 64>}, {transform_indices = @transform_3, window_bounds = array<i64: 1000, 1>}, {pipeline_mode = #tpu.pipeline_mode<synchronous>, transform_indices = @transform_4, window_bounds = array<i64: 1, 128>}, {transform_indices = @transform_5, window_bounds = array<i64: 1000, 128>}]} {
    %get3A = arith.constant 0 : index
    %get3A_0 = arith.constant 0 : index
    %get3A_1 = arith.constant 0 : index
    %get3A_2 = vector.load %arg1[%get3A, %get3A_0, %get3A_1] : memref<2x1000x64xf32, #tpu.memory_space<vmem>>, vector<1x1000x64xf32>
    %get3A_3 = vector.shape_cast %get3A_2 : vector<1x1000x64xf32> to vector<1000x64xf32>
    %get3A_4 = arith.constant 0 : index
    %get3A_5 = arith.constant 0 : index
    %get3A_6 = vector.load %arg2[%get3A_4, %get3A_5] : memref<1000x64xf32, #tpu.memory_space<vmem>>, vector<1000x64xf32>
    %add3A = arith.addf %get3A_3, %get3A_6 : vector<1000x64xf32>
    %get3A_7 = arith.constant 1 : index
    %get3A_8 = arith.constant 0 : index
    %get3A_9 = arith.constant 0 : index
    %get3A_10 = vector.load %arg1[%get3A_7, %get3A_8, %get3A_9] : memref<2x1000x64xf32, #tpu.memory_space<vmem>>, vector<1x1000x64xf32>
    %get3A_11 = vector.shape_cast %get3A_10 : vector<1x1000x64xf32> to vector<1000x64xf32>
    %get3A_12 = arith.constant 0 : index
    %get3A_13 = arith.constant 0 : index
    %get3A_14 = vector.load %arg3[%get3A_12, %get3A_13] : memref<1000x64xf32, #tpu.memory_space<vmem>>, vector<1000x64xf32>
    %add3A_15 = arith.addf %get3A_11, %get3A_14 : vector<1000x64xf32>
    %concatenate3A = tpu.concatenate %add3A, %add3A_15 in 1 : vector<1000x64xf32>, vector<1000x64xf32> -> vector<1000x128xf32>
    %get3A_16 = arith.constant 0 : index
    %get3A_17 = arith.constant 0 : index
    %get3A_18 = vector.load %arg4[%get3A_16, %get3A_17] : memref<1000x1xf32, #tpu.memory_space<vmem>>, vector<1000x1xf32>
    %mul3A = vector.broadcast %get3A_18 : vector<1000x1xf32> to vector<1000x128xf32>
    %mul3A_19 = arith.mulf %mul3A, %concatenate3A : vector<1000x128xf32>
    %get3A_20 = arith.constant 0 : index
    %get3A_21 = arith.constant 0 : index
    %get3A_22 = vector.load %arg5[%get3A_20, %get3A_21] : memref<1x128xf32, #tpu.memory_space<vmem>>, vector<1x128xf32>
    %add3A_23 = vector.broadcast %get3A_22 : vector<1x128xf32> to vector<1000x128xf32>
    %add3A_24 = arith.addf %mul3A_19, %add3A_23 : vector<1000x128xf32>
    %max3A = arith.constant 0.000000e+00 : f32
    %max3A_25 = vector.broadcast %max3A : f32 to vector<1000x128xf32>
    %max3A_26 = arith.maximumf %add3A_24, %max3A_25 : vector<1000x128xf32>
    %swap3A = arith.constant 0 : index
    %swap3A_27 = arith.constant 0 : index
    %swap3A_28 = vector.load %arg6[%swap3A, %swap3A_27] : memref<1000x128xf32, #tpu.memory_space<vmem>>, vector<1000x128xf32>
    tpu.vector_store %arg6[%swap3A, %swap3A_27], %max3A_26 {strides = array<i32>} : memref<1000x128xf32, #tpu.memory_space<vmem>>, vector<1000x128xf32>,
    return
  }
  func.func @transform_0(%arg0: i32) -> (i32, i32, i32) {
    %c0_i32 = arith.constant 0 : i32
    %c0_i32_0 = arith.constant 0 : i32
    %c0_i32_1 = arith.constant 0 : i32
    return %c0_i32, %arg0, %c0_i32_0 : i32, i32, i32
  }
  func.func @transform_1(%arg0: i32) -> (i32, i32) {
    %c0_i32 = arith.constant 0 : i32
    %c0_i32_0 = arith.constant 0 : i32
    return %arg0, %c0_i32 : i32, i32
  }
  func.func @transform_2(%arg0: i32) -> (i32, i32) {
    %c0_i32 = arith.constant 0 : i32
    %c0_i32_0 = arith.constant 0 : i32
    return %arg0, %c0_i32 : i32, i32
  }
  func.func @transform_3(%arg0: i32) -> (i32, i32) {
    %c0_i32 = arith.constant 0 : i32
    %c0_i32_0 = arith.constant 0 : i32
    return %arg0, %c0_i32 : i32, i32
  }
  func.func @transform_4(%arg0: i32) -> (i32, i32) {
    %c0_i32 = arith.constant 0 : i32
    %c0_i32_0 = arith.constant 0 : i32
    %c0_i32_1 = arith.constant 0 : i32
    return %c0_i32, %c0_i32_0 : i32, i32
  }
  func.func @transform_5(%arg0: i32) -> (i32, i32) {
    %c0_i32 = arith.constant 0 : i32
    %c0_i32_0 = arith.constant 0 : i32
    return %arg0, %c0_i32 : i32, i32
  }
}

</mosaic_0001>

<sc_bundles>
// kernel: kernel.6.cloned.1.call-start
scs
__scs_entry_jumppad:
0x0: {  	(pc) =	sbr.rel $0x88, $3  }
0x1: {  	(tag) =	ssettag $0x0;
	lr =	simm.s32 $0x1  }
0x2: {  	[smem:$0x3F9D] =	sst lr;
	_ =	strace $0xD0000000  }
0x3: {  	_ = 	snop  }
0x4: {  	_ = 	snop  }
0x5: {  	_ = 	snop  }
0x6: {  	_ = 	snop  }
0x7: {  	_ = 	snop  }
__scs_overlays_trampoline_lowered:
0x8: {  	[smem:$0x3FAC] =	sst s0  }
0x9: {  	[smem:$0x3FAD] =	sst s1  }
0xa: {  	[smem:$0x3FAE] =	sst s2  }
0xb: {  	[smem:$0x3FAF] =	sst s3  }
0xc: {  	[smem:$0x3FB0] =	sst s4  }
0xd: {  	[smem:$0x3FB1] =	sst s5  }
0xe: {  	[smem:$0x3FB2] =	sst s6  }
0xf: {  	[smem:$0x3FB3] =	sst s7  }
0x10: {  	[smem:$0x3FB4] =	sst s8  }
0x11: {  	[smem:$0x3FB5] =	sst s9;
	s0 =	simm.s32 @!p0 $0x0  }
0x12: {  	s1 =	sld [smem:$0x3F9B];
	s0 =	simm.s32 @p0 $0x1  }
0x13: {  	[smem:$0x3FB6] =	sst s0;
	s0 =	simm.s32 @!p1 $0x0  }
0x14: {  	s2 =	sld [smem:$0x3F9A];
	s0 =	simm.s32 @p1 $0x1  }
0x15: {  	[smem:$0x3FB7] =	sst s0;
	s0 =	simm.s32 @!p2 $0x0  }
0x16: {  	s3 =	sld [smem:$0x3FDB];
	s0 =	simm.s32 @p2 $0x1  }
0x17: {  	s4 =	simm.s32 $0x1BF5;
	[smem:$0x3FB9] =	sst s0  }
0x18: {  	s0 =	sld [smem:$0x3F9C];
	_ =	swait.ge [sflag:s4], $0x0  }
0x19: {  	s7 =	sld [smem:$0x3F9D]  }
0x1a: {  	s8 =	sadd.s32 $0xFFFFE003, lr  }
0x1b: {  	s9 =	sadd.s32 $0xFFFFFEF7, lr;
	s5 =	simm.s32 $0xFFFFFFFF;
	p2 =	slt.u32 s8, $0xFFFFF086  }
0x1c: {  	p1 =	slt.u32 s9, $0xF7A;
	s5 =	simm.s32 @!p2 $0x0  }
0x1d: {  	s5 =	simm.s32 @p1 $0x1;
	p0 =	seq.s32 s7, s2  }
0x1e: {  	s7 =	smul.u32 @!p0 $0xF7A, s2;
	p2 =	seq.s32 @!p0 s5, $0x0  }
0x1f: {  	s9 =	smul.u32 $0xF7A, s1;
	s8 =	simm.s32 @!p0 $0x1BF5;
	p2 =	por !p2, p0  }
0x20: {  	[sflag:s8] =	ssyncset.s32 @!p0 $0xFFFFF086;
	s6 =	sadd.s32 @!p0 s3, s7;
	s7 =	simm.s32 @!p0 $0x108  }
0x21: {  	s3 =	sadd.s32 s3, s9;
	s6 =	sadd.s32 @!p0 $0x88, s6;
	s7 =	simm.s32 @p2 $0x1082  }
0x22: {  	[simem:s7], [sflag:s8] =	dma.local @!p0 [hbm:s6], $0xF7A  }
0x23: {  	s9 =	sor.u32 $0xD0000000, s2;
	s6 =	simm.s32 $0x108;
	_ =	swait.ge @!p0 [sflag:s8], $0x0  }
0x24: {  	s3 =	sadd.s32 $0x88, s3;
	s6 =	simm.s32 @!p1 $0x1082;
	[sflag:s4] =	ssyncset.s32 $0xFFFFF086  }
0x25: {  	[simem:s6], [sflag:s4] =	dma.local [hbm:s3], $0xF7A  }
0x26: {  	[smem:$0x3F9D] =	sst s1;
	(tag) =	ssettag s2;
	_ =	strace s9  }
0x27: {  	s1 =	sld [smem:$0x3FAD]  }
0x28: {  	s2 =	sld [smem:$0x3FAE]  }
0x29: {  	s4 =	sld [smem:$0x3FB0]  }
0x2a: {  	p0 =	seq.s32 s5, $0x0;
	s5 =	sld [smem:$0x3FB1]  }
0x2b: {  	s6 =	sld [smem:$0x3FB2]  }
0x2c: {  	s7 =	sld [smem:$0x3FB3]  }
0x2d: {  	s3 =	simm.s32 $0x108;
	s8 =	sld [smem:$0x3FB4]  }
0x2e: {  	s3 =	simm.s32 @!p0 $0x1082;
	s9 =	sld [smem:$0x3FB5]  }
0x2f: {  	lr =	sadd.s32 s0, s3;
	s0 =	sld [smem:$0x3FAC]  }
0x30: {  	s3 =	sld [smem:$0x3FAF]  }
0x31: {  	[smem:$0x3FB8] =	sst s10  }
0x32: {  	s10 =	sld [smem:$0x3FB6];
	_ =	sdelay $0x3  }
0x33: {  	p0 =	seq.s32 s10, $0x1;
	s10 =	sld [smem:$0x3FB8];
	_ =	sdelay $0x3  }
0x34: {  	[smem:$0x3FB8] =	sst s10  }
0x35: {  	s10 =	sld [smem:$0x3FB7];
	_ =	sdelay $0x3  }
0x36: {  	p1 =	seq.s32 s10, $0x1;
	s10 =	sld [smem:$0x3FB8];
	_ =	sdelay $0x3  }
0x37: {  	[smem:$0x3FB8] =	sst s10  }
0x38: {  	s10 =	sld [smem:$0x3FB9]  }
0x39: {  	_ = 	snop;
	(pc) =	sbr.ind lr, $3  }
0x3a: {  	_ = 	snop  }
0x3b: {  	_ = 	snop  }
0x3c: {  	p2 =	seq.s32 s10, $0x1;
	s10 =	sld [smem:$0x3FB8]  }
0x3d: {  	_ =	shalt  }
0x3e: {  	_ =	shalt  }
0x3f: {  	_ =	shalt  }
0x40: {  	_ =	shalt  }
0x41: {  	_ =	shalt  }
0x42: {  	_ =	shalt  }
0x43: {  	_ =	shalt  }
0x44: {  	_ =	shalt  }
0x45: {  	_ =	shalt  }
0x46: {  	_ =	shalt  }
0x47: {  	_ =	shalt  }
0x48: {  	_ =	shalt  }
0x49: {  	_ =	shalt  }
0x4a: {  	_ =	shalt  }
0x4b: {  	_ =	shalt  }
0x4c: {  	_ =	shalt  }
0x4d: {  	_ =	shalt  }
0x4e: {  	_ =	shalt  }
0x4f: {  	_ =	shalt  }
0x50: {  	_ =	shalt  }
0x51: {  	_ =	shalt  }
0x52: {  	_ =	shalt  }
0x53: {  	_ =	shalt  }
0x54: {  	_ =	shalt  }
0x55: {  	_ =	shalt  }
0x56: {  	_ =	shalt  }
0x57: {  	_ =	shalt  }
0x58: {  	_ =	shalt  }
0x59: {  	_ =	shalt  }
0x5a: {  	_ =	shalt  }
0x5b: {  	_ =	shalt  }
0x5c: {  	_ =	shalt  }
0x5d: {  	_ =	shalt  }
0x5e: {  	_ =	shalt  }
0x5f: {  	_ =	shalt  }
0x60: {  	_ =	shalt  }
0x61: {  	_ =	shalt  }
0x62: {  	_ =	shalt  }
0x63: {  	_ =	shalt  }
0x64: {  	_ =	shalt  }
0x65: {  	_ =	shalt  }
0x66: {  	_ =	shalt  }
0x67: {  	_ =	shalt  }
0x68: {  	_ =	shalt  }
0x69: {  	_ =	shalt  }
0x6a: {  	_ =	shalt  }
0x6b: {  	_ =	shalt  }
0x6c: {  	_ =	shalt  }
0x6d: {  	_ =	shalt  }
0x6e: {  	_ =	shalt  }
0x6f: {  	_ =	shalt  }
0x70: {  	_ =	shalt  }
0x71: {  	_ =	shalt  }
0x72: {  	_ =	shalt  }
0x73: {  	_ =	shalt  }
0x74: {  	_ =	shalt  }
0x75: {  	_ =	shalt  }
0x76: {  	_ =	shalt  }
0x77: {  	_ =	shalt  }
0x78: {  	_ =	shalt  }
0x79: {  	_ =	shalt  }
0x7a: {  	_ =	shalt  }
0x7b: {  	_ =	shalt  }
0x7c: {  	_ =	shalt  }
0x7d: {  	_ =	shalt  }
0x7e: {  	_ =	shalt  }
0x7f: {  	_ =	shalt  }
0x80: {  	_ =	shalt  }
0x81: {  	_ =	shalt  }
0x82: {  	_ =	shalt  }
0x83: {  	_ =	shalt  }
0x84: {  	_ =	shalt  }
0x85: {  	_ =	shalt  }
0x86: {  	_ =	shalt  }
0x87: {  	_ =	shalt  }
.Lfunc_end0:
.L_simem_size_0:
called_computation_lowered:
.L_overlay_start_0:
0x88: {  	s2 =	sld [smem:$0x3FD9]  }
0x89: {  	s3 =	sld [smem:$0x3FFE];
	_ =	sdelay $0x1  }
0x8a: {  	s1 =	srdreg.scid  }
0x8b: {  	s0 =	sand.u32 $0x1, s1  }
0x8c: {  	s17 =	sshll.u32 s0, $0xA;
	s2 =	sadd.s32 s3, s2  }
0x8d: {  	s2 =	sadd.s32 s2, s17  }
0x8e: {  	[smem:$0x3FC4] =	sst s2  }
0x8f: {  	_ = 	snop  }
0x90: {  	s2 =	sld [smem:$0x3FD0];
	(tm) =	ssettm $0x1  }
0x91: {  	s18 =	sld [smem:$0x3FFB];
	_ =	sdelay $0x3  }
0x92: {  	_ =	strace s18  }
0x93: {  	s3 =	sld [smem:$0x3FFC];
	_ =	sdelay $0x3  }
0x94: {  	_ =	strace s3  }
0x95: {  	s3 =	sld [smem:$0x3FFD];
	_ =	sdelay $0x3  }
0x96: {  	_ =	strace s3  }
0x97: {  	_ =	strace $0x8FFFFFFF  }
0x98: {  	s19 =	sld [smem:$0x3FDB];
	_ =	sdelay $0x1  }
0x99: {  	s4 =	simm.s32 $_scs_section_size  }
0x9a: {  	s5 =	simm.s32 $_size__tile_overlayer_lowered;
	s6 =	simm.s32 $_tile_overlayer_lowered  }
0x9b: {  	s22 =	simm.s32 $0x1BFF;
	s21 =	sshll.u32 s6, $0x1;
	s3 =	sadd.s32 s4, s19  }
0x9c: {  	s7 =	simm.s32 $0x0;
	s20 =	sshll.u32 s5, $0x1;
	s5 =	sadd.s32 s21, s3  }
0x9d: {  	[timem:s7], [sflag:s22] =	dma.local [hbm:s5], s20  }
0x9e: {  	_ =	swait.ge [sflag:s22], s20  }
0x9f: {  	s4 =	ssub.s32 $0x0, s20;
	[sflag:s22] =	ssyncset.done $0x0  }
0xa0: {  	[sflag:s22] =	ssyncadd.s32 s4;
	_ =	sdelay $0x1  }
0xa1: {  	s23 =	simm.s32 $0x1B8B  }
0xa2: {  	_ =	swait.ge [sflag:s23], $0x1  }
0xa3: {  	[sflag:s23] =	ssyncset.done $0x0  }
0xa4: {  	s25 =	simm.s32 $0x1B8E;
	s24 =	sld [smem:$0x3FFE];
	[sflag:s23] =	ssyncadd.s32 $0xFFFFFFFF  }
0xa5: {  	s26 =	simm.s32 $execute0_lowered;
	[smem:$0x3FD2] =	sst s25  }
0xa6: {  	s5 =	sshll.u32 s26, $0x1;
	_ =	strace $0x80000046;
	[dreg:$0x1] =	wrdreg $0xFFFFFFFF  }
0xa7: {  	s28 =	simm.s32 $_size_execute0_lowered;
	s3 =	sadd.s32 s3, s5;
	[dreg:$0x0] =	wrdreg $0x0  }
0xa8: {  	s5 =	sshll.u32 s28, $0x1;
	[dreg:$0x2] =	wrdreg s3  }
0xa9: {  	[dreg:$0x3] =	wrdreg s5  }
0xaa: {  	[dreg:$0x4] =	wrdreg $0xC0  }
0xab: {  	_ =	task [dreg:s7], $0x5FFFF  }
0xac: {  	[dreg:$0x1] =	wrdreg $0xFFFFFFFF  }
0xad: {  	[dreg:$0x0] =	wrdreg $0x60  }
0xae: {  	[dreg:$0x2] =	wrdreg s24  }
0xaf: {  	[dreg:$0x3] =	wrdreg s2  }
0xb0: {  	[dreg:$0x4] =	wrdreg $0x28800  }
0xb1: {  	[dreg:$0x5] =	wrdreg $0x9  }
0xb2: {  	_ =	task.clear_ibuf [dreg:s7], $0x6FFFF;
	_ =	strace $0x90000046  }
0xb3: {  	s29 =	simm.s32 $0x9;
	_ =	strace $0x80000048  }
0xb4: {  	_ =	swait.ge [sflag:s29], $0x1  }
0xb5: {  	[sflag:s29] =	ssyncadd.s32 $0xFFFFFFFF  }
0xb6: {  	_ =	strace $0x90000048  }
0xb7: {  	_ =	sfence  }
0xb8: {  	s30 =	sld [smem:$0x0];
	_ =	sdelay $0x2  }
0xb9: {  	s31 =	sshll.u32 s1, $0xD;
	s1 =	sshrl.u32 s1, $0x2  }
0xba: {  	s3 =	sand.u32 $0x4000, s31;
	s1 =	sadd.s32 s1, s30  }
0xbb: {  	s0 =	sor.u32 s3, s0;
	s1 =	sshll.u32 s1, $0x11  }
0xbc: {  	s0 =	sor.u32 s1, s0  }
0xbd: {  	s0 =	sadd.s32 $0x8F2B, s0  }
0xbe: {  	[sflag:s0] =	ssyncadd.remote.s32 $0x1  }
0xbf: {  	_ =	sfence.sel $0xFFFF  }
0xc0: {  	[dreg:$0x0] =	wrdreg $0xFFFFFFFF;
	(pc) =	sbr.abs _section_cstart, $3  }
0xc1: {  	[dreg:$0x1] =	wrdreg $0xFFFFFFFF  }
0xc2: {  	_ =	task.clear_ibuf [dreg:s7], $0x2FFFF;
	_ =	strace $0x9FFFFFFF  }
0xc3: {  	(tm) =	ssettm $0x7FFFFFFF  }
tec
execute0_lowered:
.L_overlay_start_1:
0x0: {  	(tag) =	ssettag $0x1  }
0x1: {  	s5 =	rddreg [dreg:$0x0]  }
0x2: {  	s8 =	rddreg [dreg:$0x1]  }
0x3: {  	s1 =	rddreg [dreg:$0x2]  }
0x4: {  	s0 =	rddreg [dreg:$0x3]  }
0x5: {  	s2 =	simm.s32 $0x0;
	s4 =	srdreg.scid;
	s18 =	stileid.u32  }
0x6: {  	s17 =	simm.s32 $0x80;
	s20 =	simm.s32 $0x0;
	[smem:$0x7FF] =	sst s2  }
0x7: {  	s3 =	sadd.s32 $0xAE00, s5;
	s7 =	sand.u32 $0x1, s4;
	s4 =	sadd.s32 $0x14C00, s5  }
0x8: {  	s5 =	sadd.s32 $0x14E00, s5;
	s30 =	smul.u32 $0xA00, s18;
	s9 =	sshll.u32 s7, $0x4  }
0x9: {  	s6 =	ssub.s32 $0x2, s7;
	s14 =	smul.u32 $0x500, s7;
	s9 =	sor.u32 s18, s9  }
0xa: {  	_ =	strace $0x80000047;
	s10 =	sshrl.u32 s6, $0x1;
	s11 =	smul.u32 $0x4E, s9  }
0xb: {  	s31 =	sshrl.u32 s30, $0x2;
	s10 =	ssub.s32 s6, s10;
	s12 =	smin.u32 s9, $0x4  }
0xc: {  	v2 =	vlaneseq.u32;
	p0 =	slt.u32 s9, $0x4;
	s6 =	simm.s32 $0x4F;
	s29 =	sadd.s32 s12, s11  }
0xd: {  	s7 =	sadd.s32 s31, s1;
	s12 =	sadd.s32 $0x10, s29;
	s13 =	sadd.s32 $0x20, s29;
	v0 =	vadd.s32 s29, v2  }
0xe: {  	s8 =	sadd.s32 s8, s14;
	s15 =	sadd.s32 $0x30, s29;
	s16 =	sadd.s32 $0x40, s29;
	v1 =	vadd.s32 s12, v2;
	vm0 =	vlt.s32 v0, $0x9C3;
	v3 =	vadd.s32 s13, v2  }
0xf: {  	s14 =	simm.s32 $0x2000;
	s6 =	simm.s32 @!p0 $0x4E;
	s9 =	smax.u32 s10, $0x1;
	v4 =	vadd.s32 s15, v2;
	v5 =	vadd.s32 s16, v2;
	vm1 =	vlt.s32 v1, $0x9C3  }
0x10: {  	s10 =	simm.s32 $0x2;
	p0 =	sne.s32 s18, $0x0;
	s18 =	simm.s32 $0x1;
	v0 =	vnsel vm0, $0x9C3, v0;
	vm0 =	vlt.s32 v3, $0x9C3;
	v1 =	vnsel vm1, $0x9C3, v1  }
0x11: {  	s11 =	simm.s32 $0x800;
	s19 =	sshrl.u32 @!p0 s1, $0x3;
	s12 =	simm.s32 $0x1000;
	v2 =	vnsel vm0, $0x9C3, v3;
	vm0 =	vlt.s32 v4, $0x9C3;
	vm1 =	vlt.s32 v5, $0x9C3  }
0x12: {  	s13 =	simm.s32 $0x1800;
	s15 =	simm.s32 $0x2800;
	s16 =	simm.s32 $0x2B00;
	v3 =	vnsel vm0, $0x9C3, v4;
	v4 =	vnsel vm1, $0x9C3, v5;
	vm0 =	vmmov $0xffff  }
.LBB2_1:
0x13: {  	_ =	sdelay $0x3  }
0x14: {  	[tilespmem:s2], [sflag:$0x2] =	stream.indirect_vreg.gather [hbm4b:s3+s2], $0x80, v0, vm0, $0xb8;
	[tilespmem:$0x2D80] =	vst v63  }
0x15: {  	_ =	swait.ge [sflag:s10], $0x800  }
0x16: {  	[sflag:s10] =	ssyncset.done $0x0  }
0x17: {  	[sflag:s10] =	ssyncadd.s32 $0xFFFFF800  }
0x18: {  	[tilespmem:s11], [sflag:$0x2] =	stream.indirect_vreg.gather [hbm4b:s3+s2], $0x80, v1, vm0, $0xb8;
	[tilespmem:$0x2D80] =	vst v63  }
0x19: {  	_ =	swait.ge [sflag:s10], $0x800  }
0x1a: {  	[sflag:s10] =	ssyncset.done $0x0  }
0x1b: {  	[sflag:s10] =	ssyncadd.s32 $0xFFFFF800  }
0x1c: {  	[tilespmem:s12], [sflag:$0x2] =	stream.indirect_vreg.gather [hbm4b:s3+s2], $0x80, v2, vm0, $0xb8;
	[tilespmem:$0x2D80] =	vst v63  }
0x1d: {  	_ =	swait.ge [sflag:s10], $0x800  }
0x1e: {  	[sflag:s10] =	ssyncset.done $0x0  }
0x1f: {  	[sflag:s10] =	ssyncadd.s32 $0xFFFFF800  }
0x20: {  	[tilespmem:s13], [sflag:$0x2] =	stream.indirect_vreg.gather [hbm4b:s3+s2], $0x80, v3, vm0, $0xb8;
	[tilespmem:$0x2D80] =	vst v63  }
0x21: {  	_ =	swait.ge [sflag:s10], $0x800  }
0x22: {  	[sflag:s10] =	ssyncset.done $0x0  }
0x23: {  	[sflag:s10] =	ssyncadd.s32 $0xFFFFF800  }
0x24: {  	[tilespmem:s14], [sflag:$0x2] =	stream.indirect_vreg.gather [hbm4b:s3+s2], $0x80, v4, vm0, $0xb8;
	[tilespmem:$0x2D80] =	vst v63  }
0x25: {  	_ =	swait.ge [sflag:s10], $0x800  }
0x26: {  	[sflag:s10] =	ssyncset.done $0x0  }
0x27: {  	[sflag:s10] =	ssyncadd.s32 $0xFFFFF800  }
0x28: {  	[tilespmem:s15], [sflag:$0x2] =	stream.linear.gather [hbm4b:s4+s2], $0x80, $0x38;
	[tilespmem:$0x2D80] =	vst v63  }
0x29: {  	_ =	swait.ge [sflag:s10], $0x80  }
0x2a: {  	[sflag:s10] =	ssyncset.done $0x0  }
0x2b: {  	[sflag:s10] =	ssyncadd.s32 $0xFFFFFF80  }
0x2c: {  	[tilespmem:s16], [sflag:$0x2] =	stream.linear.gather [hbm4b:s5+s2], $0x280, $0x38;
	[tilespmem:$0x2D80] =	vst v63  }
0x2d: {  	_ =	swait.ge [sflag:s10], $0x280  }
0x2e: {  	[sflag:s10] =	ssyncset.done $0x0  }
0x2f: {  	p1 =	sne.s32 s6, $0x1;
	[sflag:s10] =	ssyncadd.s32 $0xFFFFFD80  }
0x30: {  	[spmem:s7] =	stream.linear.scatter [tilespmem:s16], [sflag:$0x2], $0x280, $0x38;
	[tilespmem:$0x2D80] =	vst v63  }
.Ltmp0:
0x31: {  	_ =	swait.ge [sflag:s10], $0x280;
	(pc) =	sbr.rel @!p1 .LBB2_3-.Ltmp0, $4  }
0x32: {  	[sflag:s10] =	ssyncset.done $0x0  }
0x33: {  	[sflag:s10] =	ssyncadd.s32 $0xFFFFFD80  }
0x34: {  	s21 =	sadd.s32 $0xFFFFFFFF, s6;
	s22 =	simm.s32 $0x0;
	[bflag:$0x0] =	sbarrier.arrive $0xFFFF  }
0x35: {  	[spmem:s1] =	stream.indirect.scatter.add.f32 [tilespmem:s15], [sflag:$0x1], $0x1, s2, s17, $0xb8;
	[tilespmem:$0x2D80] =	vst v63  }
.LBB2_2:
0x36: {  	p2 =	sne.s32 s21, $0x1  }
.Ltmp1:
0x37: {  	_ = 	snop;
	(pc) =	sbr.rel @p2 .LBB2_2-.Ltmp1, $3  }
0x38: {  	_ = 	snop  }
0x39: {  	s21 =	sadd.s32 $0xFFFFFFFF, s21;
	s22 =	sadd.s32 $0x80, s22;
	_ =	sdelay $0x1  }
0x3a: {  	[spmem:s1] =	stream.indirect.scatter.add.f32 [tilespmem:s15], [sflag:$0x1], $0x1, s22, s17, $0xb8;
	[tilespmem:$0x2D80] =	vst v63  }
.LBB2_3:
.Ltmp2:
0x3b: {  	(pc) =	sbr.rel @!p1 .LBB2_5-.Ltmp2, $3  }
0x3c: {  	_ =	sdelay $0x1  }
0x3d: {  	_ =	swait.ge [sflag:s18], $0x80  }
0x3e: {  	s21 =	sadd.s32 $0xFFFFFFFF, s6;
	[sflag:s18] =	ssyncset.done $0x0  }
.LBB2_4:
0x3f: {  	p1 =	sne.s32 s21, $0x1;
	s21 =	sadd.s32 $0xFFFFFFFF, s21;
	[sflag:s18] =	ssyncadd.s32 $0xFFFFFF80  }
.Ltmp3:
0x40: {  	(pc) =	sbr.rel @p1 .LBB2_4-.Ltmp3, $3  }
0x41: {  	_ =	sdelay $0x1  }
0x42: {  	_ =	swait.ge [sflag:s18], $0x80  }
0x43: {  	[sflag:s18] =	ssyncset.done $0x0  }
.LBB2_5:
0x44: {  	[sflag:s18] =	ssyncadd.s32 $0xFFFFFF80;
	s20 =	sadd.s32 $0x1, s20  }
0x45: {  	s21 =	simm.s32 @!p0 $0x1C02;
	[bflag:$0x0] =	sbarrier.arrive $0xFFFF;
	p1 =	sne.s32 s20, s9  }
0x46: {  	[hbm:s8], [sflag:s21] =	dma.local @!p0 [spmem:s19], $0x500  }
.Ltmp4:
0x47: {  	_ = 	snop;
	(pc) =	sbr.rel @p1 .LBB2_1-.Ltmp4, $4  }
0x48: {  	s21 =	simm.s32 @!p0 $0x2  }
0x49: {  	_ =	swait.ge @!p0 [sflag:s21], $0x500  }
0x4a: {  	[sflag:s21] =	ssyncset.done @!p0 $0x0  }
0x4b: {  	[sflag:s21] =	ssyncadd.s32 @!p0 $0xFFFFFB00  }
0x4c: {  	_ =	sfence.sel $0x180000  }
0x4d: {  	[bflag:$0x0] =	sbarrier.arrive $0xFFFF  }
0x4e: {  	_ =	strace $0x90000047  }
0x4f: {  	s0 =	sadd.s32 @!p0 $0x100000, s0;
	[bflag:$0x2] =	sbarrier.arrive $0xFFFF  }
0x50: {  	[sflag:s0] =	ssyncadd.tile.s32 @!p0 $0x1;
	_ =	shalt  }
.Lfunc_end2:
_tile_overlayer_lowered:
.L_overlay_start_2:
0x51: {  	(tag) =	ssettag $0x2  }
0x52: {  	s0 =	rddreg [dreg:$0x0];
	s2 =	stileid.u32  }
0x53: {  	s1 =	rddreg [dreg:$0x1];
	p0 =	sne.s32 s2, $0x0  }
0x54: {  	s3 =	rddreg [dreg:$0x2];
	[bflag:$0x3] =	sbarrier.arrive $0xFFFF;
	s2 =	simm.s32 @!p0 $0x1C02  }
0x55: {  	[timem:s3], [sflag:s2] =	dma.local @!p0 [hbm:s0], s1  }
0x56: {  	s0 =	simm.s32 @!p0 $0x2  }
0x57: {  	_ =	swait.ge @!p0 [sflag:s0], s1  }
0x58: {  	s1 =	ssub.s32 @!p0 $0x0, s1;
	[sflag:s0] =	ssyncset.done @!p0 $0x0  }
0x59: {  	[sflag:s0] =	ssyncadd.s32 @!p0 s1  }
0x5a: {  	[bflag:$0x3] =	sbarrier.arrive $0xFFFF  }
0x5b: {  	_ =	shalt  }

// kernel: kernel.9.cloned.1.call-start
scs
__scs_entry_jumppad:
0x0: {  	(pc) =	sbr.rel $0x88, $3  }
0x1: {  	(tag) =	ssettag $0x0;
	lr =	simm.s32 $0x1  }
0x2: {  	[smem:$0x3F9D] =	sst lr;
	_ =	strace $0xD0000000  }
0x3: {  	_ = 	snop  }
0x4: {  	_ = 	snop  }
0x5: {  	_ = 	snop  }
0x6: {  	_ = 	snop  }
0x7: {  	_ = 	snop  }
__scs_overlays_trampoline_lowered:
0x8: {  	[smem:$0x3FAC] =	sst s0  }
0x9: {  	[smem:$0x3FAD] =	sst s1  }
0xa: {  	[smem:$0x3FAE] =	sst s2  }
0xb: {  	[smem:$0x3FAF] =	sst s3  }
0xc: {  	[smem:$0x3FB0] =	sst s4  }
0xd: {  	[smem:$0x3FB1] =	sst s5  }
0xe: {  	[smem:$0x3FB2] =	sst s6  }
0xf: {  	[smem:$0x3FB3] =	sst s7  }
0x10: {  	[smem:$0x3FB4] =	sst s8  }
0x11: {  	[smem:$0x3FB5] =	sst s9;
	s0 =	simm.s32 @!p0 $0x0  }
0x12: {  	s1 =	sld [smem:$0x3F9B];
	s0 =	simm.s32 @p0 $0x1  }
0x13: {  	[smem:$0x3FB6] =	sst s0;
	s0 =	simm.s32 @!p1 $0x0  }
0x14: {  	s2 =	sld [smem:$0x3F9A];
	s0 =	simm.s32 @p1 $0x1  }
0x15: {  	[smem:$0x3FB7] =	sst s0;
	s0 =	simm.s32 @!p2 $0x0  }
0x16: {  	s3 =	sld [smem:$0x3FDB];
	s0 =	simm.s32 @p2 $0x1  }
0x17: {  	s4 =	simm.s32 $0x1BF5;
	[smem:$0x3FB9] =	sst s0  }
0x18: {  	s0 =	sld [smem:$0x3F9C];
	_ =	swait.ge [sflag:s4], $0x0  }
0x19: {  	s7 =	sld [smem:$0x3F9D]  }
0x1a: {  	s8 =	sadd.s32 $0xFFFFE003, lr  }
0x1b: {  	s9 =	sadd.s32 $0xFFFFFEF7, lr;
	s5 =	simm.s32 $0xFFFFFFFF;
	p2 =	slt.u32 s8, $0xFFFFF086  }
0x1c: {  	p1 =	slt.u32 s9, $0xF7A;
	s5 =	simm.s32 @!p2 $0x0  }
0x1d: {  	s5 =	simm.s32 @p1 $0x1;
	p0 =	seq.s32 s7, s2  }
0x1e: {  	s7 =	smul.u32 @!p0 $0xF7A, s2;
	p2 =	seq.s32 @!p0 s5, $0x0  }
0x1f: {  	s9 =	smul.u32 $0xF7A, s1;
	s8 =	simm.s32 @!p0 $0x1BF5;
	p2 =	por !p2, p0  }
0x20: {  	[sflag:s8] =	ssyncset.s32 @!p0 $0xFFFFF086;
	s6 =	sadd.s32 @!p0 s3, s7;
	s7 =	simm.s32 @!p0 $0x108  }
0x21: {  	s3 =	sadd.s32 s3, s9;
	s6 =	sadd.s32 @!p0 $0x88, s6;
	s7 =	simm.s32 @p2 $0x1082  }
0x22: {  	[simem:s7], [sflag:s8] =	dma.local @!p0 [hbm:s6], $0xF7A  }
0x23: {  	s9 =	sor.u32 $0xD0000000, s2;
	s6 =	simm.s32 $0x108;
	_ =	swait.ge @!p0 [sflag:s8], $0x0  }
0x24: {  	s3 =	sadd.s32 $0x88, s3;
	s6 =	simm.s32 @!p1 $0x1082;
	[sflag:s4] =	ssyncset.s32 $0xFFFFF086  }
0x25: {  	[simem:s6], [sflag:s4] =	dma.local [hbm:s3], $0xF7A  }
0x26: {  	[smem:$0x3F9D] =	sst s1;
	(tag) =	ssettag s2;
	_ =	strace s9  }
0x27: {  	s1 =	sld [smem:$0x3FAD]  }
0x28: {  	s2 =	sld [smem:$0x3FAE]  }
0x29: {  	s4 =	sld [smem:$0x3FB0]  }
0x2a: {  	p0 =	seq.s32 s5, $0x0;
	s5 =	sld [smem:$0x3FB1]  }
0x2b: {  	s6 =	sld [smem:$0x3FB2]  }
0x2c: {  	s7 =	sld [smem:$0x3FB3]  }
0x2d: {  	s3 =	simm.s32 $0x108;
	s8 =	sld [smem:$0x3FB4]  }
0x2e: {  	s3 =	simm.s32 @!p0 $0x1082;
	s9 =	sld [smem:$0x3FB5]  }
0x2f: {  	lr =	sadd.s32 s0, s3;
	s0 =	sld [smem:$0x3FAC]  }
0x30: {  	s3 =	sld [smem:$0x3FAF]  }
0x31: {  	[smem:$0x3FB8] =	sst s10  }
0x32: {  	s10 =	sld [smem:$0x3FB6];
	_ =	sdelay $0x3  }
0x33: {  	p0 =	seq.s32 s10, $0x1;
	s10 =	sld [smem:$0x3FB8];
	_ =	sdelay $0x3  }
0x34: {  	[smem:$0x3FB8] =	sst s10  }
0x35: {  	s10 =	sld [smem:$0x3FB7];
	_ =	sdelay $0x3  }
0x36: {  	p1 =	seq.s32 s10, $0x1;
	s10 =	sld [smem:$0x3FB8];
	_ =	sdelay $0x3  }
0x37: {  	[smem:$0x3FB8] =	sst s10  }
0x38: {  	s10 =	sld [smem:$0x3FB9]  }
0x39: {  	_ = 	snop;
	(pc) =	sbr.ind lr, $3  }
0x3a: {  	_ = 	snop  }
0x3b: {  	_ = 	snop  }
0x3c: {  	p2 =	seq.s32 s10, $0x1;
	s10 =	sld [smem:$0x3FB8]  }
0x3d: {  	_ =	shalt  }
0x3e: {  	_ =	shalt  }
0x3f: {  	_ =	shalt  }
0x40: {  	_ =	shalt  }
0x41: {  	_ =	shalt  }
0x42: {  	_ =	shalt  }
0x43: {  	_ =	shalt  }
0x44: {  	_ =	shalt  }
0x45: {  	_ =	shalt  }
0x46: {  	_ =	shalt  }
0x47: {  	_ =	shalt  }
0x48: {  	_ =	shalt  }
0x49: {  	_ =	shalt  }
0x4a: {  	_ =	shalt  }
0x4b: {  	_ =	shalt  }
0x4c: {  	_ =	shalt  }
0x4d: {  	_ =	shalt  }
0x4e: {  	_ =	shalt  }
0x4f: {  	_ =	shalt  }
0x50: {  	_ =	shalt  }
0x51: {  	_ =	shalt  }
0x52: {  	_ =	shalt  }
0x53: {  	_ =	shalt  }
0x54: {  	_ =	shalt  }
0x55: {  	_ =	shalt  }
0x56: {  	_ =	shalt  }
0x57: {  	_ =	shalt  }
0x58: {  	_ =	shalt  }
0x59: {  	_ =	shalt  }
0x5a: {  	_ =	shalt  }
0x5b: {  	_ =	shalt  }
0x5c: {  	_ =	shalt  }
0x5d: {  	_ =	shalt  }
0x5e: {  	_ =	shalt  }
0x5f: {  	_ =	shalt  }
0x60: {  	_ =	shalt  }
0x61: {  	_ =	shalt  }
0x62: {  	_ =	shalt  }
0x63: {  	_ =	shalt  }
0x64: {  	_ =	shalt  }
0x65: {  	_ =	shalt  }
0x66: {  	_ =	shalt  }
0x67: {  	_ =	shalt  }
0x68: {  	_ =	shalt  }
0x69: {  	_ =	shalt  }
0x6a: {  	_ =	shalt  }
0x6b: {  	_ =	shalt  }
0x6c: {  	_ =	shalt  }
0x6d: {  	_ =	shalt  }
0x6e: {  	_ =	shalt  }
0x6f: {  	_ =	shalt  }
0x70: {  	_ =	shalt  }
0x71: {  	_ =	shalt  }
0x72: {  	_ =	shalt  }
0x73: {  	_ =	shalt  }
0x74: {  	_ =	shalt  }
0x75: {  	_ =	shalt  }
0x76: {  	_ =	shalt  }
0x77: {  	_ =	shalt  }
0x78: {  	_ =	shalt  }
0x79: {  	_ =	shalt  }
0x7a: {  	_ =	shalt  }
0x7b: {  	_ =	shalt  }
0x7c: {  	_ =	shalt  }
0x7d: {  	_ =	shalt  }
0x7e: {  	_ =	shalt  }
0x7f: {  	_ =	shalt  }
0x80: {  	_ =	shalt  }
0x81: {  	_ =	shalt  }
0x82: {  	_ =	shalt  }
0x83: {  	_ =	shalt  }
0x84: {  	_ =	shalt  }
0x85: {  	_ =	shalt  }
0x86: {  	_ =	shalt  }
0x87: {  	_ =	shalt  }
.Lfunc_end0:
.L_simem_size_0:
called_computation.1_lowered:
.L_overlay_start_0:
0x88: {  	s2 =	sld [smem:$0x3FD9]  }
0x89: {  	s3 =	sld [smem:$0x3FFE];
	_ =	sdelay $0x1  }
0x8a: {  	s1 =	srdreg.scid  }
0x8b: {  	s0 =	sand.u32 $0x1, s1  }
0x8c: {  	s17 =	sshll.u32 s0, $0xA;
	s2 =	sadd.s32 s3, s2  }
0x8d: {  	s2 =	sadd.s32 s2, s17  }
0x8e: {  	[smem:$0x3FC4] =	sst s2  }
0x8f: {  	_ = 	snop  }
0x90: {  	s2 =	sld [smem:$0x3FD0];
	(tm) =	ssettm $0x1  }
0x91: {  	s18 =	sld [smem:$0x3FFB];
	_ =	sdelay $0x3  }
0x92: {  	_ =	strace s18  }
0x93: {  	s3 =	sld [smem:$0x3FFC];
	_ =	sdelay $0x3  }
0x94: {  	_ =	strace s3  }
0x95: {  	s3 =	sld [smem:$0x3FFD];
	_ =	sdelay $0x3  }
0x96: {  	_ =	strace s3  }
0x97: {  	_ =	strace $0x8FFFFFFF  }
0x98: {  	s19 =	sld [smem:$0x3FDB];
	_ =	sdelay $0x1  }
0x99: {  	s4 =	simm.s32 $_scs_section_size  }
0x9a: {  	s5 =	simm.s32 $_size__tile_overlayer_lowered;
	s6 =	simm.s32 $_tile_overlayer_lowered  }
0x9b: {  	s22 =	simm.s32 $0x1BFF;
	s21 =	sshll.u32 s6, $0x1;
	s3 =	sadd.s32 s4, s19  }
0x9c: {  	s7 =	simm.s32 $0x0;
	s20 =	sshll.u32 s5, $0x1;
	s5 =	sadd.s32 s21, s3  }
0x9d: {  	[timem:s7], [sflag:s22] =	dma.local [hbm:s5], s20  }
0x9e: {  	_ =	swait.ge [sflag:s22], s20  }
0x9f: {  	s4 =	ssub.s32 $0x0, s20;
	[sflag:s22] =	ssyncset.done $0x0  }
0xa0: {  	[sflag:s22] =	ssyncadd.s32 s4;
	_ =	sdelay $0x1  }
0xa1: {  	s23 =	simm.s32 $0x1B8B  }
0xa2: {  	_ =	swait.ge [sflag:s23], $0x1  }
0xa3: {  	[sflag:s23] =	ssyncset.done $0x0  }
0xa4: {  	s25 =	simm.s32 $0x1B8E;
	s24 =	sld [smem:$0x3FFE];
	[sflag:s23] =	ssyncadd.s32 $0xFFFFFFFF  }
0xa5: {  	s26 =	simm.s32 $execute0_lowered;
	[smem:$0x3FD2] =	sst s25  }
0xa6: {  	s5 =	sshll.u32 s26, $0x1;
	_ =	strace $0x80000049;
	[dreg:$0x1] =	wrdreg $0xFFFFFFFF  }
0xa7: {  	s28 =	simm.s32 $_size_execute0_lowered;
	s3 =	sadd.s32 s3, s5;
	[dreg:$0x0] =	wrdreg $0x0  }
0xa8: {  	s5 =	sshll.u32 s28, $0x1;
	[dreg:$0x2] =	wrdreg s3  }
0xa9: {  	[dreg:$0x3] =	wrdreg s5  }
0xaa: {  	[dreg:$0x4] =	wrdreg $0xC0  }
0xab: {  	_ =	task [dreg:s7], $0x5FFFF  }
0xac: {  	[dreg:$0x1] =	wrdreg $0xFFFFFFFF  }
0xad: {  	[dreg:$0x0] =	wrdreg $0x60  }
0xae: {  	[dreg:$0x2] =	wrdreg s24  }
0xaf: {  	[dreg:$0x3] =	wrdreg s2  }
0xb0: {  	[dreg:$0x4] =	wrdreg $0x160000  }
0xb1: {  	[dreg:$0x5] =	wrdreg $0x9  }
0xb2: {  	_ =	task.clear_ibuf [dreg:s7], $0x6FFFF;
	_ =	strace $0x90000049  }
0xb3: {  	s29 =	simm.s32 $0x9;
	_ =	strace $0x8000004B  }
0xb4: {  	_ =	swait.ge [sflag:s29], $0x1  }
0xb5: {  	[sflag:s29] =	ssyncadd.s32 $0xFFFFFFFF  }
0xb6: {  	_ =	strace $0x9000004B  }
0xb7: {  	_ =	sfence  }
0xb8: {  	s30 =	sld [smem:$0x0];
	_ =	sdelay $0x2  }
0xb9: {  	s31 =	sshll.u32 s1, $0xD;
	s1 =	sshrl.u32 s1, $0x2  }
0xba: {  	s3 =	sand.u32 $0x4000, s31;
	s1 =	sadd.s32 s1, s30  }
0xbb: {  	s0 =	sor.u32 s3, s0;
	s1 =	sshll.u32 s1, $0x11  }
0xbc: {  	s0 =	sor.u32 s1, s0  }
0xbd: {  	s0 =	sadd.s32 $0x8F2B, s0  }
0xbe: {  	[sflag:s0] =	ssyncadd.remote.s32 $0x1  }
0xbf: {  	_ =	sfence.sel $0xFFFF  }
0xc0: {  	[dreg:$0x0] =	wrdreg $0xFFFFFFFF;
	(pc) =	sbr.abs _section_cstart, $3  }
0xc1: {  	[dreg:$0x1] =	wrdreg $0xFFFFFFFF  }
0xc2: {  	_ =	task.clear_ibuf [dreg:s7], $0x2FFFF;
	_ =	strace $0x9FFFFFFF  }
0xc3: {  	(tm) =	ssettm $0x7FFFFFFF  }
tec
execute0_lowered:
.L_overlay_start_1:
0x0: {  	(tag) =	ssettag $0x1  }
0x1: {  	s0 =	rddreg [dreg:$0x0]  }
0x2: {  	s15 =	rddreg [dreg:$0x1]  }
0x3: {  	s1 =	rddreg [dreg:$0x2];
	s2 =	simm.s32 $0x0;
	s3 =	srdreg.scid  }
0x4: {  	s23 =	stileid.u32;
	s29 =	simm.s32 $0x10000;
	s31 =	simm.s32 $0x12000  }
0x5: {  	s28 =	simm.s32 $0x7;
	s30 =	simm.s32 $0x8;
	[smem:$0x7FF] =	sst s2  }
0x6: {  	s4 =	sadd.s32 $0x14C00, s0;
	s5 =	sadd.s32 $0x28600, s0;
	s17 =	sand.u32 $0x1, s3  }
0x7: {  	s20 =	smul.u32 $0x9C, s23;
	s6 =	sadd.s32 $0x1000, s0;
	s9 =	smin.u32 s23, $0x4  }
0x8: {  	s7 =	sadd.s32 $0xAE00, s0;
	s22 =	smul.u32 $0x27100, s23;
	p1 =	sgt.u32 s23, $0x3  }
0x9: {  	p2 =	seq.s32 s23, $0xF;
	p3 =	slt.u32 s23, $0x4;
	s8 =	ssub.s32 $0x2, s17  }
0xa: {  	_ =	strace $0x8000004A;
	p0 =	seq.s32 s17, $0x1;
	s21 =	sshrl.u32 s8, $0x1  }
0xb: {  	s11 =	sadd.s32 s9, s20;
	s20 =	smul.u32 $0x9C400, s17;
	s18 =	ssub.s32 s8, s21  }
0xc: {  	s3 =	sadd.s32 $0x10, s11;
	s16 =	sadd.s32 $0x20, s11;
	s19 =	sadd.s32 $0x30, s11  }
0xd: {  	s9 =	sadd.s32 $0x40, s11;
	s10 =	sadd.s32 $0x50, s11;
	s12 =	sadd.s32 $0x60, s11  }
0xe: {  	s0 =	sadd.s32 $0x70, s11;
	s8 =	sshrl.u32 s22, $0x2;
	s21 =	smul.u32 $0x9C00, s23  }
0xf: {  	v0 =	vlaneseq.u32;
	s13 =	sadd.s32 $0x80, s11;
	s14 =	sadd.s32 $0x90, s11;
	s23 =	simm.s32 $0x80  }
0x10: {  	v1 =	vadd.s32 s11, v0;
	s11 =	simm.s32 $0x14000;
	s8 =	sadd.s32 s8, s1;
	s24 =	sshrl.u32 s20, $0x3  }
0x11: {  	s18 =	smax.u32 s18, $0x1;
	v2 =	vadd.s32 s3, v0;
	v4 =	vadd.s32 s19, v0;
	s3 =	simm.s32 $0x2;
	s19 =	simm.s32 $0x3  }
0x12: {  	v7 =	vadd.s32 s12, v0;
	v8 =	vadd.s32 s0, v0;
	v10 =	vadd.s32 s14, v0;
	s0 =	simm.s32 $0x9;
	s12 =	simm.s32 $0xA;
	s14 =	simm.s32 $0xB  }
0x13: {  	v5 =	vadd.s32 s9, v0;
	v6 =	vadd.s32 s10, v0;
	s9 =	simm.s32 $0xC;
	s10 =	simm.s32 $0x0;
	s22 =	sadd.s32 $0x2000, s8  }
0x14: {  	s20 =	sadd.s32 s21, s20;
	s25 =	sadd.s32 s15, s24;
	s26 =	sadd.s32 $0x4000, s8  }
0x15: {  	s24 =	sadd.s32 s21, s1;
	[dreg:$0x8] =	wrdreg s18;
	s18 =	simm.s32 $0xD  }
0x16: {  	s21 =	simm.s32 $0x5;
	[dreg:$0x4] =	wrdreg s22;
	s20 =	sshrl.u32 s20, $0x3  }
0x17: {  	[dreg:$0x5] =	wrdreg s26;
	s17 =	sadd.s32 $0x12480, s25;
	s22 =	sadd.s32 $0x92400, s1  }
0x18: {  	s25 =	sadd.s32 $0x6000, s8;
	s26 =	sadd.s32 $0x8000, s8;
	[dreg:$0x6] =	wrdreg s17  }
.Ltmp0:
0x19: {  	vm0 =	vmmov $0xffff;
	v3 =	vadd.s32 s16, v0;
	s15 =	sadd.s32 s15, s20;
	[dreg:$0xb] =	wrdreg s25;
	(pc) =	sbr.rel .LBB2_1-.Ltmp0, $4  }
0x1a: {  	v9 =	vadd.s32 s13, v0;
	v0 =	vmin.u32 v1, $0x9C3;
	v1 =	vmin.u32 v2, $0x9C3;
	s17 =	sshrl.u32 s24, $0x3;
	[dreg:$0xc] =	wrdreg s26;
	s24 =	simm.s32 $0xC000  }
0x1b: {  	v2 =	vmin.u32 v3, $0x9C3;
	v3 =	vmin.u32 v4, $0x9C3;
	v4 =	vmin.u32 v5, $0x9C3;
	s26 =	simm.s32 $0xE000;
	s20 =	simm.s32 $0x4;
	[dreg:$0x7] =	wrdreg s15  }
0x1c: {  	v5 =	vmin.u32 v6, $0x9C3;
	v6 =	vmin.u32 v7, $0x9C3;
	v7 =	vmin.u32 v8, $0x9C3;
	s25 =	simm.s32 $0x6;
	[dreg:$0x9] =	wrdreg s17;
	s15 =	sshrl.u32 s22, $0x3  }
0x1d: {  	v8 =	vmin.u32 v9, $0x9C3;
	v9 =	vmin.u32 v10, $0x9C3;
	v10 =	vimm.f32 $0.0e+00;
	s22 =	simm.s32 $0xA000;
	[dreg:$0xa] =	wrdreg s15;
	s15 =	simm.s32 $0x1  }
.LBB2_12:
0x1e: {  	s16 =	simm.s32 $0x4E00  }
0x1f: {  	[tilespmem:s22], [sflag:$0xD] =	stream.indirect.gather [hbm4b:s13+s23], $0x40, s16, s23, $0xb8;
	[tilespmem:$0x1FC40] =	vst v63  }
0x20: {  	_ =	swait.ge [sflag:s18], $0x2000  }
0x21: {  	[sflag:s18] =	ssyncset.done $0x0  }
0x22: {  	s17 =	simm.s32 $0x9E00;
	[sflag:s18] =	ssyncadd.s32 $0xFFFFE000  }
0x23: {  	[spmem:s1] =	stream.indirect.scatter.add.f32 [tilespmem:s22], [sflag:$0xD], $0x40, s17, s23, $0xb8;
	[tilespmem:$0x1FC40] =	vst v63  }
0x24: {  	_ =	swait.ge [sflag:s18], $0x2000  }
0x25: {  	[sflag:s18] =	ssyncset.done $0x0  }
0x26: {  	[sflag:s18] =	ssyncadd.s32 $0xFFFFE000  }
0x27: {  	[bflag:$0x0] =	sbarrier.arrive $0xFFFF  }
.LBB2_13:
0x28: {  	s13 =	stileid.u32  }
0x29: {  	s16 =	rddreg [dreg:$0x7];
	s13 =	sshll.u32 s13, $0x6  }
0x2a: {  	s17 =	rddreg [dreg:$0x9];
	s13 =	sor.u32 $0x1C0D, s13  }
0x2b: {  	[hbm:s16], [sflag:s13] =	dma.local [spmem:s17], $0x1380  }
0x2c: {  	_ =	swait.ge [sflag:s18], $0x1380  }
0x2d: {  	[sflag:s18] =	ssyncset.done $0x0  }
0x2e: {  	[sflag:s18] =	ssyncadd.s32 $0xFFFFEC80  }
.LBB2_14:
0x2f: {  	s10 =	sadd.s32 $0x1, s10;
	s13 =	rddreg [dreg:$0x8]  }
0x30: {  	p4 =	sne.s32 s10, s13  }
.Ltmp1:
0x31: {  	_ = 	snop;
	(pc) =	sbr.rel @!p4 .LBB2_15-.Ltmp1, $1  }
0x32: {  	_ =	sdelay $0x3  }
.LBB2_1:
0x33: {  	_ =	sdelay $0x3  }
0x34: {  	[tilespmem:s2], [sflag:$0xD] =	stream.indirect_vreg.gather [hbm4b:s6+s2], $0x80, v0, vm0, $0xb8;
	[tilespmem:$0x1FC40] =	vst v63  }
0x35: {  	_ =	swait.ge [sflag:s18], $0x800  }
0x36: {  	[sflag:s18] =	ssyncset.done $0x0  }
0x37: {  	s13 =	simm.s32 $0x800;
	[sflag:s18] =	ssyncadd.s32 $0xFFFFF800  }
0x38: {  	[tilespmem:s13], [sflag:$0xD] =	stream.indirect_vreg.gather [hbm4b:s6+s2], $0x80, v1, vm0, $0xb8;
	[tilespmem:$0x1FC40] =	vst v63  }
0x39: {  	_ =	swait.ge [sflag:s18], $0x800  }
0x3a: {  	[sflag:s18] =	ssyncset.done $0x0  }
0x3b: {  	s16 =	simm.s32 $0x1000;
	[sflag:s18] =	ssyncadd.s32 $0xFFFFF800  }
0x3c: {  	[tilespmem:s16], [sflag:$0xD] =	stream.indirect_vreg.gather [hbm4b:s6+s2], $0x80, v2, vm0, $0xb8;
	[tilespmem:$0x1FC40] =	vst v63  }
0x3d: {  	_ =	swait.ge [sflag:s18], $0x800  }
0x3e: {  	[sflag:s18] =	ssyncset.done $0x0  }
0x3f: {  	s17 =	simm.s32 $0x1800;
	[sflag:s18] =	ssyncadd.s32 $0xFFFFF800  }
0x40: {  	[tilespmem:s17], [sflag:$0xD] =	stream.indirect_vreg.gather [hbm4b:s6+s2], $0x80, v3, vm0, $0xb8;
	[tilespmem:$0x1FC40] =	vst v63  }
0x41: {  	_ =	swait.ge [sflag:s18], $0x800  }
0x42: {  	[sflag:s18] =	ssyncset.done $0x0  }
0x43: {  	s16 =	simm.s32 $0x2000;
	[sflag:s18] =	ssyncadd.s32 $0xFFFFF800  }
0x44: {  	[tilespmem:s16], [sflag:$0xD] =	stream.indirect_vreg.gather [hbm4b:s6+s2], $0x80, v4, vm0, $0xb8;
	[tilespmem:$0x1FC40] =	vst v63  }
0x45: {  	_ =	swait.ge [sflag:s18], $0x800  }
0x46: {  	[sflag:s18] =	ssyncset.done $0x0  }
0x47: {  	s17 =	simm.s32 $0x2800;
	[sflag:s18] =	ssyncadd.s32 $0xFFFFF800  }
0x48: {  	[tilespmem:s17], [sflag:$0xD] =	stream.indirect_vreg.gather [hbm4b:s6+s2], $0x80, v5, vm0, $0xb8;
	[tilespmem:$0x1FC40] =	vst v63  }
0x49: {  	_ =	swait.ge [sflag:s18], $0x800  }
0x4a: {  	[sflag:s18] =	ssyncset.done $0x0  }
0x4b: {  	s16 =	simm.s32 $0x3000;
	[sflag:s18] =	ssyncadd.s32 $0xFFFFF800  }
0x4c: {  	[tilespmem:s16], [sflag:$0xD] =	stream.indirect_vreg.gather [hbm4b:s6+s2], $0x80, v6, vm0, $0xb8;
	[tilespmem:$0x1FC40] =	vst v63  }
0x4d: {  	_ =	swait.ge [sflag:s18], $0x800  }
0x4e: {  	[sflag:s18] =	ssyncset.done $0x0  }
0x4f: {  	s17 =	simm.s32 $0x3800;
	[sflag:s18] =	ssyncadd.s32 $0xFFFFF800  }
0x50: {  	[tilespmem:s17], [sflag:$0xD] =	stream.indirect_vreg.gather [hbm4b:s6+s2], $0x80, v7, vm0, $0xb8;
	[tilespmem:$0x1FC40] =	vst v63  }
0x51: {  	_ =	swait.ge [sflag:s18], $0x800  }
0x52: {  	[sflag:s18] =	ssyncset.done $0x0  }
0x53: {  	s16 =	simm.s32 $0x4000;
	[sflag:s18] =	ssyncadd.s32 $0xFFFFF800  }
0x54: {  	[tilespmem:s16], [sflag:$0xD] =	stream.indirect_vreg.gather [hbm4b:s6+s2], $0x80, v8, vm0, $0xb8;
	[tilespmem:$0x1FC40] =	vst v63  }
0x55: {  	_ =	swait.ge [sflag:s18], $0x800  }
0x56: {  	[sflag:s18] =	ssyncset.done $0x0  }
0x57: {  	s17 =	simm.s32 $0x4800;
	[sflag:s18] =	ssyncadd.s32 $0xFFFFF800  }
0x58: {  	[tilespmem:s17], [sflag:$0xD] =	stream.indirect_vreg.gather [hbm4b:s6+s2], $0x80, v9, vm0, $0xb8;
	[tilespmem:$0x1FC40] =	vst v63  }
0x59: {  	_ =	swait.ge [sflag:s18], $0x800  }
0x5a: {  	[sflag:s18] =	ssyncset.done $0x0  }
0x5b: {  	s16 =	simm.s32 $0x5000;
	[sflag:s18] =	ssyncadd.s32 $0xFFFFF800  }
0x5c: {  	[tilespmem:s16], [sflag:$0xD] =	stream.indirect_vreg.gather [hbm4b:s7+s2], $0x80, v0, vm0, $0xb8;
	[tilespmem:$0x1FC40] =	vst v63  }
0x5d: {  	_ =	swait.ge [sflag:s18], $0x800  }
0x5e: {  	[sflag:s18] =	ssyncset.done $0x0  }
0x5f: {  	s17 =	simm.s32 $0x5800;
	[sflag:s18] =	ssyncadd.s32 $0xFFFFF800  }
0x60: {  	[tilespmem:s17], [sflag:$0xD] =	stream.indirect_vreg.gather [hbm4b:s7+s2], $0x80, v1, vm0, $0xb8;
	[tilespmem:$0x1FC40] =	vst v63  }
0x61: {  	_ =	swait.ge [sflag:s18], $0x800  }
0x62: {  	[sflag:s18] =	ssyncset.done $0x0  }
0x63: {  	s16 =	simm.s32 $0x6000;
	[sflag:s18] =	ssyncadd.s32 $0xFFFFF800  }
0x64: {  	[tilespmem:s16], [sflag:$0xD] =	stream.indirect_vreg.gather [hbm4b:s7+s2], $0x80, v2, vm0, $0xb8;
	[tilespmem:$0x1FC40] =	vst v63  }
0x65: {  	_ =	swait.ge [sflag:s18], $0x800  }
0x66: {  	[sflag:s18] =	ssyncset.done $0x0  }
0x67: {  	s17 =	simm.s32 $0x6800;
	[sflag:s18] =	ssyncadd.s32 $0xFFFFF800  }
0x68: {  	[tilespmem:s17], [sflag:$0xD] =	stream.indirect_vreg.gather [hbm4b:s7+s2], $0x80, v3, vm0, $0xb8;
	[tilespmem:$0x1FC40] =	vst v63  }
0x69: {  	_ =	swait.ge [sflag:s18], $0x800  }
0x6a: {  	[sflag:s18] =	ssyncset.done $0x0  }
0x6b: {  	s16 =	simm.s32 $0x7000;
	[sflag:s18] =	ssyncadd.s32 $0xFFFFF800  }
0x6c: {  	[tilespmem:s16], [sflag:$0xD] =	stream.indirect_vreg.gather [hbm4b:s7+s2], $0x80, v4, vm0, $0xb8;
	[tilespmem:$0x1FC40] =	vst v63  }
0x6d: {  	_ =	swait.ge [sflag:s18], $0x800  }
0x6e: {  	[sflag:s18] =	ssyncset.done $0x0  }
0x6f: {  	s17 =	simm.s32 $0x7800;
	[sflag:s18] =	ssyncadd.s32 $0xFFFFF800  }
0x70: {  	[tilespmem:s17], [sflag:$0xD] =	stream.indirect_vreg.gather [hbm4b:s7+s2], $0x80, v5, vm0, $0xb8;
	[tilespmem:$0x1FC40] =	vst v63  }
0x71: {  	_ =	swait.ge [sflag:s18], $0x800  }
0x72: {  	[sflag:s18] =	ssyncset.done $0x0  }
0x73: {  	s16 =	simm.s32 $0x8000;
	[sflag:s18] =	ssyncadd.s32 $0xFFFFF800  }
0x74: {  	[tilespmem:s16], [sflag:$0xD] =	stream.indirect_vreg.gather [hbm4b:s7+s2], $0x80, v6, vm0, $0xb8;
	[tilespmem:$0x1FC40] =	vst v63  }
0x75: {  	_ =	swait.ge [sflag:s18], $0x800  }
0x76: {  	[sflag:s18] =	ssyncset.done $0x0  }
0x77: {  	s17 =	simm.s32 $0x8800;
	[sflag:s18] =	ssyncadd.s32 $0xFFFFF800  }
0x78: {  	[tilespmem:s17], [sflag:$0xD] =	stream.indirect_vreg.gather [hbm4b:s7+s2], $0x80, v7, vm0, $0xb8;
	[tilespmem:$0x1FC40] =	vst v63  }
0x79: {  	_ =	swait.ge [sflag:s18], $0x800  }
0x7a: {  	[sflag:s18] =	ssyncset.done $0x0  }
0x7b: {  	s16 =	simm.s32 $0x9000;
	[sflag:s18] =	ssyncadd.s32 $0xFFFFF800  }
0x7c: {  	[tilespmem:s16], [sflag:$0xD] =	stream.indirect_vreg.gather [hbm4b:s7+s2], $0x80, v8, vm0, $0xb8;
	[tilespmem:$0x1FC40] =	vst v63  }
0x7d: {  	_ =	swait.ge [sflag:s18], $0x800  }
0x7e: {  	[sflag:s18] =	ssyncset.done $0x0  }
0x7f: {  	s17 =	simm.s32 $0x9800;
	[sflag:s18] =	ssyncadd.s32 $0xFFFFF800  }
0x80: {  	[tilespmem:s17], [sflag:$0xD] =	stream.indirect_vreg.gather [hbm4b:s7+s2], $0x80, v9, vm0, $0xb8;
	[tilespmem:$0x1FC40] =	vst v63  }
0x81: {  	_ =	swait.ge [sflag:s18], $0x800  }
0x82: {  	[sflag:s18] =	ssyncset.done $0x0  }
0x83: {  	s13 =	simm.s32 $0x0;
	s16 =	simm.s32 $0x100;
	[sflag:s18] =	ssyncadd.s32 $0xFFFFF800  }
.LBB2_2:
0x84: {  	p4 =	sne.s32 s16, $0x7F00;
	[tilespmem:s13+$0xA030] =	vst v10;
	s17 =	smov.u32 s16;
	s16 =	sadd.s32 $0x100, s16  }
.Ltmp2:
0x85: {  	[tilespmem:s13+$0xA020] =	vst v10;
	(pc) =	sbr.rel @p4 .LBB2_2-.Ltmp2, $3  }
0x86: {  	[tilespmem:s13+$0xA000] =	vst v10  }
0x87: {  	[tilespmem:s13+$0xA010] =	vst v10;
	_ =	sdelay $0x1  }
0x88: {  	s13 =	sshra.s32 s17, $0x2  }
0x89: {  	[tilespmem:s13+$0xA030] =	vst v10  }
0x8a: {  	[tilespmem:s13+$0xA020] =	vst v10  }
0x8b: {  	[tilespmem:s13+$0xA000] =	vst v10  }
0x8c: {  	[tilespmem:s13+$0xA010] =	vst v10  }
0x8d: {  	[spmem:s8] =	stream.linear.scatter [tilespmem:s22], [sflag:$0xD], $0x2000, $0x38;
	[tilespmem:$0x1FC40] =	vst v63  }
0x8e: {  	_ =	swait.ge [sflag:s18], $0x2000  }
0x8f: {  	[sflag:s18] =	ssyncset.done $0x0  }
0x90: {  	s16 =	rddreg [dreg:$0x4];
	[sflag:s18] =	ssyncadd.s32 $0xFFFFE000  }
0x91: {  	[spmem:s16] =	stream.linear.scatter [tilespmem:s22], [sflag:$0xD], $0x2000, $0x38;
	[tilespmem:$0x1FC40] =	vst v63  }
0x92: {  	_ =	swait.ge [sflag:s18], $0x2000  }
0x93: {  	[sflag:s18] =	ssyncset.done $0x0  }
0x94: {  	s17 =	rddreg [dreg:$0x5];
	[sflag:s18] =	ssyncadd.s32 $0xFFFFE000  }
0x95: {  	[spmem:s17] =	stream.linear.scatter [tilespmem:s22], [sflag:$0xD], $0x2000, $0x38;
	[tilespmem:$0x1FC40] =	vst v63  }
0x96: {  	_ =	swait.ge [sflag:s18], $0x2000  }
0x97: {  	[sflag:s18] =	ssyncset.done $0x0  }
0x98: {  	s16 =	rddreg [dreg:$0xb];
	[sflag:s18] =	ssyncadd.s32 $0xFFFFE000  }
0x99: {  	[spmem:s16] =	stream.linear.scatter [tilespmem:s22], [sflag:$0xD], $0x2000, $0x38;
	[tilespmem:$0x1FC40] =	vst v63  }
0x9a: {  	_ =	swait.ge [sflag:s18], $0x2000  }
0x9b: {  	[sflag:s18] =	ssyncset.done $0x0  }
0x9c: {  	s17 =	rddreg [dreg:$0xc];
	[sflag:s18] =	ssyncadd.s32 $0xFFFFE000  }
0x9d: {  	[spmem:s17] =	stream.linear.scatter [tilespmem:s22], [sflag:$0xD], $0x1C40, $0x38;
	[tilespmem:$0x1FC40] =	vst v63  }
.Ltmp3:
0x9e: {  	_ =	swait.ge [sflag:s18], $0x1C40;
	(pc) =	sbr.rel @!p0 .LBB2_4-.Ltmp3, $4  }
0x9f: {  	[sflag:s18] =	ssyncset.done $0x0  }
0xa0: {  	[sflag:s18] =	ssyncadd.s32 $0xFFFFE3C0  }
0xa1: {  	[bflag:$0x0] =	sbarrier.arrive $0xFFFF  }
0xa2: {  	s13 =	simm.s32 $0x0  }
0xa3: {  	[tilespmem:s22], [sflag:$0x1] =	stream.indirect.gather [hbm4b:s5+s23], $0x40, s13, s23, $0xb8;
	[tilespmem:$0x1FC40] =	vst v63  }
0xa4: {  	_ = 	snop  }
0xa5: {  	[tilespmem:s24], [sflag:$0x2] =	stream.indirect.gather [hbm4b:s5+s23], $0x40, s23, s23, $0xb8;
	[tilespmem:$0x1FC40] =	vst v63  }
0xa6: {  	s17 =	simm.s32 $0x100  }
0xa7: {  	[tilespmem:s26], [sflag:$0x3] =	stream.indirect.gather [hbm4b:s5+s23], $0x40, s17, s23, $0xb8;
	[tilespmem:$0x1FC40] =	vst v63  }
0xa8: {  	s16 =	simm.s32 $0x180  }
0xa9: {  	[tilespmem:s29], [sflag:$0x4] =	stream.indirect.gather [hbm4b:s5+s23], $0x40, s16, s23, $0xb8;
	[tilespmem:$0x1FC40] =	vst v63  }
0xaa: {  	s17 =	simm.s32 $0x200  }
0xab: {  	[tilespmem:s31], [sflag:$0x5] =	stream.indirect.gather [hbm4b:s5+s23], $0x40, s17, s23, $0xb8;
	[tilespmem:$0x1FC40] =	vst v63  }
0xac: {  	s16 =	simm.s32 $0x280  }
0xad: {  	[tilespmem:s11], [sflag:$0x6] =	stream.indirect.gather [hbm4b:s5+s23], $0x40, s16, s23, $0xb8;
	[tilespmem:$0x1FC40] =	vst v63  }
0xae: {  	_ =	swait.ge [sflag:s15], $0x2000  }
0xaf: {  	[sflag:s15] =	ssyncset.done $0x0  }
0xb0: {  	s17 =	simm.s32 $0x5000;
	[sflag:s15] =	ssyncadd.s32 $0xFFFFE000  }
0xb1: {  	[spmem:s1] =	stream.indirect.scatter.add.f32 [tilespmem:s22], [sflag:$0x7], $0x40, s17, s23, $0xb8;
	[tilespmem:$0x1FC40] =	vst v63  }
0xb2: {  	_ =	swait.ge [sflag:s3], $0x2000  }
0xb3: {  	[sflag:s3] =	ssyncset.done $0x0  }
0xb4: {  	s16 =	simm.s32 $0x5080;
	[sflag:s3] =	ssyncadd.s32 $0xFFFFE000  }
0xb5: {  	[spmem:s1] =	stream.indirect.scatter.add.f32 [tilespmem:s24], [sflag:$0x8], $0x40, s16, s23, $0xb8;
	[tilespmem:$0x1FC40] =	vst v63  }
0xb6: {  	_ =	swait.ge [sflag:s19], $0x2000  }
0xb7: {  	[sflag:s19] =	ssyncset.done $0x0  }
0xb8: {  	s17 =	simm.s32 $0x5100;
	[sflag:s19] =	ssyncadd.s32 $0xFFFFE000  }
0xb9: {  	[spmem:s1] =	stream.indirect.scatter.add.f32 [tilespmem:s26], [sflag:$0x9], $0x40, s17, s23, $0xb8;
	[tilespmem:$0x1FC40] =	vst v63  }
0xba: {  	_ =	swait.ge [sflag:s20], $0x2000  }
0xbb: {  	[sflag:s20] =	ssyncset.done $0x0  }
0xbc: {  	s16 =	simm.s32 $0x5180;
	[sflag:s20] =	ssyncadd.s32 $0xFFFFE000  }
0xbd: {  	[spmem:s1] =	stream.indirect.scatter.add.f32 [tilespmem:s29], [sflag:$0xA], $0x40, s16, s23, $0xb8;
	[tilespmem:$0x1FC40] =	vst v63  }
0xbe: {  	_ =	swait.ge [sflag:s21], $0x2000  }
0xbf: {  	[sflag:s21] =	ssyncset.done $0x0  }
0xc0: {  	s17 =	simm.s32 $0x5200;
	[sflag:s21] =	ssyncadd.s32 $0xFFFFE000  }
0xc1: {  	[spmem:s1] =	stream.indirect.scatter.add.f32 [tilespmem:s31], [sflag:$0xB], $0x40, s17, s23, $0xb8;
	[tilespmem:$0x1FC40] =	vst v63  }
0xc2: {  	_ =	swait.ge [sflag:s25], $0x2000  }
0xc3: {  	[sflag:s25] =	ssyncset.done $0x0  }
0xc4: {  	s16 =	simm.s32 $0x5280;
	[sflag:s25] =	ssyncadd.s32 $0xFFFFE000  }
0xc5: {  	[spmem:s1] =	stream.indirect.scatter.add.f32 [tilespmem:s11], [sflag:$0xC], $0x40, s16, s23, $0xb8;
	[tilespmem:$0x1FC40] =	vst v63  }
0xc6: {  	_ =	swait.ge [sflag:s28], $0x2000  }
0xc7: {  	[sflag:s28] =	ssyncset.done $0x0  }
0xc8: {  	s17 =	simm.s32 $0x300;
	[sflag:s28] =	ssyncadd.s32 $0xFFFFE000  }
0xc9: {  	[tilespmem:s22], [sflag:$0x1] =	stream.indirect.gather [hbm4b:s5+s23], $0x40, s17, s23, $0xb8;
	[tilespmem:$0x1FC40] =	vst v63  }
0xca: {  	_ =	swait.ge [sflag:s30], $0x2000  }
0xcb: {  	[sflag:s30] =	ssyncset.done $0x0  }
0xcc: {  	s16 =	simm.s32 $0x380;
	[sflag:s30] =	ssyncadd.s32 $0xFFFFE000  }
0xcd: {  	[tilespmem:s24], [sflag:$0x2] =	stream.indirect.gather [hbm4b:s5+s23], $0x40, s16, s23, $0xb8;
	[tilespmem:$0x1FC40] =	vst v63  }
0xce: {  	_ =	swait.ge [sflag:s0], $0x2000  }
0xcf: {  	[sflag:s0] =	ssyncset.done $0x0  }
0xd0: {  	s17 =	simm.s32 $0x400;
	[sflag:s0] =	ssyncadd.s32 $0xFFFFE000  }
0xd1: {  	[tilespmem:s26], [sflag:$0x3] =	stream.indirect.gather [hbm4b:s5+s23], $0x40, s17, s23, $0xb8;
	[tilespmem:$0x1FC40] =	vst v63  }
0xd2: {  	_ =	swait.ge [sflag:s12], $0x2000  }
0xd3: {  	[sflag:s12] =	ssyncset.done $0x0  }
0xd4: {  	s16 =	simm.s32 $0x480;
	[sflag:s12] =	ssyncadd.s32 $0xFFFFE000  }
0xd5: {  	[tilespmem:s29], [sflag:$0x4] =	stream.indirect.gather [hbm4b:s5+s23], $0x40, s16, s23, $0xb8;
	[tilespmem:$0x1FC40] =	vst v63  }
0xd6: {  	_ =	swait.ge [sflag:s14], $0x2000  }
0xd7: {  	[sflag:s14] =	ssyncset.done $0x0  }
0xd8: {  	s17 =	simm.s32 $0x500;
	[sflag:s14] =	ssyncadd.s32 $0xFFFFE000  }
0xd9: {  	[tilespmem:s31], [sflag:$0x5] =	stream.indirect.gather [hbm4b:s5+s23], $0x40, s17, s23, $0xb8;
	[tilespmem:$0x1FC40] =	vst v63  }
0xda: {  	_ =	swait.ge [sflag:s9], $0x2000  }
0xdb: {  	[sflag:s9] =	ssyncset.done $0x0  }
0xdc: {  	s13 =	simm.s32 $0xC00;
	s16 =	simm.s32 $0x580;
	[sflag:s9] =	ssyncadd.s32 $0xFFFFE000  }
.LBB2_10:
0xdd: {  	[tilespmem:s11], [sflag:$0x6] =	stream.indirect.gather [hbm4b:s5+s23], $0x40, s16, s23, $0xb8;
	[tilespmem:$0x1FC40] =	vst v63  }
0xde: {  	s16 =	smov.u32 s13  }
0xdf: {  	p4 =	sne.s32 s13, $0x12000;
	s13 =	sadd.s32 $0xC00, s13;
	_ =	swait.ge [sflag:s15], $0x2000  }
0xe0: {  	s16 =	sshra.s32 s16, $0x2;
	[sflag:s15] =	ssyncset.done $0x0  }
0xe1: {  	s17 =	sadd.s32 $0x5000, s16;
	[sflag:s15] =	ssyncadd.s32 $0xFFFFE000  }
0xe2: {  	[spmem:s1] =	stream.indirect.scatter.add.f32 [tilespmem:s22], [sflag:$0x7], $0x40, s17, s23, $0xb8;
	[tilespmem:$0x1FC40] =	vst v63  }
0xe3: {  	_ =	swait.ge [sflag:s3], $0x2000  }
0xe4: {  	[sflag:s3] =	ssyncset.done $0x0  }
0xe5: {  	s17 =	sadd.s32 $0x5080, s16;
	[sflag:s3] =	ssyncadd.s32 $0xFFFFE000  }
0xe6: {  	[spmem:s1] =	stream.indirect.scatter.add.f32 [tilespmem:s24], [sflag:$0x8], $0x40, s17, s23, $0xb8;
	[tilespmem:$0x1FC40] =	vst v63  }
0xe7: {  	_ =	swait.ge [sflag:s19], $0x2000  }
0xe8: {  	[sflag:s19] =	ssyncset.done $0x0  }
0xe9: {  	s17 =	sadd.s32 $0x5100, s16;
	[sflag:s19] =	ssyncadd.s32 $0xFFFFE000  }
0xea: {  	[spmem:s1] =	stream.indirect.scatter.add.f32 [tilespmem:s26], [sflag:$0x9], $0x40, s17, s23, $0xb8;
	[tilespmem:$0x1FC40] =	vst v63  }
0xeb: {  	_ =	swait.ge [sflag:s20], $0x2000  }
0xec: {  	[sflag:s20] =	ssyncset.done $0x0  }
0xed: {  	s17 =	sadd.s32 $0x5180, s16;
	[sflag:s20] =	ssyncadd.s32 $0xFFFFE000  }
0xee: {  	[spmem:s1] =	stream.indirect.scatter.add.f32 [tilespmem:s29], [sflag:$0xA], $0x40, s17, s23, $0xb8;
	[tilespmem:$0x1FC40] =	vst v63  }
0xef: {  	_ =	swait.ge [sflag:s21], $0x2000  }
0xf0: {  	[sflag:s21] =	ssyncset.done $0x0  }
0xf1: {  	s17 =	sadd.s32 $0x5200, s16;
	[sflag:s21] =	ssyncadd.s32 $0xFFFFE000  }
0xf2: {  	[spmem:s1] =	stream.indirect.scatter.add.f32 [tilespmem:s31], [sflag:$0xB], $0x40, s17, s23, $0xb8;
	[tilespmem:$0x1FC40] =	vst v63  }
0xf3: {  	_ =	swait.ge [sflag:s25], $0x2000  }
0xf4: {  	[sflag:s25] =	ssyncset.done $0x0  }
0xf5: {  	s17 =	sadd.s32 $0x5280, s16;
	[sflag:s25] =	ssyncadd.s32 $0xFFFFE000  }
0xf6: {  	[spmem:s1] =	stream.indirect.scatter.add.f32 [tilespmem:s11], [sflag:$0xC], $0x40, s17, s23, $0xb8;
	[tilespmem:$0x1FC40] =	vst v63  }
0xf7: {  	_ =	swait.ge [sflag:s28], $0x2000  }
0xf8: {  	[sflag:s28] =	ssyncset.done $0x0  }
0xf9: {  	s17 =	sadd.s32 $0x300, s16;
	[sflag:s28] =	ssyncadd.s32 $0xFFFFE000  }
0xfa: {  	[tilespmem:s22], [sflag:$0x1] =	stream.indirect.gather [hbm4b:s5+s23], $0x40, s17, s23, $0xb8;
	[tilespmem:$0x1FC40] =	vst v63  }
0xfb: {  	_ =	swait.ge [sflag:s30], $0x2000  }
0xfc: {  	[sflag:s30] =	ssyncset.done $0x0  }
0xfd: {  	s17 =	sadd.s32 $0x380, s16;
	[sflag:s30] =	ssyncadd.s32 $0xFFFFE000  }
0xfe: {  	[tilespmem:s24], [sflag:$0x2] =	stream.indirect.gather [hbm4b:s5+s23], $0x40, s17, s23, $0xb8;
	[tilespmem:$0x1FC40] =	vst v63  }
0xff: {  	_ =	swait.ge [sflag:s0], $0x2000  }
0x100: {  	[sflag:s0] =	ssyncset.done $0x0  }
0x101: {  	s17 =	sadd.s32 $0x400, s16;
	[sflag:s0] =	ssyncadd.s32 $0xFFFFE000  }
0x102: {  	[tilespmem:s26], [sflag:$0x3] =	stream.indirect.gather [hbm4b:s5+s23], $0x40, s17, s23, $0xb8;
	[tilespmem:$0x1FC40] =	vst v63  }
0x103: {  	_ =	swait.ge [sflag:s12], $0x2000  }
0x104: {  	[sflag:s12] =	ssyncset.done $0x0  }
0x105: {  	s17 =	sadd.s32 $0x480, s16;
	[sflag:s12] =	ssyncadd.s32 $0xFFFFE000  }
0x106: {  	[tilespmem:s29], [sflag:$0x4] =	stream.indirect.gather [hbm4b:s5+s23], $0x40, s17, s23, $0xb8;
	[tilespmem:$0x1FC40] =	vst v63  }
0x107: {  	_ =	swait.ge [sflag:s14], $0x2000  }
0x108: {  	[sflag:s14] =	ssyncset.done $0x0  }
.Ltmp4:
0x109: {  	s17 =	sadd.s32 $0x500, s16;
	[sflag:s14] =	ssyncadd.s32 $0xFFFFE000;
	(pc) =	sbr.rel @p4 .LBB2_10-.Ltmp4, $4  }
0x10a: {  	[tilespmem:s31], [sflag:$0x5] =	stream.indirect.gather [hbm4b:s5+s23], $0x40, s17, s23, $0xb8;
	[tilespmem:$0x1FC40] =	vst v63  }
0x10b: {  	_ =	swait.ge [sflag:s9], $0x2000  }
0x10c: {  	[sflag:s9] =	ssyncset.done $0x0  }
0x10d: {  	s16 =	sadd.s32 $0x580, s16;
	[sflag:s9] =	ssyncadd.s32 $0xFFFFE000  }
0x10e: {  	[tilespmem:s11], [sflag:$0x6] =	stream.indirect.gather [hbm4b:s5+s23], $0x40, s16, s23, $0xb8;
	[tilespmem:$0x1FC40] =	vst v63  }
0x10f: {  	_ =	swait.ge [sflag:s15], $0x2000  }
0x110: {  	[sflag:s15] =	ssyncset.done $0x0  }
0x111: {  	s13 =	simm.s32 $0x9B00;
	[sflag:s15] =	ssyncadd.s32 $0xFFFFE000  }
0x112: {  	[spmem:s1] =	stream.indirect.scatter.add.f32 [tilespmem:s22], [sflag:$0x7], $0x40, s13, s23, $0xb8;
	[tilespmem:$0x1FC40] =	vst v63  }
0x113: {  	_ =	swait.ge [sflag:s3], $0x2000  }
0x114: {  	[sflag:s3] =	ssyncset.done $0x0  }
0x115: {  	s17 =	simm.s32 $0x9B80;
	[sflag:s3] =	ssyncadd.s32 $0xFFFFE000  }
0x116: {  	[spmem:s1] =	stream.indirect.scatter.add.f32 [tilespmem:s24], [sflag:$0x8], $0x40, s17, s23, $0xb8;
	[tilespmem:$0x1FC40] =	vst v63  }
0x117: {  	_ =	swait.ge [sflag:s19], $0x2000  }
0x118: {  	[sflag:s19] =	ssyncset.done $0x0  }
0x119: {  	s16 =	simm.s32 $0x9C00;
	[sflag:s19] =	ssyncadd.s32 $0xFFFFE000  }
0x11a: {  	[spmem:s1] =	stream.indirect.scatter.add.f32 [tilespmem:s26], [sflag:$0x9], $0x40, s16, s23, $0xb8;
	[tilespmem:$0x1FC40] =	vst v63  }
0x11b: {  	_ =	swait.ge [sflag:s20], $0x2000  }
0x11c: {  	[sflag:s20] =	ssyncset.done $0x0  }
0x11d: {  	s17 =	simm.s32 $0x9C80;
	[sflag:s20] =	ssyncadd.s32 $0xFFFFE000  }
0x11e: {  	[spmem:s1] =	stream.indirect.scatter.add.f32 [tilespmem:s29], [sflag:$0xA], $0x40, s17, s23, $0xb8;
	[tilespmem:$0x1FC40] =	vst v63  }
0x11f: {  	_ =	swait.ge [sflag:s21], $0x2000  }
0x120: {  	[sflag:s21] =	ssyncset.done $0x0  }
0x121: {  	s16 =	simm.s32 $0x9D00;
	[sflag:s21] =	ssyncadd.s32 $0xFFFFE000  }
0x122: {  	[spmem:s1] =	stream.indirect.scatter.add.f32 [tilespmem:s31], [sflag:$0xB], $0x40, s16, s23, $0xb8;
	[tilespmem:$0x1FC40] =	vst v63  }
0x123: {  	_ =	swait.ge [sflag:s25], $0x2000  }
0x124: {  	[sflag:s25] =	ssyncset.done $0x0  }
0x125: {  	s17 =	simm.s32 $0x9D80;
	[sflag:s25] =	ssyncadd.s32 $0xFFFFE000  }
0x126: {  	[spmem:s1] =	stream.indirect.scatter.add.f32 [tilespmem:s11], [sflag:$0xC], $0x40, s17, s23, $0xb8;
	[tilespmem:$0x1FC40] =	vst v63  }
0x127: {  	_ =	swait.ge [sflag:s28], $0x2000  }
0x128: {  	[sflag:s28] =	ssyncset.done $0x0  }
0x129: {  	[sflag:s28] =	ssyncadd.s32 $0xFFFFE000  }
0x12a: {  	_ =	swait.ge [sflag:s30], $0x2000  }
0x12b: {  	[sflag:s30] =	ssyncset.done $0x0  }
0x12c: {  	[sflag:s30] =	ssyncadd.s32 $0xFFFFE000  }
0x12d: {  	_ =	swait.ge [sflag:s0], $0x2000  }
0x12e: {  	[sflag:s0] =	ssyncset.done $0x0  }
0x12f: {  	[sflag:s0] =	ssyncadd.s32 $0xFFFFE000  }
0x130: {  	_ =	swait.ge [sflag:s12], $0x2000  }
0x131: {  	[sflag:s12] =	ssyncset.done $0x0  }
0x132: {  	[sflag:s12] =	ssyncadd.s32 $0xFFFFE000  }
0x133: {  	_ =	swait.ge [sflag:s14], $0x2000  }
.Ltmp5:
0x134: {  	[sflag:s14] =	ssyncset.done $0x0;
	(pc) =	sbr.rel @p1 .LBB2_7-.Ltmp5, $4  }
.Ltmp6:
0x135: {  	[sflag:s14] =	ssyncadd.s32 $0xFFFFE000;
	(pc) =	sbr.rel @!p1 .LBB2_12-.Ltmp6, $4  }
0x136: {  	_ =	swait.ge [sflag:s9], $0x2000  }
0x137: {  	[sflag:s9] =	ssyncset.done $0x0  }
0x138: {  	s13 =	smov.u32 s5;
	[sflag:s9] =	ssyncadd.s32 $0xFFFFE000  }
0x139: {  	_ = 	snop  }
.LBB2_4:
0x13a: {  	[tilespmem:s22], [sflag:$0x1] =	stream.indirect.gather [hbm4b:s4+s23], $0x40, s13, s23, $0xb8;
	[tilespmem:$0x1FC40] =	vst v63  }
0x13b: {  	_ = 	snop  }
0x13c: {  	[tilespmem:s24], [sflag:$0x2] =	stream.indirect.gather [hbm4b:s4+s23], $0x40, s23, s23, $0xb8;
	[tilespmem:$0x1FC40] =	vst v63  }
0x13d: {  	s17 =	simm.s32 $0x100  }
0x13e: {  	[tilespmem:s26], [sflag:$0x3] =	stream.indirect.gather [hbm4b:s4+s23], $0x40, s17, s23, $0xb8;
	[tilespmem:$0x1FC40] =	vst v63  }
0x13f: {  	s16 =	simm.s32 $0x180  }
0x140: {  	[tilespmem:s29], [sflag:$0x4] =	stream.indirect.gather [hbm4b:s4+s23], $0x40, s16, s23, $0xb8;
	[tilespmem:$0x1FC40] =	vst v63  }
0x141: {  	s17 =	simm.s32 $0x200  }
0x142: {  	[tilespmem:s31], [sflag:$0x5] =	stream.indirect.gather [hbm4b:s4+s23], $0x40, s17, s23, $0xb8;
	[tilespmem:$0x1FC40] =	vst v63  }
0x143: {  	s16 =	simm.s32 $0x280  }
0x144: {  	[tilespmem:s11], [sflag:$0x6] =	stream.indirect.gather [hbm4b:s4+s23], $0x40, s16, s23, $0xb8;
	[tilespmem:$0x1FC40] =	vst v63  }
0x145: {  	_ =	swait.ge [sflag:s15], $0x2000  }
0x146: {  	[sflag:s15] =	ssyncset.done $0x0  }
0x147: {  	s17 =	simm.s32 $0x5000;
	[sflag:s15] =	ssyncadd.s32 $0xFFFFE000  }
0x148: {  	[spmem:s1] =	stream.indirect.scatter.add.f32 [tilespmem:s22], [sflag:$0x7], $0x40, s17, s23, $0xb8;
	[tilespmem:$0x1FC40] =	vst v63  }
0x149: {  	_ =	swait.ge [sflag:s3], $0x2000  }
0x14a: {  	[sflag:s3] =	ssyncset.done $0x0  }
0x14b: {  	s16 =	simm.s32 $0x5080;
	[sflag:s3] =	ssyncadd.s32 $0xFFFFE000  }
0x14c: {  	[spmem:s1] =	stream.indirect.scatter.add.f32 [tilespmem:s24], [sflag:$0x8], $0x40, s16, s23, $0xb8;
	[tilespmem:$0x1FC40] =	vst v63  }
0x14d: {  	_ =	swait.ge [sflag:s19], $0x2000  }
0x14e: {  	[sflag:s19] =	ssyncset.done $0x0  }
0x14f: {  	s17 =	simm.s32 $0x5100;
	[sflag:s19] =	ssyncadd.s32 $0xFFFFE000  }
0x150: {  	[spmem:s1] =	stream.indirect.scatter.add.f32 [tilespmem:s26], [sflag:$0x9], $0x40, s17, s23, $0xb8;
	[tilespmem:$0x1FC40] =	vst v63  }
0x151: {  	_ =	swait.ge [sflag:s20], $0x2000  }
0x152: {  	[sflag:s20] =	ssyncset.done $0x0  }
0x153: {  	s16 =	simm.s32 $0x5180;
	[sflag:s20] =	ssyncadd.s32 $0xFFFFE000  }
0x154: {  	[spmem:s1] =	stream.indirect.scatter.add.f32 [tilespmem:s29], [sflag:$0xA], $0x40, s16, s23, $0xb8;
	[tilespmem:$0x1FC40] =	vst v63  }
0x155: {  	_ =	swait.ge [sflag:s21], $0x2000  }
0x156: {  	[sflag:s21] =	ssyncset.done $0x0  }
0x157: {  	s17 =	simm.s32 $0x5200;
	[sflag:s21] =	ssyncadd.s32 $0xFFFFE000  }
0x158: {  	[spmem:s1] =	stream.indirect.scatter.add.f32 [tilespmem:s31], [sflag:$0xB], $0x40, s17, s23, $0xb8;
	[tilespmem:$0x1FC40] =	vst v63  }
0x159: {  	_ =	swait.ge [sflag:s25], $0x2000  }
0x15a: {  	[sflag:s25] =	ssyncset.done $0x0  }
0x15b: {  	s16 =	simm.s32 $0x5280;
	[sflag:s25] =	ssyncadd.s32 $0xFFFFE000  }
0x15c: {  	[spmem:s1] =	stream.indirect.scatter.add.f32 [tilespmem:s11], [sflag:$0xC], $0x40, s16, s23, $0xb8;
	[tilespmem:$0x1FC40] =	vst v63  }
0x15d: {  	_ =	swait.ge [sflag:s28], $0x2000  }
0x15e: {  	[sflag:s28] =	ssyncset.done $0x0  }
0x15f: {  	s17 =	simm.s32 $0x300;
	[sflag:s28] =	ssyncadd.s32 $0xFFFFE000  }
0x160: {  	[tilespmem:s22], [sflag:$0x1] =	stream.indirect.gather [hbm4b:s4+s23], $0x40, s17, s23, $0xb8;
	[tilespmem:$0x1FC40] =	vst v63  }
0x161: {  	_ =	swait.ge [sflag:s30], $0x2000  }
0x162: {  	[sflag:s30] =	ssyncset.done $0x0  }
0x163: {  	s16 =	simm.s32 $0x380;
	[sflag:s30] =	ssyncadd.s32 $0xFFFFE000  }
0x164: {  	[tilespmem:s24], [sflag:$0x2] =	stream.indirect.gather [hbm4b:s4+s23], $0x40, s16, s23, $0xb8;
	[tilespmem:$0x1FC40] =	vst v63  }
0x165: {  	_ =	swait.ge [sflag:s0], $0x2000  }
0x166: {  	[sflag:s0] =	ssyncset.done $0x0  }
0x167: {  	s17 =	simm.s32 $0x400;
	[sflag:s0] =	ssyncadd.s32 $0xFFFFE000  }
0x168: {  	[tilespmem:s26], [sflag:$0x3] =	stream.indirect.gather [hbm4b:s4+s23], $0x40, s17, s23, $0xb8;
	[tilespmem:$0x1FC40] =	vst v63  }
0x169: {  	_ =	swait.ge [sflag:s12], $0x2000  }
0x16a: {  	[sflag:s12] =	ssyncset.done $0x0  }
0x16b: {  	s16 =	simm.s32 $0x480;
	[sflag:s12] =	ssyncadd.s32 $0xFFFFE000  }
0x16c: {  	[tilespmem:s29], [sflag:$0x4] =	stream.indirect.gather [hbm4b:s4+s23], $0x40, s16, s23, $0xb8;
	[tilespmem:$0x1FC40] =	vst v63  }
0x16d: {  	_ =	swait.ge [sflag:s14], $0x2000  }
0x16e: {  	[sflag:s14] =	ssyncset.done $0x0  }
0x16f: {  	s17 =	simm.s32 $0x500;
	[sflag:s14] =	ssyncadd.s32 $0xFFFFE000  }
0x170: {  	[tilespmem:s31], [sflag:$0x5] =	stream.indirect.gather [hbm4b:s4+s23], $0x40, s17, s23, $0xb8;
	[tilespmem:$0x1FC40] =	vst v63  }
0x171: {  	_ =	swait.ge [sflag:s9], $0x2000  }
0x172: {  	[sflag:s9] =	ssyncset.done $0x0  }
0x173: {  	s13 =	simm.s32 $0xC00;
	s16 =	simm.s32 $0x580;
	[sflag:s9] =	ssyncadd.s32 $0xFFFFE000  }
.LBB2_5:
0x174: {  	[tilespmem:s11], [sflag:$0x6] =	stream.indirect.gather [hbm4b:s4+s23], $0x40, s16, s23, $0xb8;
	[tilespmem:$0x1FC40] =	vst v63  }
0x175: {  	s16 =	smov.u32 s13  }
0x176: {  	p4 =	sne.s32 s13, $0x12000;
	s13 =	sadd.s32 $0xC00, s13;
	_ =	swait.ge [sflag:s15], $0x2000  }
0x177: {  	s16 =	sshra.s32 s16, $0x2;
	[sflag:s15] =	ssyncset.done $0x0  }
0x178: {  	s17 =	sadd.s32 $0x5000, s16;
	[sflag:s15] =	ssyncadd.s32 $0xFFFFE000  }
0x179: {  	[spmem:s1] =	stream.indirect.scatter.add.f32 [tilespmem:s22], [sflag:$0x7], $0x40, s17, s23, $0xb8;
	[tilespmem:$0x1FC40] =	vst v63  }
0x17a: {  	_ =	swait.ge [sflag:s3], $0x2000  }
0x17b: {  	[sflag:s3] =	ssyncset.done $0x0  }
0x17c: {  	s17 =	sadd.s32 $0x5080, s16;
	[sflag:s3] =	ssyncadd.s32 $0xFFFFE000  }
0x17d: {  	[spmem:s1] =	stream.indirect.scatter.add.f32 [tilespmem:s24], [sflag:$0x8], $0x40, s17, s23, $0xb8;
	[tilespmem:$0x1FC40] =	vst v63  }
0x17e: {  	_ =	swait.ge [sflag:s19], $0x2000  }
0x17f: {  	[sflag:s19] =	ssyncset.done $0x0  }
0x180: {  	s17 =	sadd.s32 $0x5100, s16;
	[sflag:s19] =	ssyncadd.s32 $0xFFFFE000  }
0x181: {  	[spmem:s1] =	stream.indirect.scatter.add.f32 [tilespmem:s26], [sflag:$0x9], $0x40, s17, s23, $0xb8;
	[tilespmem:$0x1FC40] =	vst v63  }
0x182: {  	_ =	swait.ge [sflag:s20], $0x2000  }
0x183: {  	[sflag:s20] =	ssyncset.done $0x0  }
0x184: {  	s17 =	sadd.s32 $0x5180, s16;
	[sflag:s20] =	ssyncadd.s32 $0xFFFFE000  }
0x185: {  	[spmem:s1] =	stream.indirect.scatter.add.f32 [tilespmem:s29], [sflag:$0xA], $0x40, s17, s23, $0xb8;
	[tilespmem:$0x1FC40] =	vst v63  }
0x186: {  	_ =	swait.ge [sflag:s21], $0x2000  }
0x187: {  	[sflag:s21] =	ssyncset.done $0x0  }
0x188: {  	s17 =	sadd.s32 $0x5200, s16;
	[sflag:s21] =	ssyncadd.s32 $0xFFFFE000  }
0x189: {  	[spmem:s1] =	stream.indirect.scatter.add.f32 [tilespmem:s31], [sflag:$0xB], $0x40, s17, s23, $0xb8;
	[tilespmem:$0x1FC40] =	vst v63  }
0x18a: {  	_ =	swait.ge [sflag:s25], $0x2000  }
0x18b: {  	[sflag:s25] =	ssyncset.done $0x0  }
0x18c: {  	s17 =	sadd.s32 $0x5280, s16;
	[sflag:s25] =	ssyncadd.s32 $0xFFFFE000  }
0x18d: {  	[spmem:s1] =	stream.indirect.scatter.add.f32 [tilespmem:s11], [sflag:$0xC], $0x40, s17, s23, $0xb8;
	[tilespmem:$0x1FC40] =	vst v63  }
0x18e: {  	_ =	swait.ge [sflag:s28], $0x2000  }
0x18f: {  	[sflag:s28] =	ssyncset.done $0x0  }
0x190: {  	s17 =	sadd.s32 $0x300, s16;
	[sflag:s28] =	ssyncadd.s32 $0xFFFFE000  }
0x191: {  	[tilespmem:s22], [sflag:$0x1] =	stream.indirect.gather [hbm4b:s4+s23], $0x40, s17, s23, $0xb8;
	[tilespmem:$0x1FC40] =	vst v63  }
0x192: {  	_ =	swait.ge [sflag:s30], $0x2000  }
0x193: {  	[sflag:s30] =	ssyncset.done $0x0  }
0x194: {  	s17 =	sadd.s32 $0x380, s16;
	[sflag:s30] =	ssyncadd.s32 $0xFFFFE000  }
0x195: {  	[tilespmem:s24], [sflag:$0x2] =	stream.indirect.gather [hbm4b:s4+s23], $0x40, s17, s23, $0xb8;
	[tilespmem:$0x1FC40] =	vst v63  }
0x196: {  	_ =	swait.ge [sflag:s0], $0x2000  }
0x197: {  	[sflag:s0] =	ssyncset.done $0x0  }
0x198: {  	s17 =	sadd.s32 $0x400, s16;
	[sflag:s0] =	ssyncadd.s32 $0xFFFFE000  }
0x199: {  	[tilespmem:s26], [sflag:$0x3] =	stream.indirect.gather [hbm4b:s4+s23], $0x40, s17, s23, $0xb8;
	[tilespmem:$0x1FC40] =	vst v63  }
0x19a: {  	_ =	swait.ge [sflag:s12], $0x2000  }
0x19b: {  	[sflag:s12] =	ssyncset.done $0x0  }
0x19c: {  	s17 =	sadd.s32 $0x480, s16;
	[sflag:s12] =	ssyncadd.s32 $0xFFFFE000  }
0x19d: {  	[tilespmem:s29], [sflag:$0x4] =	stream.indirect.gather [hbm4b:s4+s23], $0x40, s17, s23, $0xb8;
	[tilespmem:$0x1FC40] =	vst v63  }
0x19e: {  	_ =	swait.ge [sflag:s14], $0x2000  }
0x19f: {  	[sflag:s14] =	ssyncset.done $0x0  }
.Ltmp7:
0x1a0: {  	s17 =	sadd.s32 $0x500, s16;
	[sflag:s14] =	ssyncadd.s32 $0xFFFFE000;
	(pc) =	sbr.rel @p4 .LBB2_5-.Ltmp7, $4  }
0x1a1: {  	[tilespmem:s31], [sflag:$0x5] =	stream.indirect.gather [hbm4b:s4+s23], $0x40, s17, s23, $0xb8;
	[tilespmem:$0x1FC40] =	vst v63  }
0x1a2: {  	_ =	swait.ge [sflag:s9], $0x2000  }
0x1a3: {  	[sflag:s9] =	ssyncset.done $0x0  }
0x1a4: {  	s16 =	sadd.s32 $0x580, s16;
	[sflag:s9] =	ssyncadd.s32 $0xFFFFE000  }
0x1a5: {  	[tilespmem:s11], [sflag:$0x6] =	stream.indirect.gather [hbm4b:s4+s23], $0x40, s16, s23, $0xb8;
	[tilespmem:$0x1FC40] =	vst v63  }
0x1a6: {  	_ =	swait.ge [sflag:s15], $0x2000  }
0x1a7: {  	[sflag:s15] =	ssyncset.done $0x0  }
0x1a8: {  	s13 =	simm.s32 $0x9B00;
	[sflag:s15] =	ssyncadd.s32 $0xFFFFE000  }
0x1a9: {  	[spmem:s1] =	stream.indirect.scatter.add.f32 [tilespmem:s22], [sflag:$0x7], $0x40, s13, s23, $0xb8;
	[tilespmem:$0x1FC40] =	vst v63  }
0x1aa: {  	_ =	swait.ge [sflag:s3], $0x2000  }
0x1ab: {  	[sflag:s3] =	ssyncset.done $0x0  }
0x1ac: {  	s17 =	simm.s32 $0x9B80;
	[sflag:s3] =	ssyncadd.s32 $0xFFFFE000  }
0x1ad: {  	[spmem:s1] =	stream.indirect.scatter.add.f32 [tilespmem:s24], [sflag:$0x8], $0x40, s17, s23, $0xb8;
	[tilespmem:$0x1FC40] =	vst v63  }
0x1ae: {  	_ =	swait.ge [sflag:s19], $0x2000  }
0x1af: {  	[sflag:s19] =	ssyncset.done $0x0  }
0x1b0: {  	s16 =	simm.s32 $0x9C00;
	[sflag:s19] =	ssyncadd.s32 $0xFFFFE000  }
0x1b1: {  	[spmem:s1] =	stream.indirect.scatter.add.f32 [tilespmem:s26], [sflag:$0x9], $0x40, s16, s23, $0xb8;
	[tilespmem:$0x1FC40] =	vst v63  }
0x1b2: {  	_ =	swait.ge [sflag:s20], $0x2000  }
0x1b3: {  	[sflag:s20] =	ssyncset.done $0x0  }
0x1b4: {  	s17 =	simm.s32 $0x9C80;
	[sflag:s20] =	ssyncadd.s32 $0xFFFFE000  }
0x1b5: {  	[spmem:s1] =	stream.indirect.scatter.add.f32 [tilespmem:s29], [sflag:$0xA], $0x40, s17, s23, $0xb8;
	[tilespmem:$0x1FC40] =	vst v63  }
0x1b6: {  	_ =	swait.ge [sflag:s21], $0x2000  }
0x1b7: {  	[sflag:s21] =	ssyncset.done $0x0  }
0x1b8: {  	s16 =	simm.s32 $0x9D00;
	[sflag:s21] =	ssyncadd.s32 $0xFFFFE000  }
0x1b9: {  	[spmem:s1] =	stream.indirect.scatter.add.f32 [tilespmem:s31], [sflag:$0xB], $0x40, s16, s23, $0xb8;
	[tilespmem:$0x1FC40] =	vst v63  }
0x1ba: {  	_ =	swait.ge [sflag:s25], $0x2000  }
0x1bb: {  	[sflag:s25] =	ssyncset.done $0x0  }
0x1bc: {  	s17 =	simm.s32 $0x9D80;
	[sflag:s25] =	ssyncadd.s32 $0xFFFFE000  }
0x1bd: {  	[spmem:s1] =	stream.indirect.scatter.add.f32 [tilespmem:s11], [sflag:$0xC], $0x40, s17, s23, $0xb8;
	[tilespmem:$0x1FC40] =	vst v63  }
0x1be: {  	_ =	swait.ge [sflag:s28], $0x2000  }
0x1bf: {  	[sflag:s28] =	ssyncset.done $0x0  }
0x1c0: {  	[sflag:s28] =	ssyncadd.s32 $0xFFFFE000  }
0x1c1: {  	_ =	swait.ge [sflag:s30], $0x2000  }
0x1c2: {  	[sflag:s30] =	ssyncset.done $0x0  }
0x1c3: {  	[sflag:s30] =	ssyncadd.s32 $0xFFFFE000  }
0x1c4: {  	_ =	swait.ge [sflag:s0], $0x2000  }
0x1c5: {  	[sflag:s0] =	ssyncset.done $0x0  }
0x1c6: {  	[sflag:s0] =	ssyncadd.s32 $0xFFFFE000  }
0x1c7: {  	_ =	swait.ge [sflag:s12], $0x2000  }
0x1c8: {  	[sflag:s12] =	ssyncset.done $0x0  }
0x1c9: {  	[sflag:s12] =	ssyncadd.s32 $0xFFFFE000  }
0x1ca: {  	_ =	swait.ge [sflag:s14], $0x2000  }
.Ltmp8:
0x1cb: {  	[sflag:s14] =	ssyncset.done $0x0;
	(pc) =	sbr.rel @p3 .LBB2_12-.Ltmp8, $4  }
0x1cc: {  	[sflag:s14] =	ssyncadd.s32 $0xFFFFE000  }
0x1cd: {  	_ =	swait.ge [sflag:s9], $0x2000  }
0x1ce: {  	[sflag:s9] =	ssyncset.done $0x0  }
0x1cf: {  	s13 =	smov.u32 s4;
	[sflag:s9] =	ssyncadd.s32 $0xFFFFE000  }
.LBB2_7:
.Ltmp9:
0x1d0: {  	(pc) =	sbr.rel @!p2 .LBB2_13-.Ltmp9, $2  }
0x1d1: {  	_ =	sdelay $0x1  }
0x1d2: {  	[bflag:$0x0] =	sbarrier.arrive $0xFFFF;
	_ =	sdelay $0x1  }
0x1d3: {  	s13 =	rddreg [dreg:$0x6]  }
.Ltmp10:
0x1d4: {  	s16 =	rddreg [dreg:$0xa];
	s17 =	simm.s32 $0x1FCD;
	(pc) =	sbr.rel .LBB2_14-.Ltmp10, $4  }
0x1d5: {  	[hbm:s13], [sflag:s17] =	dma.local [spmem:s16], $0x1400  }
0x1d6: {  	_ =	swait.ge [sflag:s18], $0x1400  }
0x1d7: {  	[sflag:s18] =	ssyncset.done $0x0  }
0x1d8: {  	[sflag:s18] =	ssyncadd.s32 $0xFFFFEC00  }
.LBB2_15:
0x1d9: {  	_ =	sfence.sel $0x180000  }
0x1da: {  	[bflag:$0x0] =	sbarrier.arrive $0xFFFF  }
0x1db: {  	_ =	strace $0x9000004A  }
0x1dc: {  	s0 =	stileid.u32;
	[bflag:$0x2] =	sbarrier.arrive $0xFFFF  }
0x1dd: {  	p0 =	sne.s32 s0, $0x0;
	s0 =	rddreg [dreg:$0x3]  }
0x1de: {  	s0 =	sadd.s32 @!p0 $0x100000, s0  }
0x1df: {  	[sflag:s0] =	ssyncadd.tile.s32 @!p0 $0x1;
	_ =	shalt  }
.Lfunc_end2:
_tile_overlayer_lowered:
.L_overlay_start_2:
0x1e0: {  	(tag) =	ssettag $0x2  }
0x1e1: {  	s0 =	rddreg [dreg:$0x0];
	s2 =	stileid.u32  }
0x1e2: {  	s1 =	rddreg [dreg:$0x1];
	p0 =	sne.s32 s2, $0x0  }
0x1e3: {  	s3 =	rddreg [dreg:$0x2];
	[bflag:$0x3] =	sbarrier.arrive $0xFFFF;
	s2 =	simm.s32 @!p0 $0x1C0D  }
0x1e4: {  	[timem:s3], [sflag:s2] =	dma.local @!p0 [hbm:s0], s1  }
0x1e5: {  	s0 =	simm.s32 @!p0 $0xD  }
0x1e6: {  	_ =	swait.ge @!p0 [sflag:s0], s1  }
0x1e7: {  	s1 =	ssub.s32 @!p0 $0x0, s1;
	[sflag:s0] =	ssyncset.done @!p0 $0x0  }
0x1e8: {  	[sflag:s0] =	ssyncadd.s32 @!p0 s1  }
0x1e9: {  	[bflag:$0x3] =	sbarrier.arrive $0xFFFF  }
0x1ea: {  	_ =	shalt  }

</sc_bundles>
